<compile_context>
chip_gen: v7x
topology: tpu7x:2x2x1
jax: 0.10.2.dev20260603
libtpu: 0.0.44.dev20260713+nightly
codegen_flags: <defaults>
</compile_context>

<pallas_src>
import jax
import jax.numpy as jnp
from jax import lax
from jax.experimental import pallas as pl
from jax.experimental.pallas import tpu as pltpu
from jax.experimental.pallas import tpu_sc as plsc

_B = 16384
_D = 128
_NC = 2
_NS = 16
_NW = _NC * _NS
_BPW = _B // _NW
_CH = _BPW // 128
_EPS = 1e-5

_BLK = 4096
_NBLK = _B // _BLK



def _chunk_stats(rows, j, sums, sqs):
    def body(r, carry):
        out = []
        for c in range(_D // 16):
            v = rows[j * 128 + r, pl.ds(c * 16, 16)]
            out.append(carry[c] + v)
            out.append(carry[_D // 16 + c] + v * v)
        return tuple(out[::2]) + tuple(out[1::2])

    carry = lax.fori_loop(0, 128, body, tuple(sums) + tuple(sqs))
    return list(carry[:_D // 16]), list(carry[_D // 16:])


def _sc_gather_body(uidx_hbm, midx_hbm, uemb_hbm, memb_hbm, ubias_hbm,
                    mbias_hbm, ue_out, me_out, ub_out, mb_out, st_out,
                    idx_u, idx_m, rows, brows_u, brows_m, st_v,
                    sem_g, sem_w, sem_b):
    wid = lax.axis_index("s") * _NC + lax.axis_index("c")
    base = wid * _BPW
    pltpu.sync_copy(uidx_hbm.at[wid], idx_u)
    pltpu.sync_copy(midx_hbm.at[wid], idx_m)
    hb = []
    for j in range(_CH):
        hb.append(pltpu.async_copy(ubias_hbm.at[idx_u.at[j]],
                                   brows_u.at[pl.ds(j * 128, 128)], sem_b))
        hb.append(pltpu.async_copy(mbias_hbm.at[idx_m.at[j]],
                                   brows_m.at[pl.ds(j * 128, 128)], sem_b))
    zeros = [jnp.zeros((16,), jnp.float32)] * (_D // 16)
    hg = [pltpu.async_copy(uemb_hbm.at[idx_u.at[j]],
                           rows.at[pl.ds(j * 128, 128)], sem_g.at[j])
          for j in range(_CH)]
    hw = []
    su, qu = zeros, zeros
    for j in range(_CH):
        hg[j].wait()
        hw.append(pltpu.async_copy(
            rows.at[pl.ds(j * 128, 128)],
            ue_out.at[pl.ds(base + j * 128, 128)], sem_w.at[j]))
        su, qu = _chunk_stats(rows, j, su, qu)
        hw[j].wait()
        hg.append(pltpu.async_copy(memb_hbm.at[idx_m.at[j]],
                                   rows.at[pl.ds(j * 128, 128)], sem_g.at[j]))
    sm, qm = zeros, zeros
    for j in range(_CH):
        hg[_CH + j].wait()
        hw.append(pltpu.async_copy(
            rows.at[pl.ds(j * 128, 128)],
            me_out.at[pl.ds(base + j * 128, 128)], sem_w.at[j]))
        sm, qm = _chunk_stats(rows, j, sm, qm)
    for c in range(_D // 16):
        st_v[0, pl.ds(c * 16, 16)] = su[c]
        st_v[1, pl.ds(c * 16, 16)] = qu[c]
        st_v[2, pl.ds(c * 16, 16)] = sm[c]
        st_v[3, pl.ds(c * 16, 16)] = qm[c]
    pltpu.sync_copy(st_v, st_out.at[wid])
    for h in hb:
        h.wait()
    pltpu.sync_copy(brows_u, ub_out.at[pl.ds(base, _BPW)])
    pltpu.sync_copy(brows_m, mb_out.at[pl.ds(base, _BPW)])
    for j in range(_CH):
        hw[_CH + j].wait()


def _sc_gather(uidx, midx, uemb, memb, ubias, mbias):
    mesh = plsc.VectorSubcoreMesh(core_axis_name="c", subcore_axis_name="s")
    fn = pl.kernel(
        _sc_gather_body,
        mesh=mesh,
        out_type=(
            jax.ShapeDtypeStruct((_B, _D), jnp.float32),
            jax.ShapeDtypeStruct((_B, _D), jnp.float32),
            jax.ShapeDtypeStruct((_B,), jnp.float32),
            jax.ShapeDtypeStruct((_B,), jnp.float32),
            jax.ShapeDtypeStruct((_NW, 4, _D), jnp.float32),
        ),
        scratch_types=[
            pltpu.VMEM((_CH, 128), jnp.int32),
            pltpu.VMEM((_CH, 128), jnp.int32),
            pltpu.VMEM((_BPW, _D), jnp.float32),
            pltpu.VMEM((_BPW,), jnp.float32),
            pltpu.VMEM((_BPW,), jnp.float32),
            pltpu.VMEM((4, _D), jnp.float32),
            pltpu.SemaphoreType.DMA((_CH,)),
            pltpu.SemaphoreType.DMA((_CH,)),
            pltpu.SemaphoreType.DMA,
        ],
    )
    return fn(uidx, midx, uemb, memb, ubias, mbias)



def _affine(s_sum, s_sq, g, be):
    mu = s_sum * (1.0 / _B)
    var = s_sq * (1.0 / _B) - mu * mu
    a = g * lax.rsqrt(var + _EPS)
    return a, be - mu * a


def _colstats(y, ones_row):
    s = jnp.dot(ones_row, y, preferred_element_type=jnp.float32)
    sq = jnp.dot(ones_row, y * y, preferred_element_type=jnp.float32)
    return jnp.concatenate([s, sq], axis=0)


def _acc(ref, i, val):
    @pl.when(i == 0)
    def _():
        ref[...] = val

    @pl.when(i > 0)
    def _():
        ref[...] += val


def _dott(x, w):
    return lax.dot_general(x, w, dimension_numbers=(((1,), (1,)), ((), ())),
                           preferred_element_type=jnp.float32)


def _fused_body(ue_ref, me_ref, st0_ref, gu_ref, bu_ref, gm_ref, bm_ref,
                w1_ref, b1_ref, wr_ref, gb_ref, br_ref, ub_ref, mb_ref,
                g1_ref, be1_ref, w2_ref, b2_ref,
                g2_ref, be2_ref, w3_ref, b3_ref,
                g3_ref, be3_ref, wf_ref, bf_ref,
                out_ref,
                y_s, res_s,
                s1_s, s2_s, s3_s):
    p = pl.program_id(0)
    i = pl.program_id(1)
    rows = pl.ds(i * _BLK, _BLK)
    ones_row = jnp.ones((1, _BLK), jnp.float32)

    @pl.when(p == 0)
    def _phase1():
        s0 = jnp.sum(st0_ref[...], axis=0)
        au, cu = _affine(s0[0], s0[1], gu_ref[...], bu_ref[...])
        am, cm = _affine(s0[2], s0[3], gm_ref[...], bm_ref[...])
        comb = jnp.concatenate([ue_ref[...] * au + cu,
                                me_ref[...] * am + cm], axis=1)
        y1 = _dott(comb, w1_ref[...]) + b1_ref[...]
        y_s[rows, :] = y1
        res_s[rows] = (jnp.sum(comb * wr_ref[...], axis=1)
                       + gb_ref[0] + br_ref[0] + ub_ref[...] + mb_ref[...])
        sq = jnp.dot(ones_row, y1 * y1, preferred_element_type=jnp.float32)

        @pl.when(i == 0)
        def _():
            cs = jnp.concatenate([au * s0[0] + _B * cu,
                                  am * s0[2] + _B * cm])
            s1_s[0, :] = _dott(cs[None, :], w1_ref[...])[0] + _B * b1_ref[...]
            s1_s[1, :] = sq[0]

        @pl.when(i > 0)
        def _():
            s1_s[1, :] += sq[0]

    @pl.when(p == 1)
    def _phase2():
        s1 = s1_s[...]
        a, c = _affine(s1[0], s1[1], g1_ref[...], be1_ref[...])
        x = jnp.maximum(y_s[rows, :] * a + c, 0.0)
        y_s[rows, 0:256] = _dott(x, w2_ref[...]) + b2_ref[...]
        _acc(s2_s, i, _colstats(y_s[rows, 0:256], ones_row))

    @pl.when(p == 2)
    def _phase3():
        s2 = s2_s[...]
        a, c = _affine(s2[0], s2[1], g2_ref[...], be2_ref[...])
        x = jnp.maximum(y_s[rows, 0:256] * a + c, 0.0)
        y_s[rows, 0:128] = _dott(x, w3_ref[...]) + b3_ref[...]
        _acc(s3_s, i, _colstats(y_s[rows, 0:128], ones_row))

    @pl.when(p == 3)
    def _phase4():
        s3 = s3_s[...]
        a, c = _affine(s3[0], s3[1], g3_ref[...], be3_ref[...])
        x = jnp.maximum(y_s[rows, 0:128] * a + c, 0.0)
        out_ref[...] = (jnp.sum(x * wf_ref[...], axis=1)
                        + bf_ref[0] + res_s[rows])


def _emb_spec():
    return pl.BlockSpec((_BLK, _D), lambda p, i: (jnp.where(p == 0, i, 0), 0))


def _bias_spec():
    return pl.BlockSpec((_BLK,), lambda p, i: (jnp.where(p == 0, i, 0),))


def _full_spec(shape):
    nd = len(shape)
    return pl.BlockSpec(shape, lambda p, i: (0,) * nd)


def kernel(users, movies, user_emb, movie_emb, user_bias_t, movie_bias_t,
           global_bias, gu, bu, gm, bm, W1, b1, g1, be1, W2, b2, g2, be2,
           W3, b3, g3, be3, Wf, bf, Wr, br):
    uidx = users.astype(jnp.int32).reshape(_NW, _CH, 128)
    midx = movies.astype(jnp.int32).reshape(_NW, _CH, 128)
    ue, me, ubg, mbg, st0 = _sc_gather(uidx, midx, user_emb, movie_emb,
                                       user_bias_t.reshape(-1),
                                       movie_bias_t.reshape(-1))

    f32 = jnp.float32
    out = pl.pallas_call(
        _fused_body,
        grid=(4, _NBLK),
        in_specs=[_emb_spec(), _emb_spec(),
                  _full_spec((_NW, 4, _D)),
                  _full_spec((_D,)), _full_spec((_D,)),
                  _full_spec((_D,)), _full_spec((_D,)),
                  _full_spec((512, 2 * _D)), _full_spec((512,)),
                  _full_spec((1, 2 * _D)), _full_spec((1,)), _full_spec((1,)),
                  _bias_spec(), _bias_spec(),
                  _full_spec((512,)), _full_spec((512,)),
                  _full_spec((256, 512)), _full_spec((256,)),
                  _full_spec((256,)), _full_spec((256,)),
                  _full_spec((_D, 256)), _full_spec((_D,)),
                  _full_spec((_D,)), _full_spec((_D,)),
                  _full_spec((1, _D)), _full_spec((1,))],
        out_specs=pl.BlockSpec((_BLK,),
                               lambda p, i: (jnp.where(p == 3, i, 0),)),
        out_shape=jax.ShapeDtypeStruct((_B,), f32),
        scratch_shapes=[
            pltpu.VMEM((_B, 512), f32),
            pltpu.VMEM((_B,), f32),
            pltpu.VMEM((2, 512), f32),
            pltpu.VMEM((2, 256), f32),
            pltpu.VMEM((2, _D), f32),
        ],
        compiler_params=pltpu.CompilerParams(
            vmem_limit_bytes=110 * 1024 * 1024,
        ),
    )(ue, me, st0, gu, bu, gm, bm, W1, b1, Wr, global_bias, br, ubg, mbg,
      g1, be1, W2, b2, g2, be2, W3, b3, g3, be3, Wf, bf)

    return out

# --- scband reference (transcript-rebuilt; emitter-appended) ---
"""Pipeline reference for scband-improved-recommendation-model-73684458930389 (READ-ONLY COPY).

The authoritative reference and input builder live on the scoring server;
editing this copy changes nothing except your own understanding.
"""

import jax, jax.numpy as jnp
import numpy as np

NU = 100000
NM = 100000
B = 16384
D = 128
HID = [512, 256, 128]

def _bn(x, gamma, beta, eps=1e-5):
    mu = jnp.mean(x, axis=0, keepdims=True)
    var = jnp.var(x, axis=0, keepdims=True)
    return gamma * (x - mu) / jnp.sqrt(var + eps) + beta

def setup_inputs(seed: int = 0):
    key = jax.random.key(seed)
    ks = jax.random.split(key, 32)
    inp = {}
    inp["users"] = jax.random.randint(ks[0], (B,), 0, NU)
    inp["movies"] = jax.random.randint(ks[1], (B,), 0, NM)
    inp["user_emb"] = jax.random.normal(ks[2], (NU, D), dtype=jnp.float32) * 0.02
    inp["movie_emb"] = jax.random.normal(ks[3], (NM, D), dtype=jnp.float32) * 0.02
    inp["user_bias_t"] = jax.random.normal(ks[4], (NU, 1), dtype=jnp.float32) * 0.02
    inp["movie_bias_t"] = jax.random.normal(ks[5], (NM, 1), dtype=jnp.float32) * 0.02
    inp["global_bias"] = jnp.zeros((1,), dtype=jnp.float32)
    inp["gu"] = jnp.ones((D,), dtype=jnp.float32)
    inp["bu"] = jnp.zeros((D,), dtype=jnp.float32)
    inp["gm"] = jnp.ones((D,), dtype=jnp.float32)
    inp["bm"] = jnp.zeros((D,), dtype=jnp.float32)
    dims = [2 * D] + HID
    kidx = 6
    for i in range(len(HID)):
        fan_in = dims[i]
        lim = 1.0 / float(np.sqrt(fan_in))
        inp["W%d" % (i + 1)] = jax.random.uniform(ks[kidx], (HID[i], fan_in), dtype=jnp.float32, minval=-lim, maxval=lim); kidx += 1
        inp["b%d" % (i + 1)] = jax.random.uniform(ks[kidx], (HID[i],), dtype=jnp.float32, minval=-lim, maxval=lim); kidx += 1
        inp["g%d" % (i + 1)] = jnp.ones((HID[i],), dtype=jnp.float32)
        inp["be%d" % (i + 1)] = jnp.zeros((HID[i],), dtype=jnp.float32)
    lim = 1.0 / float(np.sqrt(HID[-1]))
    inp["Wf"] = jax.random.uniform(ks[kidx], (1, HID[-1]), dtype=jnp.float32, minval=-lim, maxval=lim); kidx += 1
    inp["bf"] = jax.random.uniform(ks[kidx], (1,), dtype=jnp.float32, minval=-lim, maxval=lim); kidx += 1
    lim = 1.0 / float(np.sqrt(2 * D))
    inp["Wr"] = jax.random.uniform(ks[kidx], (1, 2 * D), dtype=jnp.float32, minval=-lim, maxval=lim); kidx += 1
    inp["br"] = jax.random.uniform(ks[kidx], (1,), dtype=jnp.float32, minval=-lim, maxval=lim)
    return inp

def reference(users, movies, user_emb, movie_emb, user_bias_t, movie_bias_t, global_bias, gu, bu, gm, bm, W1, b1, g1, be1, W2, b2, g2, be2, W3, b3, g3, be3, Wf, bf, Wr, br):
    ue = jnp.take(user_emb, users, axis=0)
    me = jnp.take(movie_emb, movies, axis=0)
    mb = jnp.take(movie_bias_t, movies, axis=0)
    ub = jnp.take(user_bias_t, users, axis=0)
    ue = _bn(ue, gu, bu)
    me = _bn(me, gm, bm)
    combined = jnp.concatenate([ue, me], axis=1)
    x = combined
    for (W, b, g, be) in ((W1, b1, g1, be1), (W2, b2, g2, be2), (W3, b3, g3, be3)):
        x = x @ W.T + b
        x = _bn(x, g, be)
        x = jax.nn.relu(x)
    main_out = x @ Wf.T + bf
    res_out = combined @ Wr.T + br
    out = main_out + res_out + mb + ub + global_bias
    return jnp.squeeze(out)

if __name__ == "__main__":
    import jax
    _d = setup_inputs()
    print(jax.jit(kernel)(*tuple(_d.values())))

</pallas_src>

<mosaic_0001>
#map = affine_map<(d0, d1) -> (0, 0, 0)>
#map1 = affine_map<(d0, d1) -> (0, 0)>
#map2 = affine_map<(d0, d1) -> (0)>
module attributes {stable_mosaic.version = 14 : i64} {
  func.func @_sc_gather_body(%arg0: i32, %arg1: i32, %arg2: memref<32x4x128xi32, #tpu.memory_space<hbm>>, %arg3: memref<32x4x128xi32, #tpu.memory_space<hbm>>, %arg4: memref<100000x128xf32, #tpu.memory_space<hbm>>, %arg5: memref<100000x128xf32, #tpu.memory_space<hbm>>, %arg6: memref<100000xf32, #tpu.memory_space<hbm>>, %arg7: memref<100000xf32, #tpu.memory_space<hbm>>, %arg8: memref<16384x128xf32, #tpu.memory_space<hbm>>, %arg9: memref<16384x128xf32, #tpu.memory_space<hbm>>, %arg10: memref<16384xf32, #tpu.memory_space<hbm>>, %arg11: memref<16384xf32, #tpu.memory_space<hbm>>, %arg12: memref<32x4x128xf32, #tpu.memory_space<hbm>>, %arg13: memref<4x128xi32, #tpu.memory_space<vmem>>, %arg14: memref<4x128xi32, #tpu.memory_space<vmem>>, %arg15: memref<512x128xf32, #tpu.memory_space<vmem>>, %arg16: memref<512xf32, #tpu.memory_space<vmem>>, %arg17: memref<512xf32, #tpu.memory_space<vmem>>, %arg18: memref<4x128xf32, #tpu.memory_space<vmem>>, %arg19: memref<4x!tpu.dma_semaphore, #tpu.memory_space<semaphore_mem>>, %arg20: memref<4x!tpu.dma_semaphore, #tpu.memory_space<semaphore_mem>>, %arg21: memref<!tpu.dma_semaphore, #tpu.memory_space<semaphore_mem>>) attributes {dimension_semantics = [#tpu.dimension_semantics<core_parallel>, #tpu.dimension_semantics<subcore_parallel>], iteration_bounds = array<i64: 2, 16>, scalar_prefetch = 0 : i64, scratch_operands = 9 : i64, tpu.core_type = #tpu.core_type<sc_vector_subcore>, window_params = [{transform_indices = #map}, {transform_indices = #map}, {transform_indices = #map1}, {transform_indices = #map1}, {transform_indices = #map2}, {transform_indices = #map2}, {transform_indices = #map1}, {transform_indices = #map1}, {transform_indices = #map2}, {transform_indices = #map2}, {transform_indices = #map}]} {
    %mul3A = arith.constant 2 : i32
    %mul3A_0 = arith.muli %arg1, %mul3A : i32
    %add3A = arith.addi %mul3A_0, %arg0 : i32
    %mul3A_1 = arith.constant 512 : i32
    %mul3A_2 = arith.muli %add3A, %mul3A_1 : i32
    "tpu.region"() ({
      %run_scoped3A = tpu.sem_alloc : memref<!tpu.dma_semaphore, #tpu.memory_space<semaphore_mem>>
      %dma_start3A_800 = arith.constant 0 : i32
      %dma_start3A_801 = arith.constant 0 : i32
      %dma_start3A_802 = tpu.memref_slice %arg2[%add3A, %dma_start3A_800, %dma_start3A_801] : memref<32x4x128xi32, #tpu.memory_space<hbm>> -> memref<1x4x128xi32, #tpu.memory_space<hbm>>
      %dma_start3A_803 = tpu.memref_squeeze %dma_start3A_802 : memref<1x4x128xi32, #tpu.memory_space<hbm>> -> memref<4x128xi32, #tpu.memory_space<hbm>>
      %dma_start3A_804 = arith.constant 0 : i32
      %dma_start3A_805 = arith.constant 0 : i32
      %dma_start3A_806 = tpu.memref_slice %arg2[%add3A, %dma_start3A_804, %dma_start3A_805] : memref<32x4x128xi32, #tpu.memory_space<hbm>> -> memref<1x4x128xi32, #tpu.memory_space<hbm>>
      %dma_start3A_807 = tpu.memref_squeeze %dma_start3A_806 : memref<1x4x128xi32, #tpu.memory_space<hbm>> -> memref<4x128xi32, #tpu.memory_space<hbm>>
      tpu.enqueue_dma source(%dma_start3A_807 : memref<4x128xi32, #tpu.memory_space<hbm>>) target(%arg13 : memref<4x128xi32, #tpu.memory_space<vmem>>) target_semaphore(%run_scoped3A : memref<!tpu.dma_semaphore, #tpu.memory_space<semaphore_mem>>)
      %dma_wait3A_808 = arith.constant 0 : i32
      %dma_wait3A_809 = arith.constant 0 : i32
      %dma_wait3A_810 = tpu.memref_slice %arg2[%add3A, %dma_wait3A_808, %dma_wait3A_809] : memref<32x4x128xi32, #tpu.memory_space<hbm>> -> memref<1x4x128xi32, #tpu.memory_space<hbm>>
      %dma_wait3A_811 = tpu.memref_squeeze %dma_wait3A_810 : memref<1x4x128xi32, #tpu.memory_space<hbm>> -> memref<4x128xi32, #tpu.memory_space<hbm>>
      %dma_wait3A_812 = arith.constant 0 : i32
      %dma_wait3A_813 = arith.constant 0 : i32
      %dma_wait3A_814 = tpu.memref_slice %arg2[%add3A, %dma_wait3A_812, %dma_wait3A_813] : memref<32x4x128xi32, #tpu.memory_space<hbm>> -> memref<1x4x128xi32, #tpu.memory_space<hbm>>
      %dma_wait3A_815 = tpu.memref_squeeze %dma_wait3A_814 : memref<1x4x128xi32, #tpu.memory_space<hbm>> -> memref<4x128xi32, #tpu.memory_space<hbm>>
      tpu.wait_dma2 semaphore(%run_scoped3A : memref<!tpu.dma_semaphore, #tpu.memory_space<semaphore_mem>>) src(%dma_wait3A_815 : memref<4x128xi32, #tpu.memory_space<hbm>>) dst(%arg13 : memref<4x128xi32, #tpu.memory_space<vmem>>)
      tpu.yield
    }) : () -> ()
    "tpu.region"() ({
      %run_scoped3A = tpu.sem_alloc : memref<!tpu.dma_semaphore, #tpu.memory_space<semaphore_mem>>
      %dma_start3A_800 = arith.constant 0 : i32
      %dma_start3A_801 = arith.constant 0 : i32
      %dma_start3A_802 = tpu.memref_slice %arg3[%add3A, %dma_start3A_800, %dma_start3A_801] : memref<32x4x128xi32, #tpu.memory_space<hbm>> -> memref<1x4x128xi32, #tpu.memory_space<hbm>>
      %dma_start3A_803 = tpu.memref_squeeze %dma_start3A_802 : memref<1x4x128xi32, #tpu.memory_space<hbm>> -> memref<4x128xi32, #tpu.memory_space<hbm>>
      %dma_start3A_804 = arith.constant 0 : i32
      %dma_start3A_805 = arith.constant 0 : i32
      %dma_start3A_806 = tpu.memref_slice %arg3[%add3A, %dma_start3A_804, %dma_start3A_805] : memref<32x4x128xi32, #tpu.memory_space<hbm>> -> memref<1x4x128xi32, #tpu.memory_space<hbm>>
      %dma_start3A_807 = tpu.memref_squeeze %dma_start3A_806 : memref<1x4x128xi32, #tpu.memory_space<hbm>> -> memref<4x128xi32, #tpu.memory_space<hbm>>
      tpu.enqueue_dma source(%dma_start3A_807 : memref<4x128xi32, #tpu.memory_space<hbm>>) target(%arg14 : memref<4x128xi32, #tpu.memory_space<vmem>>) target_semaphore(%run_scoped3A : memref<!tpu.dma_semaphore, #tpu.memory_space<semaphore_mem>>)
      %dma_wait3A_808 = arith.constant 0 : i32
      %dma_wait3A_809 = arith.constant 0 : i32
      %dma_wait3A_810 = tpu.memref_slice %arg3[%add3A, %dma_wait3A_808, %dma_wait3A_809] : memref<32x4x128xi32, #tpu.memory_space<hbm>> -> memref<1x4x128xi32, #tpu.memory_space<hbm>>
      %dma_wait3A_811 = tpu.memref_squeeze %dma_wait3A_810 : memref<1x4x128xi32, #tpu.memory_space<hbm>> -> memref<4x128xi32, #tpu.memory_space<hbm>>
      %dma_wait3A_812 = arith.constant 0 : i32
      %dma_wait3A_813 = arith.constant 0 : i32
      %dma_wait3A_814 = tpu.memref_slice %arg3[%add3A, %dma_wait3A_812, %dma_wait3A_813] : memref<32x4x128xi32, #tpu.memory_space<hbm>> -> memref<1x4x128xi32, #tpu.memory_space<hbm>>
      %dma_wait3A_815 = tpu.memref_squeeze %dma_wait3A_814 : memref<1x4x128xi32, #tpu.memory_space<hbm>> -> memref<4x128xi32, #tpu.memory_space<hbm>>
      tpu.wait_dma2 semaphore(%run_scoped3A : memref<!tpu.dma_semaphore, #tpu.memory_space<semaphore_mem>>) src(%dma_wait3A_815 : memref<4x128xi32, #tpu.memory_space<hbm>>) dst(%arg14 : memref<4x128xi32, #tpu.memory_space<vmem>>)
      tpu.yield
    }) : () -> ()
    %dma_start3A = arith.constant 0 : i32
    %dma_start3A_3 = arith.constant 0 : i32
    %dma_start3A_4 = tpu.memref_slice %arg16[%dma_start3A_3] : memref<512xf32, #tpu.memory_space<vmem>> -> memref<128xf32, #tpu.memory_space<vmem>>
    %dma_start3A_5 = arith.constant 0 : i32
    %dma_start3A_6 = tpu.memref_slice %arg13[%dma_start3A, %dma_start3A_5] : memref<4x128xi32, #tpu.memory_space<vmem>> -> memref<1x128xi32, #tpu.memory_space<vmem>>
    %dma_start3A_7 = tpu.memref_squeeze %dma_start3A_6 : memref<1x128xi32, #tpu.memory_space<vmem>> -> memref<128xi32, #tpu.memory_space<vmem>>
    %dma_start3A_8 = arith.constant 0 : i32
    %dma_start3A_9 = tpu.memref_slice %arg6[%dma_start3A_8] : memref<100000xf32, #tpu.memory_space<hbm>> -> memref<100000xf32, #tpu.memory_space<hbm>>
    tpu.enqueue_indirect_dma source(%dma_start3A_9 : memref<100000xf32, #tpu.memory_space<hbm>>) target(%dma_start3A_4 : memref<128xf32, #tpu.memory_space<vmem>>) offsets(%dma_start3A_7 : memref<128xi32, #tpu.memory_space<vmem>>) semaphore(%arg21 : memref<!tpu.dma_semaphore, #tpu.memory_space<semaphore_mem>>)
    %dma_start3A_10 = arith.constant 0 : i32
    %dma_start3A_11 = arith.constant 0 : i32
    %dma_start3A_12 = tpu.memref_slice %arg17[%dma_start3A_11] : memref<512xf32, #tpu.memory_space<vmem>> -> memref<128xf32, #tpu.memory_space<vmem>>
    %dma_start3A_13 = arith.constant 0 : i32
    %dma_start3A_14 = tpu.memref_slice %arg14[%dma_start3A_10, %dma_start3A_13] : memref<4x128xi32, #tpu.memory_space<vmem>> -> memref<1x128xi32, #tpu.memory_space<vmem>>
    %dma_start3A_15 = tpu.memref_squeeze %dma_start3A_14 : memref<1x128xi32, #tpu.memory_space<vmem>> -> memref<128xi32, #tpu.memory_space<vmem>>
    %dma_start3A_16 = arith.constant 0 : i32
    %dma_start3A_17 = tpu.memref_slice %arg7[%dma_start3A_16] : memref<100000xf32, #tpu.memory_space<hbm>> -> memref<100000xf32, #tpu.memory_space<hbm>>
    tpu.enqueue_indirect_dma source(%dma_start3A_17 : memref<100000xf32, #tpu.memory_space<hbm>>) target(%dma_start3A_12 : memref<128xf32, #tpu.memory_space<vmem>>) offsets(%dma_start3A_15 : memref<128xi32, #tpu.memory_space<vmem>>) semaphore(%arg21 : memref<!tpu.dma_semaphore, #tpu.memory_space<semaphore_mem>>)
    %dma_start3A_18 = arith.constant 1 : i32
    %dma_start3A_19 = arith.constant 128 : i32
    %dma_start3A_20 = tpu.memref_slice %arg16[%dma_start3A_19] : memref<512xf32, #tpu.memory_space<vmem>> -> memref<128xf32, #tpu.memory_space<vmem>>
    %dma_start3A_21 = arith.constant 0 : i32
    %dma_start3A_22 = tpu.memref_slice %arg13[%dma_start3A_18, %dma_start3A_21] : memref<4x128xi32, #tpu.memory_space<vmem>> -> memref<1x128xi32, #tpu.memory_space<vmem>>
    %dma_start3A_23 = tpu.memref_squeeze %dma_start3A_22 : memref<1x128xi32, #tpu.memory_space<vmem>> -> memref<128xi32, #tpu.memory_space<vmem>>
    %dma_start3A_24 = arith.constant 0 : i32
    %dma_start3A_25 = tpu.memref_slice %arg6[%dma_start3A_24] : memref<100000xf32, #tpu.memory_space<hbm>> -> memref<100000xf32, #tpu.memory_space<hbm>>
    tpu.enqueue_indirect_dma source(%dma_start3A_25 : memref<100000xf32, #tpu.memory_space<hbm>>) target(%dma_start3A_20 : memref<128xf32, #tpu.memory_space<vmem>>) offsets(%dma_start3A_23 : memref<128xi32, #tpu.memory_space<vmem>>) semaphore(%arg21 : memref<!tpu.dma_semaphore, #tpu.memory_space<semaphore_mem>>)
    %dma_start3A_26 = arith.constant 1 : i32
    %dma_start3A_27 = arith.constant 128 : i32
    %dma_start3A_28 = tpu.memref_slice %arg17[%dma_start3A_27] : memref<512xf32, #tpu.memory_space<vmem>> -> memref<128xf32, #tpu.memory_space<vmem>>
    %dma_start3A_29 = arith.constant 0 : i32
    %dma_start3A_30 = tpu.memref_slice %arg14[%dma_start3A_26, %dma_start3A_29] : memref<4x128xi32, #tpu.memory_space<vmem>> -> memref<1x128xi32, #tpu.memory_space<vmem>>
    %dma_start3A_31 = tpu.memref_squeeze %dma_start3A_30 : memref<1x128xi32, #tpu.memory_space<vmem>> -> memref<128xi32, #tpu.memory_space<vmem>>
    %dma_start3A_32 = arith.constant 0 : i32
    %dma_start3A_33 = tpu.memref_slice %arg7[%dma_start3A_32] : memref<100000xf32, #tpu.memory_space<hbm>> -> memref<100000xf32, #tpu.memory_space<hbm>>
    tpu.enqueue_indirect_dma source(%dma_start3A_33 : memref<100000xf32, #tpu.memory_space<hbm>>) target(%dma_start3A_28 : memref<128xf32, #tpu.memory_space<vmem>>) offsets(%dma_start3A_31 : memref<128xi32, #tpu.memory_space<vmem>>) semaphore(%arg21 : memref<!tpu.dma_semaphore, #tpu.memory_space<semaphore_mem>>)
    %dma_start3A_34 = arith.constant 2 : i32
    %dma_start3A_35 = arith.constant 256 : i32
    %dma_start3A_36 = tpu.memref_slice %arg16[%dma_start3A_35] : memref<512xf32, #tpu.memory_space<vmem>> -> memref<128xf32, #tpu.memory_space<vmem>>
    %dma_start3A_37 = arith.constant 0 : i32
    %dma_start3A_38 = tpu.memref_slice %arg13[%dma_start3A_34, %dma_start3A_37] : memref<4x128xi32, #tpu.memory_space<vmem>> -> memref<1x128xi32, #tpu.memory_space<vmem>>
    %dma_start3A_39 = tpu.memref_squeeze %dma_start3A_38 : memref<1x128xi32, #tpu.memory_space<vmem>> -> memref<128xi32, #tpu.memory_space<vmem>>
    %dma_start3A_40 = arith.constant 0 : i32
    %dma_start3A_41 = tpu.memref_slice %arg6[%dma_start3A_40] : memref<100000xf32, #tpu.memory_space<hbm>> -> memref<100000xf32, #tpu.memory_space<hbm>>
    tpu.enqueue_indirect_dma source(%dma_start3A_41 : memref<100000xf32, #tpu.memory_space<hbm>>) target(%dma_start3A_36 : memref<128xf32, #tpu.memory_space<vmem>>) offsets(%dma_start3A_39 : memref<128xi32, #tpu.memory_space<vmem>>) semaphore(%arg21 : memref<!tpu.dma_semaphore, #tpu.memory_space<semaphore_mem>>)
    %dma_start3A_42 = arith.constant 2 : i32
    %dma_start3A_43 = arith.constant 256 : i32
    %dma_start3A_44 = tpu.memref_slice %arg17[%dma_start3A_43] : memref<512xf32, #tpu.memory_space<vmem>> -> memref<128xf32, #tpu.memory_space<vmem>>
    %dma_start3A_45 = arith.constant 0 : i32
    %dma_start3A_46 = tpu.memref_slice %arg14[%dma_start3A_42, %dma_start3A_45] : memref<4x128xi32, #tpu.memory_space<vmem>> -> memref<1x128xi32, #tpu.memory_space<vmem>>
    %dma_start3A_47 = tpu.memref_squeeze %dma_start3A_46 : memref<1x128xi32, #tpu.memory_space<vmem>> -> memref<128xi32, #tpu.memory_space<vmem>>
    %dma_start3A_48 = arith.constant 0 : i32
    %dma_start3A_49 = tpu.memref_slice %arg7[%dma_start3A_48] : memref<100000xf32, #tpu.memory_space<hbm>> -> memref<100000xf32, #tpu.memory_space<hbm>>
    tpu.enqueue_indirect_dma source(%dma_start3A_49 : memref<100000xf32, #tpu.memory_space<hbm>>) target(%dma_start3A_44 : memref<128xf32, #tpu.memory_space<vmem>>) offsets(%dma_start3A_47 : memref<128xi32, #tpu.memory_space<vmem>>) semaphore(%arg21 : memref<!tpu.dma_semaphore, #tpu.memory_space<semaphore_mem>>)
    %dma_start3A_50 = arith.constant 3 : i32
    %dma_start3A_51 = arith.constant 384 : i32
    %dma_start3A_52 = tpu.memref_slice %arg16[%dma_start3A_51] : memref<512xf32, #tpu.memory_space<vmem>> -> memref<128xf32, #tpu.memory_space<vmem>>
    %dma_start3A_53 = arith.constant 0 : i32
    %dma_start3A_54 = tpu.memref_slice %arg13[%dma_start3A_50, %dma_start3A_53] : memref<4x128xi32, #tpu.memory_space<vmem>> -> memref<1x128xi32, #tpu.memory_space<vmem>>
    %dma_start3A_55 = tpu.memref_squeeze %dma_start3A_54 : memref<1x128xi32, #tpu.memory_space<vmem>> -> memref<128xi32, #tpu.memory_space<vmem>>
    %dma_start3A_56 = arith.constant 0 : i32
    %dma_start3A_57 = tpu.memref_slice %arg6[%dma_start3A_56] : memref<100000xf32, #tpu.memory_space<hbm>> -> memref<100000xf32, #tpu.memory_space<hbm>>
    tpu.enqueue_indirect_dma source(%dma_start3A_57 : memref<100000xf32, #tpu.memory_space<hbm>>) target(%dma_start3A_52 : memref<128xf32, #tpu.memory_space<vmem>>) offsets(%dma_start3A_55 : memref<128xi32, #tpu.memory_space<vmem>>) semaphore(%arg21 : memref<!tpu.dma_semaphore, #tpu.memory_space<semaphore_mem>>)
    %dma_start3A_58 = arith.constant 3 : i32
    %dma_start3A_59 = arith.constant 384 : i32
    %dma_start3A_60 = tpu.memref_slice %arg17[%dma_start3A_59] : memref<512xf32, #tpu.memory_space<vmem>> -> memref<128xf32, #tpu.memory_space<vmem>>
    %dma_start3A_61 = arith.constant 0 : i32
    %dma_start3A_62 = tpu.memref_slice %arg14[%dma_start3A_58, %dma_start3A_61] : memref<4x128xi32, #tpu.memory_space<vmem>> -> memref<1x128xi32, #tpu.memory_space<vmem>>
    %dma_start3A_63 = tpu.memref_squeeze %dma_start3A_62 : memref<1x128xi32, #tpu.memory_space<vmem>> -> memref<128xi32, #tpu.memory_space<vmem>>
    %dma_start3A_64 = arith.constant 0 : i32
    %dma_start3A_65 = tpu.memref_slice %arg7[%dma_start3A_64] : memref<100000xf32, #tpu.memory_space<hbm>> -> memref<100000xf32, #tpu.memory_space<hbm>>
    tpu.enqueue_indirect_dma source(%dma_start3A_65 : memref<100000xf32, #tpu.memory_space<hbm>>) target(%dma_start3A_60 : memref<128xf32, #tpu.memory_space<vmem>>) offsets(%dma_start3A_63 : memref<128xi32, #tpu.memory_space<vmem>>) semaphore(%arg21 : memref<!tpu.dma_semaphore, #tpu.memory_space<semaphore_mem>>)
    %broadcast_in_dim3A = arith.constant 0.000000e+00 : f32
    %broadcast_in_dim3A_66 = vector.broadcast %broadcast_in_dim3A : f32 to vector<16xf32>
    %dma_start3A_67 = arith.constant 0 : i32
    %dma_start3A_68 = arith.constant 0 : i32
    %dma_start3A_69 = arith.constant 0 : i32
    %dma_start3A_70 = arith.constant 0 : i32
    %dma_start3A_71 = tpu.memref_slice %arg15[%dma_start3A_69, %dma_start3A_70] : memref<512x128xf32, #tpu.memory_space<vmem>> -> memref<128x128xf32, #tpu.memory_space<vmem>>
    %dma_start3A_72 = arith.constant 0 : i32
    %dma_start3A_73 = tpu.memref_slice %arg13[%dma_start3A_67, %dma_start3A_72] : memref<4x128xi32, #tpu.memory_space<vmem>> -> memref<1x128xi32, #tpu.memory_space<vmem>>
    %dma_start3A_74 = tpu.memref_squeeze %dma_start3A_73 : memref<1x128xi32, #tpu.memory_space<vmem>> -> memref<128xi32, #tpu.memory_space<vmem>>
    %dma_start3A_75 = arith.constant 0 : i32
    %dma_start3A_76 = arith.constant 0 : i32
    %dma_start3A_77 = tpu.memref_slice %arg4[%dma_start3A_75, %dma_start3A_76] : memref<100000x128xf32, #tpu.memory_space<hbm>> -> memref<100000x128xf32, #tpu.memory_space<hbm>>
    %dma_start3A_78 = tpu.memref_slice %arg19[%dma_start3A_68] : memref<4x!tpu.dma_semaphore, #tpu.memory_space<semaphore_mem>> -> memref<1x!tpu.dma_semaphore, #tpu.memory_space<semaphore_mem>>
    %dma_start3A_79 = tpu.memref_squeeze %dma_start3A_78 : memref<1x!tpu.dma_semaphore, #tpu.memory_space<semaphore_mem>> -> memref<!tpu.dma_semaphore, #tpu.memory_space<semaphore_mem>>
    tpu.enqueue_indirect_dma source(%dma_start3A_77 : memref<100000x128xf32, #tpu.memory_space<hbm>>) target(%dma_start3A_71 : memref<128x128xf32, #tpu.memory_space<vmem>>) offsets(%dma_start3A_74 : memref<128xi32, #tpu.memory_space<vmem>>) semaphore(%dma_start3A_79 : memref<!tpu.dma_semaphore, #tpu.memory_space<semaphore_mem>>)
    %dma_start3A_80 = arith.constant 1 : i32
    %dma_start3A_81 = arith.constant 1 : i32
    %dma_start3A_82 = arith.constant 128 : i32
    %dma_start3A_83 = arith.constant 0 : i32
    %dma_start3A_84 = tpu.memref_slice %arg15[%dma_start3A_82, %dma_start3A_83] : memref<512x128xf32, #tpu.memory_space<vmem>> -> memref<128x128xf32, #tpu.memory_space<vmem>>
    %dma_start3A_85 = arith.constant 0 : i32
    %dma_start3A_86 = tpu.memref_slice %arg13[%dma_start3A_80, %dma_start3A_85] : memref<4x128xi32, #tpu.memory_space<vmem>> -> memref<1x128xi32, #tpu.memory_space<vmem>>
    %dma_start3A_87 = tpu.memref_squeeze %dma_start3A_86 : memref<1x128xi32, #tpu.memory_space<vmem>> -> memref<128xi32, #tpu.memory_space<vmem>>
    %dma_start3A_88 = arith.constant 0 : i32
    %dma_start3A_89 = arith.constant 0 : i32
    %dma_start3A_90 = tpu.memref_slice %arg4[%dma_start3A_88, %dma_start3A_89] : memref<100000x128xf32, #tpu.memory_space<hbm>> -> memref<100000x128xf32, #tpu.memory_space<hbm>>
    %dma_start3A_91 = tpu.memref_slice %arg19[%dma_start3A_81] : memref<4x!tpu.dma_semaphore, #tpu.memory_space<semaphore_mem>> -> memref<1x!tpu.dma_semaphore, #tpu.memory_space<semaphore_mem>>
    %dma_start3A_92 = tpu.memref_squeeze %dma_start3A_91 : memref<1x!tpu.dma_semaphore, #tpu.memory_space<semaphore_mem>> -> memref<!tpu.dma_semaphore, #tpu.memory_space<semaphore_mem>>
    tpu.enqueue_indirect_dma source(%dma_start3A_90 : memref<100000x128xf32, #tpu.memory_space<hbm>>) target(%dma_start3A_84 : memref<128x128xf32, #tpu.memory_space<vmem>>) offsets(%dma_start3A_87 : memref<128xi32, #tpu.memory_space<vmem>>) semaphore(%dma_start3A_92 : memref<!tpu.dma_semaphore, #tpu.memory_space<semaphore_mem>>)
    %dma_start3A_93 = arith.constant 2 : i32
    %dma_start3A_94 = arith.constant 2 : i32
    %dma_start3A_95 = arith.constant 256 : i32
    %dma_start3A_96 = arith.constant 0 : i32
    %dma_start3A_97 = tpu.memref_slice %arg15[%dma_start3A_95, %dma_start3A_96] : memref<512x128xf32, #tpu.memory_space<vmem>> -> memref<128x128xf32, #tpu.memory_space<vmem>>
    %dma_start3A_98 = arith.constant 0 : i32
    %dma_start3A_99 = tpu.memref_slice %arg13[%dma_start3A_93, %dma_start3A_98] : memref<4x128xi32, #tpu.memory_space<vmem>> -> memref<1x128xi32, #tpu.memory_space<vmem>>
    %dma_start3A_100 = tpu.memref_squeeze %dma_start3A_99 : memref<1x128xi32, #tpu.memory_space<vmem>> -> memref<128xi32, #tpu.memory_space<vmem>>
    %dma_start3A_101 = arith.constant 0 : i32
    %dma_start3A_102 = arith.constant 0 : i32
    %dma_start3A_103 = tpu.memref_slice %arg4[%dma_start3A_101, %dma_start3A_102] : memref<100000x128xf32, #tpu.memory_space<hbm>> -> memref<100000x128xf32, #tpu.memory_space<hbm>>
    %dma_start3A_104 = tpu.memref_slice %arg19[%dma_start3A_94] : memref<4x!tpu.dma_semaphore, #tpu.memory_space<semaphore_mem>> -> memref<1x!tpu.dma_semaphore, #tpu.memory_space<semaphore_mem>>
    %dma_start3A_105 = tpu.memref_squeeze %dma_start3A_104 : memref<1x!tpu.dma_semaphore, #tpu.memory_space<semaphore_mem>> -> memref<!tpu.dma_semaphore, #tpu.memory_space<semaphore_mem>>
    tpu.enqueue_indirect_dma source(%dma_start3A_103 : memref<100000x128xf32, #tpu.memory_space<hbm>>) target(%dma_start3A_97 : memref<128x128xf32, #tpu.memory_space<vmem>>) offsets(%dma_start3A_100 : memref<128xi32, #tpu.memory_space<vmem>>) semaphore(%dma_start3A_105 : memref<!tpu.dma_semaphore, #tpu.memory_space<semaphore_mem>>)
    %dma_start3A_106 = arith.constant 3 : i32
    %dma_start3A_107 = arith.constant 3 : i32
    %dma_start3A_108 = arith.constant 384 : i32
    %dma_start3A_109 = arith.constant 0 : i32
    %dma_start3A_110 = tpu.memref_slice %arg15[%dma_start3A_108, %dma_start3A_109] : memref<512x128xf32, #tpu.memory_space<vmem>> -> memref<128x128xf32, #tpu.memory_space<vmem>>
    %dma_start3A_111 = arith.constant 0 : i32
    %dma_start3A_112 = tpu.memref_slice %arg13[%dma_start3A_106, %dma_start3A_111] : memref<4x128xi32, #tpu.memory_space<vmem>> -> memref<1x128xi32, #tpu.memory_space<vmem>>
    %dma_start3A_113 = tpu.memref_squeeze %dma_start3A_112 : memref<1x128xi32, #tpu.memory_space<vmem>> -> memref<128xi32, #tpu.memory_space<vmem>>
    %dma_start3A_114 = arith.constant 0 : i32
    %dma_start3A_115 = arith.constant 0 : i32
    %dma_start3A_116 = tpu.memref_slice %arg4[%dma_start3A_114, %dma_start3A_115] : memref<100000x128xf32, #tpu.memory_space<hbm>> -> memref<100000x128xf32, #tpu.memory_space<hbm>>
    %dma_start3A_117 = tpu.memref_slice %arg19[%dma_start3A_107] : memref<4x!tpu.dma_semaphore, #tpu.memory_space<semaphore_mem>> -> memref<1x!tpu.dma_semaphore, #tpu.memory_space<semaphore_mem>>
    %dma_start3A_118 = tpu.memref_squeeze %dma_start3A_117 : memref<1x!tpu.dma_semaphore, #tpu.memory_space<semaphore_mem>> -> memref<!tpu.dma_semaphore, #tpu.memory_space<semaphore_mem>>
    tpu.enqueue_indirect_dma source(%dma_start3A_116 : memref<100000x128xf32, #tpu.memory_space<hbm>>) target(%dma_start3A_110 : memref<128x128xf32, #tpu.memory_space<vmem>>) offsets(%dma_start3A_113 : memref<128xi32, #tpu.memory_space<vmem>>) semaphore(%dma_start3A_118 : memref<!tpu.dma_semaphore, #tpu.memory_space<semaphore_mem>>)
    %dma_wait3A = arith.constant 0 : i32
    %dma_wait3A_119 = arith.constant 0 : i32
    %dma_wait3A_120 = arith.constant 0 : i32
    %dma_wait3A_121 = arith.constant 0 : i32
    %dma_wait3A_122 = tpu.memref_slice %arg15[%dma_wait3A_120, %dma_wait3A_121] : memref<512x128xf32, #tpu.memory_space<vmem>> -> memref<128x128xf32, #tpu.memory_space<vmem>>
    %dma_wait3A_123 = arith.constant 0 : i32
    %dma_wait3A_124 = tpu.memref_slice %arg13[%dma_wait3A, %dma_wait3A_123] : memref<4x128xi32, #tpu.memory_space<vmem>> -> memref<1x128xi32, #tpu.memory_space<vmem>>
    %dma_wait3A_125 = tpu.memref_squeeze %dma_wait3A_124 : memref<1x128xi32, #tpu.memory_space<vmem>> -> memref<128xi32, #tpu.memory_space<vmem>>
    %dma_wait3A_126 = arith.constant 0 : i32
    %dma_wait3A_127 = arith.constant 0 : i32
    %dma_wait3A_128 = tpu.memref_slice %arg4[%dma_wait3A_126, %dma_wait3A_127] : memref<100000x128xf32, #tpu.memory_space<hbm>> -> memref<100000x128xf32, #tpu.memory_space<hbm>>
    %dma_wait3A_129 = tpu.memref_slice %arg19[%dma_wait3A_119] : memref<4x!tpu.dma_semaphore, #tpu.memory_space<semaphore_mem>> -> memref<1x!tpu.dma_semaphore, #tpu.memory_space<semaphore_mem>>
    %dma_wait3A_130 = tpu.memref_squeeze %dma_wait3A_129 : memref<1x!tpu.dma_semaphore, #tpu.memory_space<semaphore_mem>> -> memref<!tpu.dma_semaphore, #tpu.memory_space<semaphore_mem>>
    tpu.wait_indirect_dma semaphore(%dma_wait3A_130 : memref<!tpu.dma_semaphore, #tpu.memory_space<semaphore_mem>>) src(%dma_wait3A_128 : memref<100000x128xf32, #tpu.memory_space<hbm>>) dst(%dma_wait3A_122 : memref<128x128xf32, #tpu.memory_space<vmem>>)
    %add3A_131 = arith.constant 0 : i32
    %add3A_132 = arith.addi %mul3A_2, %add3A_131 : i32
    %dma_start3A_133 = arith.constant 0 : i32
    %dma_start3A_134 = arith.constant 0 : i32
    %dma_start3A_135 = arith.constant 0 : i32
    %dma_start3A_136 = tpu.memref_slice %arg15[%dma_start3A_134, %dma_start3A_135] : memref<512x128xf32, #tpu.memory_space<vmem>> -> memref<128x128xf32, #tpu.memory_space<vmem>>
    %dma_start3A_137 = arith.constant 0 : i32
    %dma_start3A_138 = tpu.memref_slice %arg8[%add3A_132, %dma_start3A_137] : memref<16384x128xf32, #tpu.memory_space<hbm>> -> memref<128x128xf32, #tpu.memory_space<hbm>>
    %dma_start3A_139 = tpu.memref_slice %arg20[%dma_start3A_133] : memref<4x!tpu.dma_semaphore, #tpu.memory_space<semaphore_mem>> -> memref<1x!tpu.dma_semaphore, #tpu.memory_space<semaphore_mem>>
    %dma_start3A_140 = tpu.memref_squeeze %dma_start3A_139 : memref<1x!tpu.dma_semaphore, #tpu.memory_space<semaphore_mem>> -> memref<!tpu.dma_semaphore, #tpu.memory_space<semaphore_mem>>
    %dma_start3A_141 = arith.constant 0 : i32
    %dma_start3A_142 = tpu.memref_slice %arg8[%add3A_132, %dma_start3A_141] : memref<16384x128xf32, #tpu.memory_space<hbm>> -> memref<128x128xf32, #tpu.memory_space<hbm>>
    %dma_start3A_143 = arith.constant 0 : i32
    %dma_start3A_144 = arith.constant 0 : i32
    %dma_start3A_145 = tpu.memref_slice %arg15[%dma_start3A_143, %dma_start3A_144] : memref<512x128xf32, #tpu.memory_space<vmem>> -> memref<128x128xf32, #tpu.memory_space<vmem>>
    tpu.enqueue_dma source(%dma_start3A_145 : memref<128x128xf32, #tpu.memory_space<vmem>>) target(%dma_start3A_142 : memref<128x128xf32, #tpu.memory_space<hbm>>) target_semaphore(%dma_start3A_140 : memref<!tpu.dma_semaphore, #tpu.memory_space<semaphore_mem>>)
    %scan3A = arith.constant 0 : i32
    %scan3A_146 = arith.constant 128 : i32
    %scan3A_147 = arith.addi %scan3A, %scan3A_146 : i32
    %scan3A_148 = arith.constant 1 : i32
    %scan3A_149:16 = scf.for %scan3A_800 = %scan3A to %scan3A_147 step %scan3A_148 iter_args(%scan3A_801 = %broadcast_in_dim3A_66, %scan3A_802 = %broadcast_in_dim3A_66, %scan3A_803 = %broadcast_in_dim3A_66, %scan3A_804 = %broadcast_in_dim3A_66, %scan3A_805 = %broadcast_in_dim3A_66, %scan3A_806 = %broadcast_in_dim3A_66, %scan3A_807 = %broadcast_in_dim3A_66, %scan3A_808 = %broadcast_in_dim3A_66, %scan3A_809 = %broadcast_in_dim3A_66, %scan3A_810 = %broadcast_in_dim3A_66, %scan3A_811 = %broadcast_in_dim3A_66, %scan3A_812 = %broadcast_in_dim3A_66, %scan3A_813 = %broadcast_in_dim3A_66, %scan3A_814 = %broadcast_in_dim3A_66, %scan3A_815 = %broadcast_in_dim3A_66, %scan3A_816 = %broadcast_in_dim3A_66) -> (vector<16xf32>, vector<16xf32>, vector<16xf32>, vector<16xf32>, vector<16xf32>, vector<16xf32>, vector<16xf32>, vector<16xf32>, vector<16xf32>, vector<16xf32>, vector<16xf32>, vector<16xf32>, vector<16xf32>, vector<16xf32>, vector<16xf32>, vector<16xf32>)  : i32 {
      %add3A_817 = arith.constant 0 : i32
      %add3A_818 = arith.addi %add3A_817, %scan3A_800 : i32
      %get3A = arith.index_cast %add3A_818 : i32 to index
      %get3A_819 = arith.constant 0 : index
      %get3A_820 = tpu.vector_load %arg15[%get3A, %get3A_819] {strides = array<i32>} : memref<512x128xf32, #tpu.memory_space<vmem>>, vector<1x16xf32>,
      %get3A_821 = vector.shape_cast %get3A_820 : vector<1x16xf32> to vector<16xf32>
      %add3A_822 = arith.addf %scan3A_801, %get3A_821 : vector<16xf32>
      %mul3A_823 = arith.mulf %get3A_821, %get3A_821 : vector<16xf32>
      %add3A_824 = arith.addf %scan3A_809, %mul3A_823 : vector<16xf32>
      %add3A_825 = arith.constant 0 : i32
      %add3A_826 = arith.addi %add3A_825, %scan3A_800 : i32
      %get3A_827 = arith.index_cast %add3A_826 : i32 to index
      %get3A_828 = arith.constant 16 : index
      %get3A_829 = tpu.vector_load %arg15[%get3A_827, %get3A_828] {strides = array<i32>} : memref<512x128xf32, #tpu.memory_space<vmem>>, vector<1x16xf32>,
      %get3A_830 = vector.shape_cast %get3A_829 : vector<1x16xf32> to vector<16xf32>
      %add3A_831 = arith.addf %scan3A_802, %get3A_830 : vector<16xf32>
      %mul3A_832 = arith.mulf %get3A_830, %get3A_830 : vector<16xf32>
      %add3A_833 = arith.addf %scan3A_810, %mul3A_832 : vector<16xf32>
      %add3A_834 = arith.constant 0 : i32
      %add3A_835 = arith.addi %add3A_834, %scan3A_800 : i32
      %get3A_836 = arith.index_cast %add3A_835 : i32 to index
      %get3A_837 = arith.constant 32 : index
      %get3A_838 = tpu.vector_load %arg15[%get3A_836, %get3A_837] {strides = array<i32>} : memref<512x128xf32, #tpu.memory_space<vmem>>, vector<1x16xf32>,
      %get3A_839 = vector.shape_cast %get3A_838 : vector<1x16xf32> to vector<16xf32>
      %add3A_840 = arith.addf %scan3A_803, %get3A_839 : vector<16xf32>
      %mul3A_841 = arith.mulf %get3A_839, %get3A_839 : vector<16xf32>
      %add3A_842 = arith.addf %scan3A_811, %mul3A_841 : vector<16xf32>
      %add3A_843 = arith.constant 0 : i32
      %add3A_844 = arith.addi %add3A_843, %scan3A_800 : i32
      %get3A_845 = arith.index_cast %add3A_844 : i32 to index
      %get3A_846 = arith.constant 48 : index
      %get3A_847 = tpu.vector_load %arg15[%get3A_845, %get3A_846] {strides = array<i32>} : memref<512x128xf32, #tpu.memory_space<vmem>>, vector<1x16xf32>,
      %get3A_848 = vector.shape_cast %get3A_847 : vector<1x16xf32> to vector<16xf32>
      %add3A_849 = arith.addf %scan3A_804, %get3A_848 : vector<16xf32>
      %mul3A_850 = arith.mulf %get3A_848, %get3A_848 : vector<16xf32>
      %add3A_851 = arith.addf %scan3A_812, %mul3A_850 : vector<16xf32>
      %add3A_852 = arith.constant 0 : i32
      %add3A_853 = arith.addi %add3A_852, %scan3A_800 : i32
      %get3A_854 = arith.index_cast %add3A_853 : i32 to index
      %get3A_855 = arith.constant 64 : index
      %get3A_856 = tpu.vector_load %arg15[%get3A_854, %get3A_855] {strides = array<i32>} : memref<512x128xf32, #tpu.memory_space<vmem>>, vector<1x16xf32>,
      %get3A_857 = vector.shape_cast %get3A_856 : vector<1x16xf32> to vector<16xf32>
      %add3A_858 = arith.addf %scan3A_805, %get3A_857 : vector<16xf32>
      %mul3A_859 = arith.mulf %get3A_857, %get3A_857 : vector<16xf32>
      %add3A_860 = arith.addf %scan3A_813, %mul3A_859 : vector<16xf32>
      %add3A_861 = arith.constant 0 : i32
      %add3A_862 = arith.addi %add3A_861, %scan3A_800 : i32
      %get3A_863 = arith.index_cast %add3A_862 : i32 to index
      %get3A_864 = arith.constant 80 : index
      %get3A_865 = tpu.vector_load %arg15[%get3A_863, %get3A_864] {strides = array<i32>} : memref<512x128xf32, #tpu.memory_space<vmem>>, vector<1x16xf32>,
      %get3A_866 = vector.shape_cast %get3A_865 : vector<1x16xf32> to vector<16xf32>
      %add3A_867 = arith.addf %scan3A_806, %get3A_866 : vector<16xf32>
      %mul3A_868 = arith.mulf %get3A_866, %get3A_866 : vector<16xf32>
      %add3A_869 = arith.addf %scan3A_814, %mul3A_868 : vector<16xf32>
      %add3A_870 = arith.constant 0 : i32
      %add3A_871 = arith.addi %add3A_870, %scan3A_800 : i32
      %get3A_872 = arith.index_cast %add3A_871 : i32 to index
      %get3A_873 = arith.constant 96 : index
      %get3A_874 = tpu.vector_load %arg15[%get3A_872, %get3A_873] {strides = array<i32>} : memref<512x128xf32, #tpu.memory_space<vmem>>, vector<1x16xf32>,
      %get3A_875 = vector.shape_cast %get3A_874 : vector<1x16xf32> to vector<16xf32>
      %add3A_876 = arith.addf %scan3A_807, %get3A_875 : vector<16xf32>
      %mul3A_877 = arith.mulf %get3A_875, %get3A_875 : vector<16xf32>
      %add3A_878 = arith.addf %scan3A_815, %mul3A_877 : vector<16xf32>
      %add3A_879 = arith.constant 0 : i32
      %add3A_880 = arith.addi %add3A_879, %scan3A_800 : i32
      %get3A_881 = arith.index_cast %add3A_880 : i32 to index
      %get3A_882 = arith.constant 112 : index
      %get3A_883 = tpu.vector_load %arg15[%get3A_881, %get3A_882] {strides = array<i32>} : memref<512x128xf32, #tpu.memory_space<vmem>>, vector<1x16xf32>,
      %get3A_884 = vector.shape_cast %get3A_883 : vector<1x16xf32> to vector<16xf32>
      %add3A_885 = arith.addf %scan3A_808, %get3A_884 : vector<16xf32>
      %mul3A_886 = arith.mulf %get3A_884, %get3A_884 : vector<16xf32>
      %add3A_887 = arith.addf %scan3A_816, %mul3A_886 : vector<16xf32>
      scf.yield %add3A_822, %add3A_831, %add3A_840, %add3A_849, %add3A_858, %add3A_867, %add3A_876, %add3A_885, %add3A_824, %add3A_833, %add3A_842, %add3A_851, %add3A_860, %add3A_869, %add3A_878, %add3A_887 : vector<16xf32>, vector<16xf32>, vector<16xf32>, vector<16xf32>, vector<16xf32>, vector<16xf32>, vector<16xf32>, vector<16xf32>, vector<16xf32>, vector<16xf32>, vector<16xf32>, vector<16xf32>, vector<16xf32>, vector<16xf32>, vector<16xf32>, vector<16xf32>
    }
    %scan3A_150 = arith.constant 128 : i32
    %dma_wait3A_151 = arith.constant 0 : i32
    %dma_wait3A_152 = arith.constant 0 : i32
    %dma_wait3A_153 = arith.constant 0 : i32
    %dma_wait3A_154 = tpu.memref_slice %arg15[%dma_wait3A_152, %dma_wait3A_153] : memref<512x128xf32, #tpu.memory_space<vmem>> -> memref<128x128xf32, #tpu.memory_space<vmem>>
    %dma_wait3A_155 = arith.constant 0 : i32
    %dma_wait3A_156 = tpu.memref_slice %arg8[%add3A_132, %dma_wait3A_155] : memref<16384x128xf32, #tpu.memory_space<hbm>> -> memref<128x128xf32, #tpu.memory_space<hbm>>
    %dma_wait3A_157 = tpu.memref_slice %arg20[%dma_wait3A_151] : memref<4x!tpu.dma_semaphore, #tpu.memory_space<semaphore_mem>> -> memref<1x!tpu.dma_semaphore, #tpu.memory_space<semaphore_mem>>
    %dma_wait3A_158 = tpu.memref_squeeze %dma_wait3A_157 : memref<1x!tpu.dma_semaphore, #tpu.memory_space<semaphore_mem>> -> memref<!tpu.dma_semaphore, #tpu.memory_space<semaphore_mem>>
    %dma_wait3A_159 = arith.constant 0 : i32
    %dma_wait3A_160 = tpu.memref_slice %arg8[%add3A_132, %dma_wait3A_159] : memref<16384x128xf32, #tpu.memory_space<hbm>> -> memref<128x128xf32, #tpu.memory_space<hbm>>
    %dma_wait3A_161 = arith.constant 0 : i32
    %dma_wait3A_162 = arith.constant 0 : i32
    %dma_wait3A_163 = tpu.memref_slice %arg15[%dma_wait3A_161, %dma_wait3A_162] : memref<512x128xf32, #tpu.memory_space<vmem>> -> memref<128x128xf32, #tpu.memory_space<vmem>>
    tpu.wait_dma2 semaphore(%dma_wait3A_158 : memref<!tpu.dma_semaphore, #tpu.memory_space<semaphore_mem>>) src(%dma_wait3A_163 : memref<128x128xf32, #tpu.memory_space<vmem>>) dst(%dma_wait3A_160 : memref<128x128xf32, #tpu.memory_space<hbm>>)
    %dma_start3A_164 = arith.constant 0 : i32
    %dma_start3A_165 = arith.constant 0 : i32
    %dma_start3A_166 = arith.constant 0 : i32
    %dma_start3A_167 = arith.constant 0 : i32
    %dma_start3A_168 = tpu.memref_slice %arg15[%dma_start3A_166, %dma_start3A_167] : memref<512x128xf32, #tpu.memory_space<vmem>> -> memref<128x128xf32, #tpu.memory_space<vmem>>
    %dma_start3A_169 = arith.constant 0 : i32
    %dma_start3A_170 = tpu.memref_slice %arg14[%dma_start3A_164, %dma_start3A_169] : memref<4x128xi32, #tpu.memory_space<vmem>> -> memref<1x128xi32, #tpu.memory_space<vmem>>
    %dma_start3A_171 = tpu.memref_squeeze %dma_start3A_170 : memref<1x128xi32, #tpu.memory_space<vmem>> -> memref<128xi32, #tpu.memory_space<vmem>>
    %dma_start3A_172 = arith.constant 0 : i32
    %dma_start3A_173 = arith.constant 0 : i32
    %dma_start3A_174 = tpu.memref_slice %arg5[%dma_start3A_172, %dma_start3A_173] : memref<100000x128xf32, #tpu.memory_space<hbm>> -> memref<100000x128xf32, #tpu.memory_space<hbm>>
    %dma_start3A_175 = tpu.memref_slice %arg19[%dma_start3A_165] : memref<4x!tpu.dma_semaphore, #tpu.memory_space<semaphore_mem>> -> memref<1x!tpu.dma_semaphore, #tpu.memory_space<semaphore_mem>>
    %dma_start3A_176 = tpu.memref_squeeze %dma_start3A_175 : memref<1x!tpu.dma_semaphore, #tpu.memory_space<semaphore_mem>> -> memref<!tpu.dma_semaphore, #tpu.memory_space<semaphore_mem>>
    tpu.enqueue_indirect_dma source(%dma_start3A_174 : memref<100000x128xf32, #tpu.memory_space<hbm>>) target(%dma_start3A_168 : memref<128x128xf32, #tpu.memory_space<vmem>>) offsets(%dma_start3A_171 : memref<128xi32, #tpu.memory_space<vmem>>) semaphore(%dma_start3A_176 : memref<!tpu.dma_semaphore, #tpu.memory_space<semaphore_mem>>)
    %dma_wait3A_177 = arith.constant 1 : i32
    %dma_wait3A_178 = arith.constant 1 : i32
    %dma_wait3A_179 = arith.constant 128 : i32
    %dma_wait3A_180 = arith.constant 0 : i32
    %dma_wait3A_181 = tpu.memref_slice %arg15[%dma_wait3A_179, %dma_wait3A_180] : memref<512x128xf32, #tpu.memory_space<vmem>> -> memref<128x128xf32, #tpu.memory_space<vmem>>
    %dma_wait3A_182 = arith.constant 0 : i32
    %dma_wait3A_183 = tpu.memref_slice %arg13[%dma_wait3A_177, %dma_wait3A_182] : memref<4x128xi32, #tpu.memory_space<vmem>> -> memref<1x128xi32, #tpu.memory_space<vmem>>
    %dma_wait3A_184 = tpu.memref_squeeze %dma_wait3A_183 : memref<1x128xi32, #tpu.memory_space<vmem>> -> memref<128xi32, #tpu.memory_space<vmem>>
    %dma_wait3A_185 = arith.constant 0 : i32
    %dma_wait3A_186 = arith.constant 0 : i32
    %dma_wait3A_187 = tpu.memref_slice %arg4[%dma_wait3A_185, %dma_wait3A_186] : memref<100000x128xf32, #tpu.memory_space<hbm>> -> memref<100000x128xf32, #tpu.memory_space<hbm>>
    %dma_wait3A_188 = tpu.memref_slice %arg19[%dma_wait3A_178] : memref<4x!tpu.dma_semaphore, #tpu.memory_space<semaphore_mem>> -> memref<1x!tpu.dma_semaphore, #tpu.memory_space<semaphore_mem>>
    %dma_wait3A_189 = tpu.memref_squeeze %dma_wait3A_188 : memref<1x!tpu.dma_semaphore, #tpu.memory_space<semaphore_mem>> -> memref<!tpu.dma_semaphore, #tpu.memory_space<semaphore_mem>>
    tpu.wait_indirect_dma semaphore(%dma_wait3A_189 : memref<!tpu.dma_semaphore, #tpu.memory_space<semaphore_mem>>) src(%dma_wait3A_187 : memref<100000x128xf32, #tpu.memory_space<hbm>>) dst(%dma_wait3A_181 : memref<128x128xf32, #tpu.memory_space<vmem>>)
    %add3A_190 = arith.constant 128 : i32
    %add3A_191 = arith.addi %mul3A_2, %add3A_190 : i32
    %dma_start3A_192 = arith.constant 1 : i32
    %dma_start3A_193 = arith.constant 128 : i32
    %dma_start3A_194 = arith.constant 0 : i32
    %dma_start3A_195 = tpu.memref_slice %arg15[%dma_start3A_193, %dma_start3A_194] : memref<512x128xf32, #tpu.memory_space<vmem>> -> memref<128x128xf32, #tpu.memory_space<vmem>>
    %dma_start3A_196 = arith.constant 0 : i32
    %dma_start3A_197 = tpu.memref_slice %arg8[%add3A_191, %dma_start3A_196] : memref<16384x128xf32, #tpu.memory_space<hbm>> -> memref<128x128xf32, #tpu.memory_space<hbm>>
    %dma_start3A_198 = tpu.memref_slice %arg20[%dma_start3A_192] : memref<4x!tpu.dma_semaphore, #tpu.memory_space<semaphore_mem>> -> memref<1x!tpu.dma_semaphore, #tpu.memory_space<semaphore_mem>>
    %dma_start3A_199 = tpu.memref_squeeze %dma_start3A_198 : memref<1x!tpu.dma_semaphore, #tpu.memory_space<semaphore_mem>> -> memref<!tpu.dma_semaphore, #tpu.memory_space<semaphore_mem>>
    %dma_start3A_200 = arith.constant 0 : i32
    %dma_start3A_201 = tpu.memref_slice %arg8[%add3A_191, %dma_start3A_200] : memref<16384x128xf32, #tpu.memory_space<hbm>> -> memref<128x128xf32, #tpu.memory_space<hbm>>
    %dma_start3A_202 = arith.constant 128 : i32
    %dma_start3A_203 = arith.constant 0 : i32
    %dma_start3A_204 = tpu.memref_slice %arg15[%dma_start3A_202, %dma_start3A_203] : memref<512x128xf32, #tpu.memory_space<vmem>> -> memref<128x128xf32, #tpu.memory_space<vmem>>
    tpu.enqueue_dma source(%dma_start3A_204 : memref<128x128xf32, #tpu.memory_space<vmem>>) target(%dma_start3A_201 : memref<128x128xf32, #tpu.memory_space<hbm>>) target_semaphore(%dma_start3A_199 : memref<!tpu.dma_semaphore, #tpu.memory_space<semaphore_mem>>)
    %scan3A_205 = arith.constant 0 : i32
    %scan3A_206 = arith.constant 128 : i32
    %scan3A_207 = arith.addi %scan3A_205, %scan3A_206 : i32
    %scan3A_208 = arith.constant 1 : i32
    %scan3A_209:16 = scf.for %scan3A_800 = %scan3A_205 to %scan3A_207 step %scan3A_208 iter_args(%scan3A_801 = %scan3A_149#0, %scan3A_802 = %scan3A_149#1, %scan3A_803 = %scan3A_149#2, %scan3A_804 = %scan3A_149#3, %scan3A_805 = %scan3A_149#4, %scan3A_806 = %scan3A_149#5, %scan3A_807 = %scan3A_149#6, %scan3A_808 = %scan3A_149#7, %scan3A_809 = %scan3A_149#8, %scan3A_810 = %scan3A_149#9, %scan3A_811 = %scan3A_149#10, %scan3A_812 = %scan3A_149#11, %scan3A_813 = %scan3A_149#12, %scan3A_814 = %scan3A_149#13, %scan3A_815 = %scan3A_149#14, %scan3A_816 = %scan3A_149#15) -> (vector<16xf32>, vector<16xf32>, vector<16xf32>, vector<16xf32>, vector<16xf32>, vector<16xf32>, vector<16xf32>, vector<16xf32>, vector<16xf32>, vector<16xf32>, vector<16xf32>, vector<16xf32>, vector<16xf32>, vector<16xf32>, vector<16xf32>, vector<16xf32>)  : i32 {
      %add3A_817 = arith.constant 128 : i32
      %add3A_818 = arith.addi %add3A_817, %scan3A_800 : i32
      %get3A = arith.index_cast %add3A_818 : i32 to index
      %get3A_819 = arith.constant 0 : index
      %get3A_820 = tpu.vector_load %arg15[%get3A, %get3A_819] {strides = array<i32>} : memref<512x128xf32, #tpu.memory_space<vmem>>, vector<1x16xf32>,
      %get3A_821 = vector.shape_cast %get3A_820 : vector<1x16xf32> to vector<16xf32>
      %add3A_822 = arith.addf %scan3A_801, %get3A_821 : vector<16xf32>
      %mul3A_823 = arith.mulf %get3A_821, %get3A_821 : vector<16xf32>
      %add3A_824 = arith.addf %scan3A_809, %mul3A_823 : vector<16xf32>
      %add3A_825 = arith.constant 128 : i32
      %add3A_826 = arith.addi %add3A_825, %scan3A_800 : i32
      %get3A_827 = arith.index_cast %add3A_826 : i32 to index
      %get3A_828 = arith.constant 16 : index
      %get3A_829 = tpu.vector_load %arg15[%get3A_827, %get3A_828] {strides = array<i32>} : memref<512x128xf32, #tpu.memory_space<vmem>>, vector<1x16xf32>,
      %get3A_830 = vector.shape_cast %get3A_829 : vector<1x16xf32> to vector<16xf32>
      %add3A_831 = arith.addf %scan3A_802, %get3A_830 : vector<16xf32>
      %mul3A_832 = arith.mulf %get3A_830, %get3A_830 : vector<16xf32>
      %add3A_833 = arith.addf %scan3A_810, %mul3A_832 : vector<16xf32>
      %add3A_834 = arith.constant 128 : i32
      %add3A_835 = arith.addi %add3A_834, %scan3A_800 : i32
      %get3A_836 = arith.index_cast %add3A_835 : i32 to index
      %get3A_837 = arith.constant 32 : index
      %get3A_838 = tpu.vector_load %arg15[%get3A_836, %get3A_837] {strides = array<i32>} : memref<512x128xf32, #tpu.memory_space<vmem>>, vector<1x16xf32>,
      %get3A_839 = vector.shape_cast %get3A_838 : vector<1x16xf32> to vector<16xf32>
      %add3A_840 = arith.addf %scan3A_803, %get3A_839 : vector<16xf32>
      %mul3A_841 = arith.mulf %get3A_839, %get3A_839 : vector<16xf32>
      %add3A_842 = arith.addf %scan3A_811, %mul3A_841 : vector<16xf32>
      %add3A_843 = arith.constant 128 : i32
      %add3A_844 = arith.addi %add3A_843, %scan3A_800 : i32
      %get3A_845 = arith.index_cast %add3A_844 : i32 to index
      %get3A_846 = arith.constant 48 : index
      %get3A_847 = tpu.vector_load %arg15[%get3A_845, %get3A_846] {strides = array<i32>} : memref<512x128xf32, #tpu.memory_space<vmem>>, vector<1x16xf32>,
      %get3A_848 = vector.shape_cast %get3A_847 : vector<1x16xf32> to vector<16xf32>
      %add3A_849 = arith.addf %scan3A_804, %get3A_848 : vector<16xf32>
      %mul3A_850 = arith.mulf %get3A_848, %get3A_848 : vector<16xf32>
      %add3A_851 = arith.addf %scan3A_812, %mul3A_850 : vector<16xf32>
      %add3A_852 = arith.constant 128 : i32
      %add3A_853 = arith.addi %add3A_852, %scan3A_800 : i32
      %get3A_854 = arith.index_cast %add3A_853 : i32 to index
      %get3A_855 = arith.constant 64 : index
      %get3A_856 = tpu.vector_load %arg15[%get3A_854, %get3A_855] {strides = array<i32>} : memref<512x128xf32, #tpu.memory_space<vmem>>, vector<1x16xf32>,
      %get3A_857 = vector.shape_cast %get3A_856 : vector<1x16xf32> to vector<16xf32>
      %add3A_858 = arith.addf %scan3A_805, %get3A_857 : vector<16xf32>
      %mul3A_859 = arith.mulf %get3A_857, %get3A_857 : vector<16xf32>
      %add3A_860 = arith.addf %scan3A_813, %mul3A_859 : vector<16xf32>
      %add3A_861 = arith.constant 128 : i32
      %add3A_862 = arith.addi %add3A_861, %scan3A_800 : i32
      %get3A_863 = arith.index_cast %add3A_862 : i32 to index
      %get3A_864 = arith.constant 80 : index
      %get3A_865 = tpu.vector_load %arg15[%get3A_863, %get3A_864] {strides = array<i32>} : memref<512x128xf32, #tpu.memory_space<vmem>>, vector<1x16xf32>,
      %get3A_866 = vector.shape_cast %get3A_865 : vector<1x16xf32> to vector<16xf32>
      %add3A_867 = arith.addf %scan3A_806, %get3A_866 : vector<16xf32>
      %mul3A_868 = arith.mulf %get3A_866, %get3A_866 : vector<16xf32>
      %add3A_869 = arith.addf %scan3A_814, %mul3A_868 : vector<16xf32>
      %add3A_870 = arith.constant 128 : i32
      %add3A_871 = arith.addi %add3A_870, %scan3A_800 : i32
      %get3A_872 = arith.index_cast %add3A_871 : i32 to index
      %get3A_873 = arith.constant 96 : index
      %get3A_874 = tpu.vector_load %arg15[%get3A_872, %get3A_873] {strides = array<i32>} : memref<512x128xf32, #tpu.memory_space<vmem>>, vector<1x16xf32>,
      %get3A_875 = vector.shape_cast %get3A_874 : vector<1x16xf32> to vector<16xf32>
      %add3A_876 = arith.addf %scan3A_807, %get3A_875 : vector<16xf32>
      %mul3A_877 = arith.mulf %get3A_875, %get3A_875 : vector<16xf32>
      %add3A_878 = arith.addf %scan3A_815, %mul3A_877 : vector<16xf32>
      %add3A_879 = arith.constant 128 : i32
      %add3A_880 = arith.addi %add3A_879, %scan3A_800 : i32
      %get3A_881 = arith.index_cast %add3A_880 : i32 to index
      %get3A_882 = arith.constant 112 : index
      %get3A_883 = tpu.vector_load %arg15[%get3A_881, %get3A_882] {strides = array<i32>} : memref<512x128xf32, #tpu.memory_space<vmem>>, vector<1x16xf32>,
      %get3A_884 = vector.shape_cast %get3A_883 : vector<1x16xf32> to vector<16xf32>
      %add3A_885 = arith.addf %scan3A_808, %get3A_884 : vector<16xf32>
      %mul3A_886 = arith.mulf %get3A_884, %get3A_884 : vector<16xf32>
      %add3A_887 = arith.addf %scan3A_816, %mul3A_886 : vector<16xf32>
      scf.yield %add3A_822, %add3A_831, %add3A_840, %add3A_849, %add3A_858, %add3A_867, %add3A_876, %add3A_885, %add3A_824, %add3A_833, %add3A_842, %add3A_851, %add3A_860, %add3A_869, %add3A_878, %add3A_887 : vector<16xf32>, vector<16xf32>, vector<16xf32>, vector<16xf32>, vector<16xf32>, vector<16xf32>, vector<16xf32>, vector<16xf32>, vector<16xf32>, vector<16xf32>, vector<16xf32>, vector<16xf32>, vector<16xf32>, vector<16xf32>, vector<16xf32>, vector<16xf32>
    }
    %scan3A_210 = arith.constant 128 : i32
    %dma_wait3A_211 = arith.constant 1 : i32
    %dma_wait3A_212 = arith.constant 128 : i32
    %dma_wait3A_213 = arith.constant 0 : i32
    %dma_wait3A_214 = tpu.memref_slice %arg15[%dma_wait3A_212, %dma_wait3A_213] : memref<512x128xf32, #tpu.memory_space<vmem>> -> memref<128x128xf32, #tpu.memory_space<vmem>>
    %dma_wait3A_215 = arith.constant 0 : i32
    %dma_wait3A_216 = tpu.memref_slice %arg8[%add3A_191, %dma_wait3A_215] : memref<16384x128xf32, #tpu.memory_space<hbm>> -> memref<128x128xf32, #tpu.memory_space<hbm>>
    %dma_wait3A_217 = tpu.memref_slice %arg20[%dma_wait3A_211] : memref<4x!tpu.dma_semaphore, #tpu.memory_space<semaphore_mem>> -> memref<1x!tpu.dma_semaphore, #tpu.memory_space<semaphore_mem>>
    %dma_wait3A_218 = tpu.memref_squeeze %dma_wait3A_217 : memref<1x!tpu.dma_semaphore, #tpu.memory_space<semaphore_mem>> -> memref<!tpu.dma_semaphore, #tpu.memory_space<semaphore_mem>>
    %dma_wait3A_219 = arith.constant 0 : i32
    %dma_wait3A_220 = tpu.memref_slice %arg8[%add3A_191, %dma_wait3A_219] : memref<16384x128xf32, #tpu.memory_space<hbm>> -> memref<128x128xf32, #tpu.memory_space<hbm>>
    %dma_wait3A_221 = arith.constant 128 : i32
    %dma_wait3A_222 = arith.constant 0 : i32
    %dma_wait3A_223 = tpu.memref_slice %arg15[%dma_wait3A_221, %dma_wait3A_222] : memref<512x128xf32, #tpu.memory_space<vmem>> -> memref<128x128xf32, #tpu.memory_space<vmem>>
    tpu.wait_dma2 semaphore(%dma_wait3A_218 : memref<!tpu.dma_semaphore, #tpu.memory_space<semaphore_mem>>) src(%dma_wait3A_223 : memref<128x128xf32, #tpu.memory_space<vmem>>) dst(%dma_wait3A_220 : memref<128x128xf32, #tpu.memory_space<hbm>>)
    %dma_start3A_224 = arith.constant 1 : i32
    %dma_start3A_225 = arith.constant 1 : i32
    %dma_start3A_226 = arith.constant 128 : i32
    %dma_start3A_227 = arith.constant 0 : i32
    %dma_start3A_228 = tpu.memref_slice %arg15[%dma_start3A_226, %dma_start3A_227] : memref<512x128xf32, #tpu.memory_space<vmem>> -> memref<128x128xf32, #tpu.memory_space<vmem>>
    %dma_start3A_229 = arith.constant 0 : i32
    %dma_start3A_230 = tpu.memref_slice %arg14[%dma_start3A_224, %dma_start3A_229] : memref<4x128xi32, #tpu.memory_space<vmem>> -> memref<1x128xi32, #tpu.memory_space<vmem>>
    %dma_start3A_231 = tpu.memref_squeeze %dma_start3A_230 : memref<1x128xi32, #tpu.memory_space<vmem>> -> memref<128xi32, #tpu.memory_space<vmem>>
    %dma_start3A_232 = arith.constant 0 : i32
    %dma_start3A_233 = arith.constant 0 : i32
    %dma_start3A_234 = tpu.memref_slice %arg5[%dma_start3A_232, %dma_start3A_233] : memref<100000x128xf32, #tpu.memory_space<hbm>> -> memref<100000x128xf32, #tpu.memory_space<hbm>>
    %dma_start3A_235 = tpu.memref_slice %arg19[%dma_start3A_225] : memref<4x!tpu.dma_semaphore, #tpu.memory_space<semaphore_mem>> -> memref<1x!tpu.dma_semaphore, #tpu.memory_space<semaphore_mem>>
    %dma_start3A_236 = tpu.memref_squeeze %dma_start3A_235 : memref<1x!tpu.dma_semaphore, #tpu.memory_space<semaphore_mem>> -> memref<!tpu.dma_semaphore, #tpu.memory_space<semaphore_mem>>
    tpu.enqueue_indirect_dma source(%dma_start3A_234 : memref<100000x128xf32, #tpu.memory_space<hbm>>) target(%dma_start3A_228 : memref<128x128xf32, #tpu.memory_space<vmem>>) offsets(%dma_start3A_231 : memref<128xi32, #tpu.memory_space<vmem>>) semaphore(%dma_start3A_236 : memref<!tpu.dma_semaphore, #tpu.memory_space<semaphore_mem>>)
    %dma_wait3A_237 = arith.constant 2 : i32
    %dma_wait3A_238 = arith.constant 2 : i32
    %dma_wait3A_239 = arith.constant 256 : i32
    %dma_wait3A_240 = arith.constant 0 : i32
    %dma_wait3A_241 = tpu.memref_slice %arg15[%dma_wait3A_239, %dma_wait3A_240] : memref<512x128xf32, #tpu.memory_space<vmem>> -> memref<128x128xf32, #tpu.memory_space<vmem>>
    %dma_wait3A_242 = arith.constant 0 : i32
    %dma_wait3A_243 = tpu.memref_slice %arg13[%dma_wait3A_237, %dma_wait3A_242] : memref<4x128xi32, #tpu.memory_space<vmem>> -> memref<1x128xi32, #tpu.memory_space<vmem>>
    %dma_wait3A_244 = tpu.memref_squeeze %dma_wait3A_243 : memref<1x128xi32, #tpu.memory_space<vmem>> -> memref<128xi32, #tpu.memory_space<vmem>>
    %dma_wait3A_245 = arith.constant 0 : i32
    %dma_wait3A_246 = arith.constant 0 : i32
    %dma_wait3A_247 = tpu.memref_slice %arg4[%dma_wait3A_245, %dma_wait3A_246] : memref<100000x128xf32, #tpu.memory_space<hbm>> -> memref<100000x128xf32, #tpu.memory_space<hbm>>
    %dma_wait3A_248 = tpu.memref_slice %arg19[%dma_wait3A_238] : memref<4x!tpu.dma_semaphore, #tpu.memory_space<semaphore_mem>> -> memref<1x!tpu.dma_semaphore, #tpu.memory_space<semaphore_mem>>
    %dma_wait3A_249 = tpu.memref_squeeze %dma_wait3A_248 : memref<1x!tpu.dma_semaphore, #tpu.memory_space<semaphore_mem>> -> memref<!tpu.dma_semaphore, #tpu.memory_space<semaphore_mem>>
    tpu.wait_indirect_dma semaphore(%dma_wait3A_249 : memref<!tpu.dma_semaphore, #tpu.memory_space<semaphore_mem>>) src(%dma_wait3A_247 : memref<100000x128xf32, #tpu.memory_space<hbm>>) dst(%dma_wait3A_241 : memref<128x128xf32, #tpu.memory_space<vmem>>)
    %add3A_250 = arith.constant 256 : i32
    %add3A_251 = arith.addi %mul3A_2, %add3A_250 : i32
    %dma_start3A_252 = arith.constant 2 : i32
    %dma_start3A_253 = arith.constant 256 : i32
    %dma_start3A_254 = arith.constant 0 : i32
    %dma_start3A_255 = tpu.memref_slice %arg15[%dma_start3A_253, %dma_start3A_254] : memref<512x128xf32, #tpu.memory_space<vmem>> -> memref<128x128xf32, #tpu.memory_space<vmem>>
    %dma_start3A_256 = arith.constant 0 : i32
    %dma_start3A_257 = tpu.memref_slice %arg8[%add3A_251, %dma_start3A_256] : memref<16384x128xf32, #tpu.memory_space<hbm>> -> memref<128x128xf32, #tpu.memory_space<hbm>>
    %dma_start3A_258 = tpu.memref_slice %arg20[%dma_start3A_252] : memref<4x!tpu.dma_semaphore, #tpu.memory_space<semaphore_mem>> -> memref<1x!tpu.dma_semaphore, #tpu.memory_space<semaphore_mem>>
    %dma_start3A_259 = tpu.memref_squeeze %dma_start3A_258 : memref<1x!tpu.dma_semaphore, #tpu.memory_space<semaphore_mem>> -> memref<!tpu.dma_semaphore, #tpu.memory_space<semaphore_mem>>
    %dma_start3A_260 = arith.constant 0 : i32
    %dma_start3A_261 = tpu.memref_slice %arg8[%add3A_251, %dma_start3A_260] : memref<16384x128xf32, #tpu.memory_space<hbm>> -> memref<128x128xf32, #tpu.memory_space<hbm>>
    %dma_start3A_262 = arith.constant 256 : i32
    %dma_start3A_263 = arith.constant 0 : i32
    %dma_start3A_264 = tpu.memref_slice %arg15[%dma_start3A_262, %dma_start3A_263] : memref<512x128xf32, #tpu.memory_space<vmem>> -> memref<128x128xf32, #tpu.memory_space<vmem>>
    tpu.enqueue_dma source(%dma_start3A_264 : memref<128x128xf32, #tpu.memory_space<vmem>>) target(%dma_start3A_261 : memref<128x128xf32, #tpu.memory_space<hbm>>) target_semaphore(%dma_start3A_259 : memref<!tpu.dma_semaphore, #tpu.memory_space<semaphore_mem>>)
    %scan3A_265 = arith.constant 0 : i32
    %scan3A_266 = arith.constant 128 : i32
    %scan3A_267 = arith.addi %scan3A_265, %scan3A_266 : i32
    %scan3A_268 = arith.constant 1 : i32
    %scan3A_269:16 = scf.for %scan3A_800 = %scan3A_265 to %scan3A_267 step %scan3A_268 iter_args(%scan3A_801 = %scan3A_209#0, %scan3A_802 = %scan3A_209#1, %scan3A_803 = %scan3A_209#2, %scan3A_804 = %scan3A_209#3, %scan3A_805 = %scan3A_209#4, %scan3A_806 = %scan3A_209#5, %scan3A_807 = %scan3A_209#6, %scan3A_808 = %scan3A_209#7, %scan3A_809 = %scan3A_209#8, %scan3A_810 = %scan3A_209#9, %scan3A_811 = %scan3A_209#10, %scan3A_812 = %scan3A_209#11, %scan3A_813 = %scan3A_209#12, %scan3A_814 = %scan3A_209#13, %scan3A_815 = %scan3A_209#14, %scan3A_816 = %scan3A_209#15) -> (vector<16xf32>, vector<16xf32>, vector<16xf32>, vector<16xf32>, vector<16xf32>, vector<16xf32>, vector<16xf32>, vector<16xf32>, vector<16xf32>, vector<16xf32>, vector<16xf32>, vector<16xf32>, vector<16xf32>, vector<16xf32>, vector<16xf32>, vector<16xf32>)  : i32 {
      %add3A_817 = arith.constant 256 : i32
      %add3A_818 = arith.addi %add3A_817, %scan3A_800 : i32
      %get3A = arith.index_cast %add3A_818 : i32 to index
      %get3A_819 = arith.constant 0 : index
      %get3A_820 = tpu.vector_load %arg15[%get3A, %get3A_819] {strides = array<i32>} : memref<512x128xf32, #tpu.memory_space<vmem>>, vector<1x16xf32>,
      %get3A_821 = vector.shape_cast %get3A_820 : vector<1x16xf32> to vector<16xf32>
      %add3A_822 = arith.addf %scan3A_801, %get3A_821 : vector<16xf32>
      %mul3A_823 = arith.mulf %get3A_821, %get3A_821 : vector<16xf32>
      %add3A_824 = arith.addf %scan3A_809, %mul3A_823 : vector<16xf32>
      %add3A_825 = arith.constant 256 : i32
      %add3A_826 = arith.addi %add3A_825, %scan3A_800 : i32
      %get3A_827 = arith.index_cast %add3A_826 : i32 to index
      %get3A_828 = arith.constant 16 : index
      %get3A_829 = tpu.vector_load %arg15[%get3A_827, %get3A_828] {strides = array<i32>} : memref<512x128xf32, #tpu.memory_space<vmem>>, vector<1x16xf32>,
      %get3A_830 = vector.shape_cast %get3A_829 : vector<1x16xf32> to vector<16xf32>
      %add3A_831 = arith.addf %scan3A_802, %get3A_830 : vector<16xf32>
      %mul3A_832 = arith.mulf %get3A_830, %get3A_830 : vector<16xf32>
      %add3A_833 = arith.addf %scan3A_810, %mul3A_832 : vector<16xf32>
      %add3A_834 = arith.constant 256 : i32
      %add3A_835 = arith.addi %add3A_834, %scan3A_800 : i32
      %get3A_836 = arith.index_cast %add3A_835 : i32 to index
      %get3A_837 = arith.constant 32 : index
      %get3A_838 = tpu.vector_load %arg15[%get3A_836, %get3A_837] {strides = array<i32>} : memref<512x128xf32, #tpu.memory_space<vmem>>, vector<1x16xf32>,
      %get3A_839 = vector.shape_cast %get3A_838 : vector<1x16xf32> to vector<16xf32>
      %add3A_840 = arith.addf %scan3A_803, %get3A_839 : vector<16xf32>
      %mul3A_841 = arith.mulf %get3A_839, %get3A_839 : vector<16xf32>
      %add3A_842 = arith.addf %scan3A_811, %mul3A_841 : vector<16xf32>
      %add3A_843 = arith.constant 256 : i32
      %add3A_844 = arith.addi %add3A_843, %scan3A_800 : i32
      %get3A_845 = arith.index_cast %add3A_844 : i32 to index
      %get3A_846 = arith.constant 48 : index
      %get3A_847 = tpu.vector_load %arg15[%get3A_845, %get3A_846] {strides = array<i32>} : memref<512x128xf32, #tpu.memory_space<vmem>>, vector<1x16xf32>,
      %get3A_848 = vector.shape_cast %get3A_847 : vector<1x16xf32> to vector<16xf32>
      %add3A_849 = arith.addf %scan3A_804, %get3A_848 : vector<16xf32>
      %mul3A_850 = arith.mulf %get3A_848, %get3A_848 : vector<16xf32>
      %add3A_851 = arith.addf %scan3A_812, %mul3A_850 : vector<16xf32>
      %add3A_852 = arith.constant 256 : i32
      %add3A_853 = arith.addi %add3A_852, %scan3A_800 : i32
      %get3A_854 = arith.index_cast %add3A_853 : i32 to index
      %get3A_855 = arith.constant 64 : index
      %get3A_856 = tpu.vector_load %arg15[%get3A_854, %get3A_855] {strides = array<i32>} : memref<512x128xf32, #tpu.memory_space<vmem>>, vector<1x16xf32>,
      %get3A_857 = vector.shape_cast %get3A_856 : vector<1x16xf32> to vector<16xf32>
      %add3A_858 = arith.addf %scan3A_805, %get3A_857 : vector<16xf32>
      %mul3A_859 = arith.mulf %get3A_857, %get3A_857 : vector<16xf32>
      %add3A_860 = arith.addf %scan3A_813, %mul3A_859 : vector<16xf32>
      %add3A_861 = arith.constant 256 : i32
      %add3A_862 = arith.addi %add3A_861, %scan3A_800 : i32
      %get3A_863 = arith.index_cast %add3A_862 : i32 to index
      %get3A_864 = arith.constant 80 : index
      %get3A_865 = tpu.vector_load %arg15[%get3A_863, %get3A_864] {strides = array<i32>} : memref<512x128xf32, #tpu.memory_space<vmem>>, vector<1x16xf32>,
      %get3A_866 = vector.shape_cast %get3A_865 : vector<1x16xf32> to vector<16xf32>
      %add3A_867 = arith.addf %scan3A_806, %get3A_866 : vector<16xf32>
      %mul3A_868 = arith.mulf %get3A_866, %get3A_866 : vector<16xf32>
      %add3A_869 = arith.addf %scan3A_814, %mul3A_868 : vector<16xf32>
      %add3A_870 = arith.constant 256 : i32
      %add3A_871 = arith.addi %add3A_870, %scan3A_800 : i32
      %get3A_872 = arith.index_cast %add3A_871 : i32 to index
      %get3A_873 = arith.constant 96 : index
      %get3A_874 = tpu.vector_load %arg15[%get3A_872, %get3A_873] {strides = array<i32>} : memref<512x128xf32, #tpu.memory_space<vmem>>, vector<1x16xf32>,
      %get3A_875 = vector.shape_cast %get3A_874 : vector<1x16xf32> to vector<16xf32>
      %add3A_876 = arith.addf %scan3A_807, %get3A_875 : vector<16xf32>
      %mul3A_877 = arith.mulf %get3A_875, %get3A_875 : vector<16xf32>
      %add3A_878 = arith.addf %scan3A_815, %mul3A_877 : vector<16xf32>
      %add3A_879 = arith.constant 256 : i32
      %add3A_880 = arith.addi %add3A_879, %scan3A_800 : i32
      %get3A_881 = arith.index_cast %add3A_880 : i32 to index
      %get3A_882 = arith.constant 112 : index
      %get3A_883 = tpu.vector_load %arg15[%get3A_881, %get3A_882] {strides = array<i32>} : memref<512x128xf32, #tpu.memory_space<vmem>>, vector<1x16xf32>,
      %get3A_884 = vector.shape_cast %get3A_883 : vector<1x16xf32> to vector<16xf32>
      %add3A_885 = arith.addf %scan3A_808, %get3A_884 : vector<16xf32>
      %mul3A_886 = arith.mulf %get3A_884, %get3A_884 : vector<16xf32>
      %add3A_887 = arith.addf %scan3A_816, %mul3A_886 : vector<16xf32>
      scf.yield %add3A_822, %add3A_831, %add3A_840, %add3A_849, %add3A_858, %add3A_867, %add3A_876, %add3A_885, %add3A_824, %add3A_833, %add3A_842, %add3A_851, %add3A_860, %add3A_869, %add3A_878, %add3A_887 : vector<16xf32>, vector<16xf32>, vector<16xf32>, vector<16xf32>, vector<16xf32>, vector<16xf32>, vector<16xf32>, vector<16xf32>, vector<16xf32>, vector<16xf32>, vector<16xf32>, vector<16xf32>, vector<16xf32>, vector<16xf32>, vector<16xf32>, vector<16xf32>
    }
    %scan3A_270 = arith.constant 128 : i32
    %dma_wait3A_271 = arith.constant 2 : i32
    %dma_wait3A_272 = arith.constant 256 : i32
    %dma_wait3A_273 = arith.constant 0 : i32
    %dma_wait3A_274 = tpu.memref_slice %arg15[%dma_wait3A_272, %dma_wait3A_273] : memref<512x128xf32, #tpu.memory_space<vmem>> -> memref<128x128xf32, #tpu.memory_space<vmem>>
    %dma_wait3A_275 = arith.constant 0 : i32
    %dma_wait3A_276 = tpu.memref_slice %arg8[%add3A_251, %dma_wait3A_275] : memref<16384x128xf32, #tpu.memory_space<hbm>> -> memref<128x128xf32, #tpu.memory_space<hbm>>
    %dma_wait3A_277 = tpu.memref_slice %arg20[%dma_wait3A_271] : memref<4x!tpu.dma_semaphore, #tpu.memory_space<semaphore_mem>> -> memref<1x!tpu.dma_semaphore, #tpu.memory_space<semaphore_mem>>
    %dma_wait3A_278 = tpu.memref_squeeze %dma_wait3A_277 : memref<1x!tpu.dma_semaphore, #tpu.memory_space<semaphore_mem>> -> memref<!tpu.dma_semaphore, #tpu.memory_space<semaphore_mem>>
    %dma_wait3A_279 = arith.constant 0 : i32
    %dma_wait3A_280 = tpu.memref_slice %arg8[%add3A_251, %dma_wait3A_279] : memref<16384x128xf32, #tpu.memory_space<hbm>> -> memref<128x128xf32, #tpu.memory_space<hbm>>
    %dma_wait3A_281 = arith.constant 256 : i32
    %dma_wait3A_282 = arith.constant 0 : i32
    %dma_wait3A_283 = tpu.memref_slice %arg15[%dma_wait3A_281, %dma_wait3A_282] : memref<512x128xf32, #tpu.memory_space<vmem>> -> memref<128x128xf32, #tpu.memory_space<vmem>>
    tpu.wait_dma2 semaphore(%dma_wait3A_278 : memref<!tpu.dma_semaphore, #tpu.memory_space<semaphore_mem>>) src(%dma_wait3A_283 : memref<128x128xf32, #tpu.memory_space<vmem>>) dst(%dma_wait3A_280 : memref<128x128xf32, #tpu.memory_space<hbm>>)
    %dma_start3A_284 = arith.constant 2 : i32
    %dma_start3A_285 = arith.constant 2 : i32
    %dma_start3A_286 = arith.constant 256 : i32
    %dma_start3A_287 = arith.constant 0 : i32
    %dma_start3A_288 = tpu.memref_slice %arg15[%dma_start3A_286, %dma_start3A_287] : memref<512x128xf32, #tpu.memory_space<vmem>> -> memref<128x128xf32, #tpu.memory_space<vmem>>
    %dma_start3A_289 = arith.constant 0 : i32
    %dma_start3A_290 = tpu.memref_slice %arg14[%dma_start3A_284, %dma_start3A_289] : memref<4x128xi32, #tpu.memory_space<vmem>> -> memref<1x128xi32, #tpu.memory_space<vmem>>
    %dma_start3A_291 = tpu.memref_squeeze %dma_start3A_290 : memref<1x128xi32, #tpu.memory_space<vmem>> -> memref<128xi32, #tpu.memory_space<vmem>>
    %dma_start3A_292 = arith.constant 0 : i32
    %dma_start3A_293 = arith.constant 0 : i32
    %dma_start3A_294 = tpu.memref_slice %arg5[%dma_start3A_292, %dma_start3A_293] : memref<100000x128xf32, #tpu.memory_space<hbm>> -> memref<100000x128xf32, #tpu.memory_space<hbm>>
    %dma_start3A_295 = tpu.memref_slice %arg19[%dma_start3A_285] : memref<4x!tpu.dma_semaphore, #tpu.memory_space<semaphore_mem>> -> memref<1x!tpu.dma_semaphore, #tpu.memory_space<semaphore_mem>>
    %dma_start3A_296 = tpu.memref_squeeze %dma_start3A_295 : memref<1x!tpu.dma_semaphore, #tpu.memory_space<semaphore_mem>> -> memref<!tpu.dma_semaphore, #tpu.memory_space<semaphore_mem>>
    tpu.enqueue_indirect_dma source(%dma_start3A_294 : memref<100000x128xf32, #tpu.memory_space<hbm>>) target(%dma_start3A_288 : memref<128x128xf32, #tpu.memory_space<vmem>>) offsets(%dma_start3A_291 : memref<128xi32, #tpu.memory_space<vmem>>) semaphore(%dma_start3A_296 : memref<!tpu.dma_semaphore, #tpu.memory_space<semaphore_mem>>)
    %dma_wait3A_297 = arith.constant 3 : i32
    %dma_wait3A_298 = arith.constant 3 : i32
    %dma_wait3A_299 = arith.constant 384 : i32
    %dma_wait3A_300 = arith.constant 0 : i32
    %dma_wait3A_301 = tpu.memref_slice %arg15[%dma_wait3A_299, %dma_wait3A_300] : memref<512x128xf32, #tpu.memory_space<vmem>> -> memref<128x128xf32, #tpu.memory_space<vmem>>
    %dma_wait3A_302 = arith.constant 0 : i32
    %dma_wait3A_303 = tpu.memref_slice %arg13[%dma_wait3A_297, %dma_wait3A_302] : memref<4x128xi32, #tpu.memory_space<vmem>> -> memref<1x128xi32, #tpu.memory_space<vmem>>
    %dma_wait3A_304 = tpu.memref_squeeze %dma_wait3A_303 : memref<1x128xi32, #tpu.memory_space<vmem>> -> memref<128xi32, #tpu.memory_space<vmem>>
    %dma_wait3A_305 = arith.constant 0 : i32
    %dma_wait3A_306 = arith.constant 0 : i32
    %dma_wait3A_307 = tpu.memref_slice %arg4[%dma_wait3A_305, %dma_wait3A_306] : memref<100000x128xf32, #tpu.memory_space<hbm>> -> memref<100000x128xf32, #tpu.memory_space<hbm>>
    %dma_wait3A_308 = tpu.memref_slice %arg19[%dma_wait3A_298] : memref<4x!tpu.dma_semaphore, #tpu.memory_space<semaphore_mem>> -> memref<1x!tpu.dma_semaphore, #tpu.memory_space<semaphore_mem>>
    %dma_wait3A_309 = tpu.memref_squeeze %dma_wait3A_308 : memref<1x!tpu.dma_semaphore, #tpu.memory_space<semaphore_mem>> -> memref<!tpu.dma_semaphore, #tpu.memory_space<semaphore_mem>>
    tpu.wait_indirect_dma semaphore(%dma_wait3A_309 : memref<!tpu.dma_semaphore, #tpu.memory_space<semaphore_mem>>) src(%dma_wait3A_307 : memref<100000x128xf32, #tpu.memory_space<hbm>>) dst(%dma_wait3A_301 : memref<128x128xf32, #tpu.memory_space<vmem>>)
    %add3A_310 = arith.constant 384 : i32
    %add3A_311 = arith.addi %mul3A_2, %add3A_310 : i32
    %dma_start3A_312 = arith.constant 3 : i32
    %dma_start3A_313 = arith.constant 384 : i32
    %dma_start3A_314 = arith.constant 0 : i32
    %dma_start3A_315 = tpu.memref_slice %arg15[%dma_start3A_313, %dma_start3A_314] : memref<512x128xf32, #tpu.memory_space<vmem>> -> memref<128x128xf32, #tpu.memory_space<vmem>>
    %dma_start3A_316 = arith.constant 0 : i32
    %dma_start3A_317 = tpu.memref_slice %arg8[%add3A_311, %dma_start3A_316] : memref<16384x128xf32, #tpu.memory_space<hbm>> -> memref<128x128xf32, #tpu.memory_space<hbm>>
    %dma_start3A_318 = tpu.memref_slice %arg20[%dma_start3A_312] : memref<4x!tpu.dma_semaphore, #tpu.memory_space<semaphore_mem>> -> memref<1x!tpu.dma_semaphore, #tpu.memory_space<semaphore_mem>>
    %dma_start3A_319 = tpu.memref_squeeze %dma_start3A_318 : memref<1x!tpu.dma_semaphore, #tpu.memory_space<semaphore_mem>> -> memref<!tpu.dma_semaphore, #tpu.memory_space<semaphore_mem>>
    %dma_start3A_320 = arith.constant 0 : i32
    %dma_start3A_321 = tpu.memref_slice %arg8[%add3A_311, %dma_start3A_320] : memref<16384x128xf32, #tpu.memory_space<hbm>> -> memref<128x128xf32, #tpu.memory_space<hbm>>
    %dma_start3A_322 = arith.constant 384 : i32
    %dma_start3A_323 = arith.constant 0 : i32
    %dma_start3A_324 = tpu.memref_slice %arg15[%dma_start3A_322, %dma_start3A_323] : memref<512x128xf32, #tpu.memory_space<vmem>> -> memref<128x128xf32, #tpu.memory_space<vmem>>
    tpu.enqueue_dma source(%dma_start3A_324 : memref<128x128xf32, #tpu.memory_space<vmem>>) target(%dma_start3A_321 : memref<128x128xf32, #tpu.memory_space<hbm>>) target_semaphore(%dma_start3A_319 : memref<!tpu.dma_semaphore, #tpu.memory_space<semaphore_mem>>)
    %scan3A_325 = arith.constant 0 : i32
    %scan3A_326 = arith.constant 128 : i32
    %scan3A_327 = arith.addi %scan3A_325, %scan3A_326 : i32
    %scan3A_328 = arith.constant 1 : i32
    %scan3A_329:16 = scf.for %scan3A_800 = %scan3A_325 to %scan3A_327 step %scan3A_328 iter_args(%scan3A_801 = %scan3A_269#0, %scan3A_802 = %scan3A_269#1, %scan3A_803 = %scan3A_269#2, %scan3A_804 = %scan3A_269#3, %scan3A_805 = %scan3A_269#4, %scan3A_806 = %scan3A_269#5, %scan3A_807 = %scan3A_269#6, %scan3A_808 = %scan3A_269#7, %scan3A_809 = %scan3A_269#8, %scan3A_810 = %scan3A_269#9, %scan3A_811 = %scan3A_269#10, %scan3A_812 = %scan3A_269#11, %scan3A_813 = %scan3A_269#12, %scan3A_814 = %scan3A_269#13, %scan3A_815 = %scan3A_269#14, %scan3A_816 = %scan3A_269#15) -> (vector<16xf32>, vector<16xf32>, vector<16xf32>, vector<16xf32>, vector<16xf32>, vector<16xf32>, vector<16xf32>, vector<16xf32>, vector<16xf32>, vector<16xf32>, vector<16xf32>, vector<16xf32>, vector<16xf32>, vector<16xf32>, vector<16xf32>, vector<16xf32>)  : i32 {
      %add3A_817 = arith.constant 384 : i32
      %add3A_818 = arith.addi %add3A_817, %scan3A_800 : i32
      %get3A = arith.index_cast %add3A_818 : i32 to index
      %get3A_819 = arith.constant 0 : index
      %get3A_820 = tpu.vector_load %arg15[%get3A, %get3A_819] {strides = array<i32>} : memref<512x128xf32, #tpu.memory_space<vmem>>, vector<1x16xf32>,
      %get3A_821 = vector.shape_cast %get3A_820 : vector<1x16xf32> to vector<16xf32>
      %add3A_822 = arith.addf %scan3A_801, %get3A_821 : vector<16xf32>
      %mul3A_823 = arith.mulf %get3A_821, %get3A_821 : vector<16xf32>
      %add3A_824 = arith.addf %scan3A_809, %mul3A_823 : vector<16xf32>
      %add3A_825 = arith.constant 384 : i32
      %add3A_826 = arith.addi %add3A_825, %scan3A_800 : i32
      %get3A_827 = arith.index_cast %add3A_826 : i32 to index
      %get3A_828 = arith.constant 16 : index
      %get3A_829 = tpu.vector_load %arg15[%get3A_827, %get3A_828] {strides = array<i32>} : memref<512x128xf32, #tpu.memory_space<vmem>>, vector<1x16xf32>,
      %get3A_830 = vector.shape_cast %get3A_829 : vector<1x16xf32> to vector<16xf32>
      %add3A_831 = arith.addf %scan3A_802, %get3A_830 : vector<16xf32>
      %mul3A_832 = arith.mulf %get3A_830, %get3A_830 : vector<16xf32>
      %add3A_833 = arith.addf %scan3A_810, %mul3A_832 : vector<16xf32>
      %add3A_834 = arith.constant 384 : i32
      %add3A_835 = arith.addi %add3A_834, %scan3A_800 : i32
      %get3A_836 = arith.index_cast %add3A_835 : i32 to index
      %get3A_837 = arith.constant 32 : index
      %get3A_838 = tpu.vector_load %arg15[%get3A_836, %get3A_837] {strides = array<i32>} : memref<512x128xf32, #tpu.memory_space<vmem>>, vector<1x16xf32>,
      %get3A_839 = vector.shape_cast %get3A_838 : vector<1x16xf32> to vector<16xf32>
      %add3A_840 = arith.addf %scan3A_803, %get3A_839 : vector<16xf32>
      %mul3A_841 = arith.mulf %get3A_839, %get3A_839 : vector<16xf32>
      %add3A_842 = arith.addf %scan3A_811, %mul3A_841 : vector<16xf32>
      %add3A_843 = arith.constant 384 : i32
      %add3A_844 = arith.addi %add3A_843, %scan3A_800 : i32
      %get3A_845 = arith.index_cast %add3A_844 : i32 to index
      %get3A_846 = arith.constant 48 : index
      %get3A_847 = tpu.vector_load %arg15[%get3A_845, %get3A_846] {strides = array<i32>} : memref<512x128xf32, #tpu.memory_space<vmem>>, vector<1x16xf32>,
      %get3A_848 = vector.shape_cast %get3A_847 : vector<1x16xf32> to vector<16xf32>
      %add3A_849 = arith.addf %scan3A_804, %get3A_848 : vector<16xf32>
      %mul3A_850 = arith.mulf %get3A_848, %get3A_848 : vector<16xf32>
      %add3A_851 = arith.addf %scan3A_812, %mul3A_850 : vector<16xf32>
      %add3A_852 = arith.constant 384 : i32
      %add3A_853 = arith.addi %add3A_852, %scan3A_800 : i32
      %get3A_854 = arith.index_cast %add3A_853 : i32 to index
      %get3A_855 = arith.constant 64 : index
      %get3A_856 = tpu.vector_load %arg15[%get3A_854, %get3A_855] {strides = array<i32>} : memref<512x128xf32, #tpu.memory_space<vmem>>, vector<1x16xf32>,
      %get3A_857 = vector.shape_cast %get3A_856 : vector<1x16xf32> to vector<16xf32>
      %add3A_858 = arith.addf %scan3A_805, %get3A_857 : vector<16xf32>
      %mul3A_859 = arith.mulf %get3A_857, %get3A_857 : vector<16xf32>
      %add3A_860 = arith.addf %scan3A_813, %mul3A_859 : vector<16xf32>
      %add3A_861 = arith.constant 384 : i32
      %add3A_862 = arith.addi %add3A_861, %scan3A_800 : i32
      %get3A_863 = arith.index_cast %add3A_862 : i32 to index
      %get3A_864 = arith.constant 80 : index
      %get3A_865 = tpu.vector_load %arg15[%get3A_863, %get3A_864] {strides = array<i32>} : memref<512x128xf32, #tpu.memory_space<vmem>>, vector<1x16xf32>,
      %get3A_866 = vector.shape_cast %get3A_865 : vector<1x16xf32> to vector<16xf32>
      %add3A_867 = arith.addf %scan3A_806, %get3A_866 : vector<16xf32>
      %mul3A_868 = arith.mulf %get3A_866, %get3A_866 : vector<16xf32>
      %add3A_869 = arith.addf %scan3A_814, %mul3A_868 : vector<16xf32>
      %add3A_870 = arith.constant 384 : i32
      %add3A_871 = arith.addi %add3A_870, %scan3A_800 : i32
      %get3A_872 = arith.index_cast %add3A_871 : i32 to index
      %get3A_873 = arith.constant 96 : index
      %get3A_874 = tpu.vector_load %arg15[%get3A_872, %get3A_873] {strides = array<i32>} : memref<512x128xf32, #tpu.memory_space<vmem>>, vector<1x16xf32>,
      %get3A_875 = vector.shape_cast %get3A_874 : vector<1x16xf32> to vector<16xf32>
      %add3A_876 = arith.addf %scan3A_807, %get3A_875 : vector<16xf32>
      %mul3A_877 = arith.mulf %get3A_875, %get3A_875 : vector<16xf32>
      %add3A_878 = arith.addf %scan3A_815, %mul3A_877 : vector<16xf32>
      %add3A_879 = arith.constant 384 : i32
      %add3A_880 = arith.addi %add3A_879, %scan3A_800 : i32
      %get3A_881 = arith.index_cast %add3A_880 : i32 to index
      %get3A_882 = arith.constant 112 : index
      %get3A_883 = tpu.vector_load %arg15[%get3A_881, %get3A_882] {strides = array<i32>} : memref<512x128xf32, #tpu.memory_space<vmem>>, vector<1x16xf32>,
      %get3A_884 = vector.shape_cast %get3A_883 : vector<1x16xf32> to vector<16xf32>
      %add3A_885 = arith.addf %scan3A_808, %get3A_884 : vector<16xf32>
      %mul3A_886 = arith.mulf %get3A_884, %get3A_884 : vector<16xf32>
      %add3A_887 = arith.addf %scan3A_816, %mul3A_886 : vector<16xf32>
      scf.yield %add3A_822, %add3A_831, %add3A_840, %add3A_849, %add3A_858, %add3A_867, %add3A_876, %add3A_885, %add3A_824, %add3A_833, %add3A_842, %add3A_851, %add3A_860, %add3A_869, %add3A_878, %add3A_887 : vector<16xf32>, vector<16xf32>, vector<16xf32>, vector<16xf32>, vector<16xf32>, vector<16xf32>, vector<16xf32>, vector<16xf32>, vector<16xf32>, vector<16xf32>, vector<16xf32>, vector<16xf32>, vector<16xf32>, vector<16xf32>, vector<16xf32>, vector<16xf32>
    }
    %scan3A_330 = arith.constant 128 : i32
    %dma_wait3A_331 = arith.constant 3 : i32
    %dma_wait3A_332 = arith.constant 384 : i32
    %dma_wait3A_333 = arith.constant 0 : i32
    %dma_wait3A_334 = tpu.memref_slice %arg15[%dma_wait3A_332, %dma_wait3A_333] : memref<512x128xf32, #tpu.memory_space<vmem>> -> memref<128x128xf32, #tpu.memory_space<vmem>>
    %dma_wait3A_335 = arith.constant 0 : i32
    %dma_wait3A_336 = tpu.memref_slice %arg8[%add3A_311, %dma_wait3A_335] : memref<16384x128xf32, #tpu.memory_space<hbm>> -> memref<128x128xf32, #tpu.memory_space<hbm>>
    %dma_wait3A_337 = tpu.memref_slice %arg20[%dma_wait3A_331] : memref<4x!tpu.dma_semaphore, #tpu.memory_space<semaphore_mem>> -> memref<1x!tpu.dma_semaphore, #tpu.memory_space<semaphore_mem>>
    %dma_wait3A_338 = tpu.memref_squeeze %dma_wait3A_337 : memref<1x!tpu.dma_semaphore, #tpu.memory_space<semaphore_mem>> -> memref<!tpu.dma_semaphore, #tpu.memory_space<semaphore_mem>>
    %dma_wait3A_339 = arith.constant 0 : i32
    %dma_wait3A_340 = tpu.memref_slice %arg8[%add3A_311, %dma_wait3A_339] : memref<16384x128xf32, #tpu.memory_space<hbm>> -> memref<128x128xf32, #tpu.memory_space<hbm>>
    %dma_wait3A_341 = arith.constant 384 : i32
    %dma_wait3A_342 = arith.constant 0 : i32
    %dma_wait3A_343 = tpu.memref_slice %arg15[%dma_wait3A_341, %dma_wait3A_342] : memref<512x128xf32, #tpu.memory_space<vmem>> -> memref<128x128xf32, #tpu.memory_space<vmem>>
    tpu.wait_dma2 semaphore(%dma_wait3A_338 : memref<!tpu.dma_semaphore, #tpu.memory_space<semaphore_mem>>) src(%dma_wait3A_343 : memref<128x128xf32, #tpu.memory_space<vmem>>) dst(%dma_wait3A_340 : memref<128x128xf32, #tpu.memory_space<hbm>>)
    %dma_start3A_344 = arith.constant 3 : i32
    %dma_start3A_345 = arith.constant 3 : i32
    %dma_start3A_346 = arith.constant 384 : i32
    %dma_start3A_347 = arith.constant 0 : i32
    %dma_start3A_348 = tpu.memref_slice %arg15[%dma_start3A_346, %dma_start3A_347] : memref<512x128xf32, #tpu.memory_space<vmem>> -> memref<128x128xf32, #tpu.memory_space<vmem>>
    %dma_start3A_349 = arith.constant 0 : i32
    %dma_start3A_350 = tpu.memref_slice %arg14[%dma_start3A_344, %dma_start3A_349] : memref<4x128xi32, #tpu.memory_space<vmem>> -> memref<1x128xi32, #tpu.memory_space<vmem>>
    %dma_start3A_351 = tpu.memref_squeeze %dma_start3A_350 : memref<1x128xi32, #tpu.memory_space<vmem>> -> memref<128xi32, #tpu.memory_space<vmem>>
    %dma_start3A_352 = arith.constant 0 : i32
    %dma_start3A_353 = arith.constant 0 : i32
    %dma_start3A_354 = tpu.memref_slice %arg5[%dma_start3A_352, %dma_start3A_353] : memref<100000x128xf32, #tpu.memory_space<hbm>> -> memref<100000x128xf32, #tpu.memory_space<hbm>>
    %dma_start3A_355 = tpu.memref_slice %arg19[%dma_start3A_345] : memref<4x!tpu.dma_semaphore, #tpu.memory_space<semaphore_mem>> -> memref<1x!tpu.dma_semaphore, #tpu.memory_space<semaphore_mem>>
    %dma_start3A_356 = tpu.memref_squeeze %dma_start3A_355 : memref<1x!tpu.dma_semaphore, #tpu.memory_space<semaphore_mem>> -> memref<!tpu.dma_semaphore, #tpu.memory_space<semaphore_mem>>
    tpu.enqueue_indirect_dma source(%dma_start3A_354 : memref<100000x128xf32, #tpu.memory_space<hbm>>) target(%dma_start3A_348 : memref<128x128xf32, #tpu.memory_space<vmem>>) offsets(%dma_start3A_351 : memref<128xi32, #tpu.memory_space<vmem>>) semaphore(%dma_start3A_356 : memref<!tpu.dma_semaphore, #tpu.memory_space<semaphore_mem>>)
    %dma_wait3A_357 = arith.constant 0 : i32
    %dma_wait3A_358 = arith.constant 0 : i32
    %dma_wait3A_359 = arith.constant 0 : i32
    %dma_wait3A_360 = arith.constant 0 : i32
    %dma_wait3A_361 = tpu.memref_slice %arg15[%dma_wait3A_359, %dma_wait3A_360] : memref<512x128xf32, #tpu.memory_space<vmem>> -> memref<128x128xf32, #tpu.memory_space<vmem>>
    %dma_wait3A_362 = arith.constant 0 : i32
    %dma_wait3A_363 = tpu.memref_slice %arg14[%dma_wait3A_357, %dma_wait3A_362] : memref<4x128xi32, #tpu.memory_space<vmem>> -> memref<1x128xi32, #tpu.memory_space<vmem>>
    %dma_wait3A_364 = tpu.memref_squeeze %dma_wait3A_363 : memref<1x128xi32, #tpu.memory_space<vmem>> -> memref<128xi32, #tpu.memory_space<vmem>>
    %dma_wait3A_365 = arith.constant 0 : i32
    %dma_wait3A_366 = arith.constant 0 : i32
    %dma_wait3A_367 = tpu.memref_slice %arg5[%dma_wait3A_365, %dma_wait3A_366] : memref<100000x128xf32, #tpu.memory_space<hbm>> -> memref<100000x128xf32, #tpu.memory_space<hbm>>
    %dma_wait3A_368 = tpu.memref_slice %arg19[%dma_wait3A_358] : memref<4x!tpu.dma_semaphore, #tpu.memory_space<semaphore_mem>> -> memref<1x!tpu.dma_semaphore, #tpu.memory_space<semaphore_mem>>
    %dma_wait3A_369 = tpu.memref_squeeze %dma_wait3A_368 : memref<1x!tpu.dma_semaphore, #tpu.memory_space<semaphore_mem>> -> memref<!tpu.dma_semaphore, #tpu.memory_space<semaphore_mem>>
    tpu.wait_indirect_dma semaphore(%dma_wait3A_369 : memref<!tpu.dma_semaphore, #tpu.memory_space<semaphore_mem>>) src(%dma_wait3A_367 : memref<100000x128xf32, #tpu.memory_space<hbm>>) dst(%dma_wait3A_361 : memref<128x128xf32, #tpu.memory_space<vmem>>)
    %add3A_370 = arith.constant 0 : i32
    %add3A_371 = arith.addi %mul3A_2, %add3A_370 : i32
    %dma_start3A_372 = arith.constant 0 : i32
    %dma_start3A_373 = arith.constant 0 : i32
    %dma_start3A_374 = arith.constant 0 : i32
    %dma_start3A_375 = tpu.memref_slice %arg15[%dma_start3A_373, %dma_start3A_374] : memref<512x128xf32, #tpu.memory_space<vmem>> -> memref<128x128xf32, #tpu.memory_space<vmem>>
    %dma_start3A_376 = arith.constant 0 : i32
    %dma_start3A_377 = tpu.memref_slice %arg9[%add3A_371, %dma_start3A_376] : memref<16384x128xf32, #tpu.memory_space<hbm>> -> memref<128x128xf32, #tpu.memory_space<hbm>>
    %dma_start3A_378 = tpu.memref_slice %arg20[%dma_start3A_372] : memref<4x!tpu.dma_semaphore, #tpu.memory_space<semaphore_mem>> -> memref<1x!tpu.dma_semaphore, #tpu.memory_space<semaphore_mem>>
    %dma_start3A_379 = tpu.memref_squeeze %dma_start3A_378 : memref<1x!tpu.dma_semaphore, #tpu.memory_space<semaphore_mem>> -> memref<!tpu.dma_semaphore, #tpu.memory_space<semaphore_mem>>
    %dma_start3A_380 = arith.constant 0 : i32
    %dma_start3A_381 = tpu.memref_slice %arg9[%add3A_371, %dma_start3A_380] : memref<16384x128xf32, #tpu.memory_space<hbm>> -> memref<128x128xf32, #tpu.memory_space<hbm>>
    %dma_start3A_382 = arith.constant 0 : i32
    %dma_start3A_383 = arith.constant 0 : i32
    %dma_start3A_384 = tpu.memref_slice %arg15[%dma_start3A_382, %dma_start3A_383] : memref<512x128xf32, #tpu.memory_space<vmem>> -> memref<128x128xf32, #tpu.memory_space<vmem>>
    tpu.enqueue_dma source(%dma_start3A_384 : memref<128x128xf32, #tpu.memory_space<vmem>>) target(%dma_start3A_381 : memref<128x128xf32, #tpu.memory_space<hbm>>) target_semaphore(%dma_start3A_379 : memref<!tpu.dma_semaphore, #tpu.memory_space<semaphore_mem>>)
    %scan3A_385 = arith.constant 0 : i32
    %scan3A_386 = arith.constant 128 : i32
    %scan3A_387 = arith.addi %scan3A_385, %scan3A_386 : i32
    %scan3A_388 = arith.constant 1 : i32
    %scan3A_389:16 = scf.for %scan3A_800 = %scan3A_385 to %scan3A_387 step %scan3A_388 iter_args(%scan3A_801 = %broadcast_in_dim3A_66, %scan3A_802 = %broadcast_in_dim3A_66, %scan3A_803 = %broadcast_in_dim3A_66, %scan3A_804 = %broadcast_in_dim3A_66, %scan3A_805 = %broadcast_in_dim3A_66, %scan3A_806 = %broadcast_in_dim3A_66, %scan3A_807 = %broadcast_in_dim3A_66, %scan3A_808 = %broadcast_in_dim3A_66, %scan3A_809 = %broadcast_in_dim3A_66, %scan3A_810 = %broadcast_in_dim3A_66, %scan3A_811 = %broadcast_in_dim3A_66, %scan3A_812 = %broadcast_in_dim3A_66, %scan3A_813 = %broadcast_in_dim3A_66, %scan3A_814 = %broadcast_in_dim3A_66, %scan3A_815 = %broadcast_in_dim3A_66, %scan3A_816 = %broadcast_in_dim3A_66) -> (vector<16xf32>, vector<16xf32>, vector<16xf32>, vector<16xf32>, vector<16xf32>, vector<16xf32>, vector<16xf32>, vector<16xf32>, vector<16xf32>, vector<16xf32>, vector<16xf32>, vector<16xf32>, vector<16xf32>, vector<16xf32>, vector<16xf32>, vector<16xf32>)  : i32 {
      %add3A_817 = arith.constant 0 : i32
      %add3A_818 = arith.addi %add3A_817, %scan3A_800 : i32
      %get3A = arith.index_cast %add3A_818 : i32 to index
      %get3A_819 = arith.constant 0 : index
      %get3A_820 = tpu.vector_load %arg15[%get3A, %get3A_819] {strides = array<i32>} : memref<512x128xf32, #tpu.memory_space<vmem>>, vector<1x16xf32>,
      %get3A_821 = vector.shape_cast %get3A_820 : vector<1x16xf32> to vector<16xf32>
      %add3A_822 = arith.addf %scan3A_801, %get3A_821 : vector<16xf32>
      %mul3A_823 = arith.mulf %get3A_821, %get3A_821 : vector<16xf32>
      %add3A_824 = arith.addf %scan3A_809, %mul3A_823 : vector<16xf32>
      %add3A_825 = arith.constant 0 : i32
      %add3A_826 = arith.addi %add3A_825, %scan3A_800 : i32
      %get3A_827 = arith.index_cast %add3A_826 : i32 to index
      %get3A_828 = arith.constant 16 : index
      %get3A_829 = tpu.vector_load %arg15[%get3A_827, %get3A_828] {strides = array<i32>} : memref<512x128xf32, #tpu.memory_space<vmem>>, vector<1x16xf32>,
      %get3A_830 = vector.shape_cast %get3A_829 : vector<1x16xf32> to vector<16xf32>
      %add3A_831 = arith.addf %scan3A_802, %get3A_830 : vector<16xf32>
      %mul3A_832 = arith.mulf %get3A_830, %get3A_830 : vector<16xf32>
      %add3A_833 = arith.addf %scan3A_810, %mul3A_832 : vector<16xf32>
      %add3A_834 = arith.constant 0 : i32
      %add3A_835 = arith.addi %add3A_834, %scan3A_800 : i32
      %get3A_836 = arith.index_cast %add3A_835 : i32 to index
      %get3A_837 = arith.constant 32 : index
      %get3A_838 = tpu.vector_load %arg15[%get3A_836, %get3A_837] {strides = array<i32>} : memref<512x128xf32, #tpu.memory_space<vmem>>, vector<1x16xf32>,
      %get3A_839 = vector.shape_cast %get3A_838 : vector<1x16xf32> to vector<16xf32>
      %add3A_840 = arith.addf %scan3A_803, %get3A_839 : vector<16xf32>
      %mul3A_841 = arith.mulf %get3A_839, %get3A_839 : vector<16xf32>
      %add3A_842 = arith.addf %scan3A_811, %mul3A_841 : vector<16xf32>
      %add3A_843 = arith.constant 0 : i32
      %add3A_844 = arith.addi %add3A_843, %scan3A_800 : i32
      %get3A_845 = arith.index_cast %add3A_844 : i32 to index
      %get3A_846 = arith.constant 48 : index
      %get3A_847 = tpu.vector_load %arg15[%get3A_845, %get3A_846] {strides = array<i32>} : memref<512x128xf32, #tpu.memory_space<vmem>>, vector<1x16xf32>,
      %get3A_848 = vector.shape_cast %get3A_847 : vector<1x16xf32> to vector<16xf32>
      %add3A_849 = arith.addf %scan3A_804, %get3A_848 : vector<16xf32>
      %mul3A_850 = arith.mulf %get3A_848, %get3A_848 : vector<16xf32>
      %add3A_851 = arith.addf %scan3A_812, %mul3A_850 : vector<16xf32>
      %add3A_852 = arith.constant 0 : i32
      %add3A_853 = arith.addi %add3A_852, %scan3A_800 : i32
      %get3A_854 = arith.index_cast %add3A_853 : i32 to index
      %get3A_855 = arith.constant 64 : index
      %get3A_856 = tpu.vector_load %arg15[%get3A_854, %get3A_855] {strides = array<i32>} : memref<512x128xf32, #tpu.memory_space<vmem>>, vector<1x16xf32>,
      %get3A_857 = vector.shape_cast %get3A_856 : vector<1x16xf32> to vector<16xf32>
      %add3A_858 = arith.addf %scan3A_805, %get3A_857 : vector<16xf32>
      %mul3A_859 = arith.mulf %get3A_857, %get3A_857 : vector<16xf32>
      %add3A_860 = arith.addf %scan3A_813, %mul3A_859 : vector<16xf32>
      %add3A_861 = arith.constant 0 : i32
      %add3A_862 = arith.addi %add3A_861, %scan3A_800 : i32
      %get3A_863 = arith.index_cast %add3A_862 : i32 to index
      %get3A_864 = arith.constant 80 : index
      %get3A_865 = tpu.vector_load %arg15[%get3A_863, %get3A_864] {strides = array<i32>} : memref<512x128xf32, #tpu.memory_space<vmem>>, vector<1x16xf32>,
      %get3A_866 = vector.shape_cast %get3A_865 : vector<1x16xf32> to vector<16xf32>
      %add3A_867 = arith.addf %scan3A_806, %get3A_866 : vector<16xf32>
      %mul3A_868 = arith.mulf %get3A_866, %get3A_866 : vector<16xf32>
      %add3A_869 = arith.addf %scan3A_814, %mul3A_868 : vector<16xf32>
      %add3A_870 = arith.constant 0 : i32
      %add3A_871 = arith.addi %add3A_870, %scan3A_800 : i32
      %get3A_872 = arith.index_cast %add3A_871 : i32 to index
      %get3A_873 = arith.constant 96 : index
      %get3A_874 = tpu.vector_load %arg15[%get3A_872, %get3A_873] {strides = array<i32>} : memref<512x128xf32, #tpu.memory_space<vmem>>, vector<1x16xf32>,
      %get3A_875 = vector.shape_cast %get3A_874 : vector<1x16xf32> to vector<16xf32>
      %add3A_876 = arith.addf %scan3A_807, %get3A_875 : vector<16xf32>
      %mul3A_877 = arith.mulf %get3A_875, %get3A_875 : vector<16xf32>
      %add3A_878 = arith.addf %scan3A_815, %mul3A_877 : vector<16xf32>
      %add3A_879 = arith.constant 0 : i32
      %add3A_880 = arith.addi %add3A_879, %scan3A_800 : i32
      %get3A_881 = arith.index_cast %add3A_880 : i32 to index
      %get3A_882 = arith.constant 112 : index
      %get3A_883 = tpu.vector_load %arg15[%get3A_881, %get3A_882] {strides = array<i32>} : memref<512x128xf32, #tpu.memory_space<vmem>>, vector<1x16xf32>,
      %get3A_884 = vector.shape_cast %get3A_883 : vector<1x16xf32> to vector<16xf32>
      %add3A_885 = arith.addf %scan3A_808, %get3A_884 : vector<16xf32>
      %mul3A_886 = arith.mulf %get3A_884, %get3A_884 : vector<16xf32>
      %add3A_887 = arith.addf %scan3A_816, %mul3A_886 : vector<16xf32>
      scf.yield %add3A_822, %add3A_831, %add3A_840, %add3A_849, %add3A_858, %add3A_867, %add3A_876, %add3A_885, %add3A_824, %add3A_833, %add3A_842, %add3A_851, %add3A_860, %add3A_869, %add3A_878, %add3A_887 : vector<16xf32>, vector<16xf32>, vector<16xf32>, vector<16xf32>, vector<16xf32>, vector<16xf32>, vector<16xf32>, vector<16xf32>, vector<16xf32>, vector<16xf32>, vector<16xf32>, vector<16xf32>, vector<16xf32>, vector<16xf32>, vector<16xf32>, vector<16xf32>
    }
    %scan3A_390 = arith.constant 128 : i32
    %dma_wait3A_391 = arith.constant 1 : i32
    %dma_wait3A_392 = arith.constant 1 : i32
    %dma_wait3A_393 = arith.constant 128 : i32
    %dma_wait3A_394 = arith.constant 0 : i32
    %dma_wait3A_395 = tpu.memref_slice %arg15[%dma_wait3A_393, %dma_wait3A_394] : memref<512x128xf32, #tpu.memory_space<vmem>> -> memref<128x128xf32, #tpu.memory_space<vmem>>
    %dma_wait3A_396 = arith.constant 0 : i32
    %dma_wait3A_397 = tpu.memref_slice %arg14[%dma_wait3A_391, %dma_wait3A_396] : memref<4x128xi32, #tpu.memory_space<vmem>> -> memref<1x128xi32, #tpu.memory_space<vmem>>
    %dma_wait3A_398 = tpu.memref_squeeze %dma_wait3A_397 : memref<1x128xi32, #tpu.memory_space<vmem>> -> memref<128xi32, #tpu.memory_space<vmem>>
    %dma_wait3A_399 = arith.constant 0 : i32
    %dma_wait3A_400 = arith.constant 0 : i32
    %dma_wait3A_401 = tpu.memref_slice %arg5[%dma_wait3A_399, %dma_wait3A_400] : memref<100000x128xf32, #tpu.memory_space<hbm>> -> memref<100000x128xf32, #tpu.memory_space<hbm>>
    %dma_wait3A_402 = tpu.memref_slice %arg19[%dma_wait3A_392] : memref<4x!tpu.dma_semaphore, #tpu.memory_space<semaphore_mem>> -> memref<1x!tpu.dma_semaphore, #tpu.memory_space<semaphore_mem>>
    %dma_wait3A_403 = tpu.memref_squeeze %dma_wait3A_402 : memref<1x!tpu.dma_semaphore, #tpu.memory_space<semaphore_mem>> -> memref<!tpu.dma_semaphore, #tpu.memory_space<semaphore_mem>>
    tpu.wait_indirect_dma semaphore(%dma_wait3A_403 : memref<!tpu.dma_semaphore, #tpu.memory_space<semaphore_mem>>) src(%dma_wait3A_401 : memref<100000x128xf32, #tpu.memory_space<hbm>>) dst(%dma_wait3A_395 : memref<128x128xf32, #tpu.memory_space<vmem>>)
    %add3A_404 = arith.constant 128 : i32
    %add3A_405 = arith.addi %mul3A_2, %add3A_404 : i32
    %dma_start3A_406 = arith.constant 1 : i32
    %dma_start3A_407 = arith.constant 128 : i32
    %dma_start3A_408 = arith.constant 0 : i32
    %dma_start3A_409 = tpu.memref_slice %arg15[%dma_start3A_407, %dma_start3A_408] : memref<512x128xf32, #tpu.memory_space<vmem>> -> memref<128x128xf32, #tpu.memory_space<vmem>>
    %dma_start3A_410 = arith.constant 0 : i32
    %dma_start3A_411 = tpu.memref_slice %arg9[%add3A_405, %dma_start3A_410] : memref<16384x128xf32, #tpu.memory_space<hbm>> -> memref<128x128xf32, #tpu.memory_space<hbm>>
    %dma_start3A_412 = tpu.memref_slice %arg20[%dma_start3A_406] : memref<4x!tpu.dma_semaphore, #tpu.memory_space<semaphore_mem>> -> memref<1x!tpu.dma_semaphore, #tpu.memory_space<semaphore_mem>>
    %dma_start3A_413 = tpu.memref_squeeze %dma_start3A_412 : memref<1x!tpu.dma_semaphore, #tpu.memory_space<semaphore_mem>> -> memref<!tpu.dma_semaphore, #tpu.memory_space<semaphore_mem>>
    %dma_start3A_414 = arith.constant 0 : i32
    %dma_start3A_415 = tpu.memref_slice %arg9[%add3A_405, %dma_start3A_414] : memref<16384x128xf32, #tpu.memory_space<hbm>> -> memref<128x128xf32, #tpu.memory_space<hbm>>
    %dma_start3A_416 = arith.constant 128 : i32
    %dma_start3A_417 = arith.constant 0 : i32
    %dma_start3A_418 = tpu.memref_slice %arg15[%dma_start3A_416, %dma_start3A_417] : memref<512x128xf32, #tpu.memory_space<vmem>> -> memref<128x128xf32, #tpu.memory_space<vmem>>
    tpu.enqueue_dma source(%dma_start3A_418 : memref<128x128xf32, #tpu.memory_space<vmem>>) target(%dma_start3A_415 : memref<128x128xf32, #tpu.memory_space<hbm>>) target_semaphore(%dma_start3A_413 : memref<!tpu.dma_semaphore, #tpu.memory_space<semaphore_mem>>)
    %scan3A_419 = arith.constant 0 : i32
    %scan3A_420 = arith.constant 128 : i32
    %scan3A_421 = arith.addi %scan3A_419, %scan3A_420 : i32
    %scan3A_422 = arith.constant 1 : i32
    %scan3A_423:16 = scf.for %scan3A_800 = %scan3A_419 to %scan3A_421 step %scan3A_422 iter_args(%scan3A_801 = %scan3A_389#0, %scan3A_802 = %scan3A_389#1, %scan3A_803 = %scan3A_389#2, %scan3A_804 = %scan3A_389#3, %scan3A_805 = %scan3A_389#4, %scan3A_806 = %scan3A_389#5, %scan3A_807 = %scan3A_389#6, %scan3A_808 = %scan3A_389#7, %scan3A_809 = %scan3A_389#8, %scan3A_810 = %scan3A_389#9, %scan3A_811 = %scan3A_389#10, %scan3A_812 = %scan3A_389#11, %scan3A_813 = %scan3A_389#12, %scan3A_814 = %scan3A_389#13, %scan3A_815 = %scan3A_389#14, %scan3A_816 = %scan3A_389#15) -> (vector<16xf32>, vector<16xf32>, vector<16xf32>, vector<16xf32>, vector<16xf32>, vector<16xf32>, vector<16xf32>, vector<16xf32>, vector<16xf32>, vector<16xf32>, vector<16xf32>, vector<16xf32>, vector<16xf32>, vector<16xf32>, vector<16xf32>, vector<16xf32>)  : i32 {
      %add3A_817 = arith.constant 128 : i32
      %add3A_818 = arith.addi %add3A_817, %scan3A_800 : i32
      %get3A = arith.index_cast %add3A_818 : i32 to index
      %get3A_819 = arith.constant 0 : index
      %get3A_820 = tpu.vector_load %arg15[%get3A, %get3A_819] {strides = array<i32>} : memref<512x128xf32, #tpu.memory_space<vmem>>, vector<1x16xf32>,
      %get3A_821 = vector.shape_cast %get3A_820 : vector<1x16xf32> to vector<16xf32>
      %add3A_822 = arith.addf %scan3A_801, %get3A_821 : vector<16xf32>
      %mul3A_823 = arith.mulf %get3A_821, %get3A_821 : vector<16xf32>
      %add3A_824 = arith.addf %scan3A_809, %mul3A_823 : vector<16xf32>
      %add3A_825 = arith.constant 128 : i32
      %add3A_826 = arith.addi %add3A_825, %scan3A_800 : i32
      %get3A_827 = arith.index_cast %add3A_826 : i32 to index
      %get3A_828 = arith.constant 16 : index
      %get3A_829 = tpu.vector_load %arg15[%get3A_827, %get3A_828] {strides = array<i32>} : memref<512x128xf32, #tpu.memory_space<vmem>>, vector<1x16xf32>,
      %get3A_830 = vector.shape_cast %get3A_829 : vector<1x16xf32> to vector<16xf32>
      %add3A_831 = arith.addf %scan3A_802, %get3A_830 : vector<16xf32>
      %mul3A_832 = arith.mulf %get3A_830, %get3A_830 : vector<16xf32>
      %add3A_833 = arith.addf %scan3A_810, %mul3A_832 : vector<16xf32>
      %add3A_834 = arith.constant 128 : i32
      %add3A_835 = arith.addi %add3A_834, %scan3A_800 : i32
      %get3A_836 = arith.index_cast %add3A_835 : i32 to index
      %get3A_837 = arith.constant 32 : index
      %get3A_838 = tpu.vector_load %arg15[%get3A_836, %get3A_837] {strides = array<i32>} : memref<512x128xf32, #tpu.memory_space<vmem>>, vector<1x16xf32>,
      %get3A_839 = vector.shape_cast %get3A_838 : vector<1x16xf32> to vector<16xf32>
      %add3A_840 = arith.addf %scan3A_803, %get3A_839 : vector<16xf32>
      %mul3A_841 = arith.mulf %get3A_839, %get3A_839 : vector<16xf32>
      %add3A_842 = arith.addf %scan3A_811, %mul3A_841 : vector<16xf32>
      %add3A_843 = arith.constant 128 : i32
      %add3A_844 = arith.addi %add3A_843, %scan3A_800 : i32
      %get3A_845 = arith.index_cast %add3A_844 : i32 to index
      %get3A_846 = arith.constant 48 : index
      %get3A_847 = tpu.vector_load %arg15[%get3A_845, %get3A_846] {strides = array<i32>} : memref<512x128xf32, #tpu.memory_space<vmem>>, vector<1x16xf32>,
      %get3A_848 = vector.shape_cast %get3A_847 : vector<1x16xf32> to vector<16xf32>
      %add3A_849 = arith.addf %scan3A_804, %get3A_848 : vector<16xf32>
      %mul3A_850 = arith.mulf %get3A_848, %get3A_848 : vector<16xf32>
      %add3A_851 = arith.addf %scan3A_812, %mul3A_850 : vector<16xf32>
      %add3A_852 = arith.constant 128 : i32
      %add3A_853 = arith.addi %add3A_852, %scan3A_800 : i32
      %get3A_854 = arith.index_cast %add3A_853 : i32 to index
      %get3A_855 = arith.constant 64 : index
      %get3A_856 = tpu.vector_load %arg15[%get3A_854, %get3A_855] {strides = array<i32>} : memref<512x128xf32, #tpu.memory_space<vmem>>, vector<1x16xf32>,
      %get3A_857 = vector.shape_cast %get3A_856 : vector<1x16xf32> to vector<16xf32>
      %add3A_858 = arith.addf %scan3A_805, %get3A_857 : vector<16xf32>
      %mul3A_859 = arith.mulf %get3A_857, %get3A_857 : vector<16xf32>
      %add3A_860 = arith.addf %scan3A_813, %mul3A_859 : vector<16xf32>
      %add3A_861 = arith.constant 128 : i32
      %add3A_862 = arith.addi %add3A_861, %scan3A_800 : i32
      %get3A_863 = arith.index_cast %add3A_862 : i32 to index
      %get3A_864 = arith.constant 80 : index
      %get3A_865 = tpu.vector_load %arg15[%get3A_863, %get3A_864] {strides = array<i32>} : memref<512x128xf32, #tpu.memory_space<vmem>>, vector<1x16xf32>,
      %get3A_866 = vector.shape_cast %get3A_865 : vector<1x16xf32> to vector<16xf32>
      %add3A_867 = arith.addf %scan3A_806, %get3A_866 : vector<16xf32>
      %mul3A_868 = arith.mulf %get3A_866, %get3A_866 : vector<16xf32>
      %add3A_869 = arith.addf %scan3A_814, %mul3A_868 : vector<16xf32>
      %add3A_870 = arith.constant 128 : i32
      %add3A_871 = arith.addi %add3A_870, %scan3A_800 : i32
      %get3A_872 = arith.index_cast %add3A_871 : i32 to index
      %get3A_873 = arith.constant 96 : index
      %get3A_874 = tpu.vector_load %arg15[%get3A_872, %get3A_873] {strides = array<i32>} : memref<512x128xf32, #tpu.memory_space<vmem>>, vector<1x16xf32>,
      %get3A_875 = vector.shape_cast %get3A_874 : vector<1x16xf32> to vector<16xf32>
      %add3A_876 = arith.addf %scan3A_807, %get3A_875 : vector<16xf32>
      %mul3A_877 = arith.mulf %get3A_875, %get3A_875 : vector<16xf32>
      %add3A_878 = arith.addf %scan3A_815, %mul3A_877 : vector<16xf32>
      %add3A_879 = arith.constant 128 : i32
      %add3A_880 = arith.addi %add3A_879, %scan3A_800 : i32
      %get3A_881 = arith.index_cast %add3A_880 : i32 to index
      %get3A_882 = arith.constant 112 : index
      %get3A_883 = tpu.vector_load %arg15[%get3A_881, %get3A_882] {strides = array<i32>} : memref<512x128xf32, #tpu.memory_space<vmem>>, vector<1x16xf32>,
      %get3A_884 = vector.shape_cast %get3A_883 : vector<1x16xf32> to vector<16xf32>
      %add3A_885 = arith.addf %scan3A_808, %get3A_884 : vector<16xf32>
      %mul3A_886 = arith.mulf %get3A_884, %get3A_884 : vector<16xf32>
      %add3A_887 = arith.addf %scan3A_816, %mul3A_886 : vector<16xf32>
      scf.yield %add3A_822, %add3A_831, %add3A_840, %add3A_849, %add3A_858, %add3A_867, %add3A_876, %add3A_885, %add3A_824, %add3A_833, %add3A_842, %add3A_851, %add3A_860, %add3A_869, %add3A_878, %add3A_887 : vector<16xf32>, vector<16xf32>, vector<16xf32>, vector<16xf32>, vector<16xf32>, vector<16xf32>, vector<16xf32>, vector<16xf32>, vector<16xf32>, vector<16xf32>, vector<16xf32>, vector<16xf32>, vector<16xf32>, vector<16xf32>, vector<16xf32>, vector<16xf32>
    }
    %scan3A_424 = arith.constant 128 : i32
    %dma_wait3A_425 = arith.constant 2 : i32
    %dma_wait3A_426 = arith.constant 2 : i32
    %dma_wait3A_427 = arith.constant 256 : i32
    %dma_wait3A_428 = arith.constant 0 : i32
    %dma_wait3A_429 = tpu.memref_slice %arg15[%dma_wait3A_427, %dma_wait3A_428] : memref<512x128xf32, #tpu.memory_space<vmem>> -> memref<128x128xf32, #tpu.memory_space<vmem>>
    %dma_wait3A_430 = arith.constant 0 : i32
    %dma_wait3A_431 = tpu.memref_slice %arg14[%dma_wait3A_425, %dma_wait3A_430] : memref<4x128xi32, #tpu.memory_space<vmem>> -> memref<1x128xi32, #tpu.memory_space<vmem>>
    %dma_wait3A_432 = tpu.memref_squeeze %dma_wait3A_431 : memref<1x128xi32, #tpu.memory_space<vmem>> -> memref<128xi32, #tpu.memory_space<vmem>>
    %dma_wait3A_433 = arith.constant 0 : i32
    %dma_wait3A_434 = arith.constant 0 : i32
    %dma_wait3A_435 = tpu.memref_slice %arg5[%dma_wait3A_433, %dma_wait3A_434] : memref<100000x128xf32, #tpu.memory_space<hbm>> -> memref<100000x128xf32, #tpu.memory_space<hbm>>
    %dma_wait3A_436 = tpu.memref_slice %arg19[%dma_wait3A_426] : memref<4x!tpu.dma_semaphore, #tpu.memory_space<semaphore_mem>> -> memref<1x!tpu.dma_semaphore, #tpu.memory_space<semaphore_mem>>
    %dma_wait3A_437 = tpu.memref_squeeze %dma_wait3A_436 : memref<1x!tpu.dma_semaphore, #tpu.memory_space<semaphore_mem>> -> memref<!tpu.dma_semaphore, #tpu.memory_space<semaphore_mem>>
    tpu.wait_indirect_dma semaphore(%dma_wait3A_437 : memref<!tpu.dma_semaphore, #tpu.memory_space<semaphore_mem>>) src(%dma_wait3A_435 : memref<100000x128xf32, #tpu.memory_space<hbm>>) dst(%dma_wait3A_429 : memref<128x128xf32, #tpu.memory_space<vmem>>)
    %add3A_438 = arith.constant 256 : i32
    %add3A_439 = arith.addi %mul3A_2, %add3A_438 : i32
    %dma_start3A_440 = arith.constant 2 : i32
    %dma_start3A_441 = arith.constant 256 : i32
    %dma_start3A_442 = arith.constant 0 : i32
    %dma_start3A_443 = tpu.memref_slice %arg15[%dma_start3A_441, %dma_start3A_442] : memref<512x128xf32, #tpu.memory_space<vmem>> -> memref<128x128xf32, #tpu.memory_space<vmem>>
    %dma_start3A_444 = arith.constant 0 : i32
    %dma_start3A_445 = tpu.memref_slice %arg9[%add3A_439, %dma_start3A_444] : memref<16384x128xf32, #tpu.memory_space<hbm>> -> memref<128x128xf32, #tpu.memory_space<hbm>>
    %dma_start3A_446 = tpu.memref_slice %arg20[%dma_start3A_440] : memref<4x!tpu.dma_semaphore, #tpu.memory_space<semaphore_mem>> -> memref<1x!tpu.dma_semaphore, #tpu.memory_space<semaphore_mem>>
    %dma_start3A_447 = tpu.memref_squeeze %dma_start3A_446 : memref<1x!tpu.dma_semaphore, #tpu.memory_space<semaphore_mem>> -> memref<!tpu.dma_semaphore, #tpu.memory_space<semaphore_mem>>
    %dma_start3A_448 = arith.constant 0 : i32
    %dma_start3A_449 = tpu.memref_slice %arg9[%add3A_439, %dma_start3A_448] : memref<16384x128xf32, #tpu.memory_space<hbm>> -> memref<128x128xf32, #tpu.memory_space<hbm>>
    %dma_start3A_450 = arith.constant 256 : i32
    %dma_start3A_451 = arith.constant 0 : i32
    %dma_start3A_452 = tpu.memref_slice %arg15[%dma_start3A_450, %dma_start3A_451] : memref<512x128xf32, #tpu.memory_space<vmem>> -> memref<128x128xf32, #tpu.memory_space<vmem>>
    tpu.enqueue_dma source(%dma_start3A_452 : memref<128x128xf32, #tpu.memory_space<vmem>>) target(%dma_start3A_449 : memref<128x128xf32, #tpu.memory_space<hbm>>) target_semaphore(%dma_start3A_447 : memref<!tpu.dma_semaphore, #tpu.memory_space<semaphore_mem>>)
    %scan3A_453 = arith.constant 0 : i32
    %scan3A_454 = arith.constant 128 : i32
    %scan3A_455 = arith.addi %scan3A_453, %scan3A_454 : i32
    %scan3A_456 = arith.constant 1 : i32
    %scan3A_457:16 = scf.for %scan3A_800 = %scan3A_453 to %scan3A_455 step %scan3A_456 iter_args(%scan3A_801 = %scan3A_423#0, %scan3A_802 = %scan3A_423#1, %scan3A_803 = %scan3A_423#2, %scan3A_804 = %scan3A_423#3, %scan3A_805 = %scan3A_423#4, %scan3A_806 = %scan3A_423#5, %scan3A_807 = %scan3A_423#6, %scan3A_808 = %scan3A_423#7, %scan3A_809 = %scan3A_423#8, %scan3A_810 = %scan3A_423#9, %scan3A_811 = %scan3A_423#10, %scan3A_812 = %scan3A_423#11, %scan3A_813 = %scan3A_423#12, %scan3A_814 = %scan3A_423#13, %scan3A_815 = %scan3A_423#14, %scan3A_816 = %scan3A_423#15) -> (vector<16xf32>, vector<16xf32>, vector<16xf32>, vector<16xf32>, vector<16xf32>, vector<16xf32>, vector<16xf32>, vector<16xf32>, vector<16xf32>, vector<16xf32>, vector<16xf32>, vector<16xf32>, vector<16xf32>, vector<16xf32>, vector<16xf32>, vector<16xf32>)  : i32 {
      %add3A_817 = arith.constant 256 : i32
      %add3A_818 = arith.addi %add3A_817, %scan3A_800 : i32
      %get3A = arith.index_cast %add3A_818 : i32 to index
      %get3A_819 = arith.constant 0 : index
      %get3A_820 = tpu.vector_load %arg15[%get3A, %get3A_819] {strides = array<i32>} : memref<512x128xf32, #tpu.memory_space<vmem>>, vector<1x16xf32>,
      %get3A_821 = vector.shape_cast %get3A_820 : vector<1x16xf32> to vector<16xf32>
      %add3A_822 = arith.addf %scan3A_801, %get3A_821 : vector<16xf32>
      %mul3A_823 = arith.mulf %get3A_821, %get3A_821 : vector<16xf32>
      %add3A_824 = arith.addf %scan3A_809, %mul3A_823 : vector<16xf32>
      %add3A_825 = arith.constant 256 : i32
      %add3A_826 = arith.addi %add3A_825, %scan3A_800 : i32
      %get3A_827 = arith.index_cast %add3A_826 : i32 to index
      %get3A_828 = arith.constant 16 : index
      %get3A_829 = tpu.vector_load %arg15[%get3A_827, %get3A_828] {strides = array<i32>} : memref<512x128xf32, #tpu.memory_space<vmem>>, vector<1x16xf32>,
      %get3A_830 = vector.shape_cast %get3A_829 : vector<1x16xf32> to vector<16xf32>
      %add3A_831 = arith.addf %scan3A_802, %get3A_830 : vector<16xf32>
      %mul3A_832 = arith.mulf %get3A_830, %get3A_830 : vector<16xf32>
      %add3A_833 = arith.addf %scan3A_810, %mul3A_832 : vector<16xf32>
      %add3A_834 = arith.constant 256 : i32
      %add3A_835 = arith.addi %add3A_834, %scan3A_800 : i32
      %get3A_836 = arith.index_cast %add3A_835 : i32 to index
      %get3A_837 = arith.constant 32 : index
      %get3A_838 = tpu.vector_load %arg15[%get3A_836, %get3A_837] {strides = array<i32>} : memref<512x128xf32, #tpu.memory_space<vmem>>, vector<1x16xf32>,
      %get3A_839 = vector.shape_cast %get3A_838 : vector<1x16xf32> to vector<16xf32>
      %add3A_840 = arith.addf %scan3A_803, %get3A_839 : vector<16xf32>
      %mul3A_841 = arith.mulf %get3A_839, %get3A_839 : vector<16xf32>
      %add3A_842 = arith.addf %scan3A_811, %mul3A_841 : vector<16xf32>
      %add3A_843 = arith.constant 256 : i32
      %add3A_844 = arith.addi %add3A_843, %scan3A_800 : i32
      %get3A_845 = arith.index_cast %add3A_844 : i32 to index
      %get3A_846 = arith.constant 48 : index
      %get3A_847 = tpu.vector_load %arg15[%get3A_845, %get3A_846] {strides = array<i32>} : memref<512x128xf32, #tpu.memory_space<vmem>>, vector<1x16xf32>,
      %get3A_848 = vector.shape_cast %get3A_847 : vector<1x16xf32> to vector<16xf32>
      %add3A_849 = arith.addf %scan3A_804, %get3A_848 : vector<16xf32>
      %mul3A_850 = arith.mulf %get3A_848, %get3A_848 : vector<16xf32>
      %add3A_851 = arith.addf %scan3A_812, %mul3A_850 : vector<16xf32>
      %add3A_852 = arith.constant 256 : i32
      %add3A_853 = arith.addi %add3A_852, %scan3A_800 : i32
      %get3A_854 = arith.index_cast %add3A_853 : i32 to index
      %get3A_855 = arith.constant 64 : index
      %get3A_856 = tpu.vector_load %arg15[%get3A_854, %get3A_855] {strides = array<i32>} : memref<512x128xf32, #tpu.memory_space<vmem>>, vector<1x16xf32>,
      %get3A_857 = vector.shape_cast %get3A_856 : vector<1x16xf32> to vector<16xf32>
      %add3A_858 = arith.addf %scan3A_805, %get3A_857 : vector<16xf32>
      %mul3A_859 = arith.mulf %get3A_857, %get3A_857 : vector<16xf32>
      %add3A_860 = arith.addf %scan3A_813, %mul3A_859 : vector<16xf32>
      %add3A_861 = arith.constant 256 : i32
      %add3A_862 = arith.addi %add3A_861, %scan3A_800 : i32
      %get3A_863 = arith.index_cast %add3A_862 : i32 to index
      %get3A_864 = arith.constant 80 : index
      %get3A_865 = tpu.vector_load %arg15[%get3A_863, %get3A_864] {strides = array<i32>} : memref<512x128xf32, #tpu.memory_space<vmem>>, vector<1x16xf32>,
      %get3A_866 = vector.shape_cast %get3A_865 : vector<1x16xf32> to vector<16xf32>
      %add3A_867 = arith.addf %scan3A_806, %get3A_866 : vector<16xf32>
      %mul3A_868 = arith.mulf %get3A_866, %get3A_866 : vector<16xf32>
      %add3A_869 = arith.addf %scan3A_814, %mul3A_868 : vector<16xf32>
      %add3A_870 = arith.constant 256 : i32
      %add3A_871 = arith.addi %add3A_870, %scan3A_800 : i32
      %get3A_872 = arith.index_cast %add3A_871 : i32 to index
      %get3A_873 = arith.constant 96 : index
      %get3A_874 = tpu.vector_load %arg15[%get3A_872, %get3A_873] {strides = array<i32>} : memref<512x128xf32, #tpu.memory_space<vmem>>, vector<1x16xf32>,
      %get3A_875 = vector.shape_cast %get3A_874 : vector<1x16xf32> to vector<16xf32>
      %add3A_876 = arith.addf %scan3A_807, %get3A_875 : vector<16xf32>
      %mul3A_877 = arith.mulf %get3A_875, %get3A_875 : vector<16xf32>
      %add3A_878 = arith.addf %scan3A_815, %mul3A_877 : vector<16xf32>
      %add3A_879 = arith.constant 256 : i32
      %add3A_880 = arith.addi %add3A_879, %scan3A_800 : i32
      %get3A_881 = arith.index_cast %add3A_880 : i32 to index
      %get3A_882 = arith.constant 112 : index
      %get3A_883 = tpu.vector_load %arg15[%get3A_881, %get3A_882] {strides = array<i32>} : memref<512x128xf32, #tpu.memory_space<vmem>>, vector<1x16xf32>,
      %get3A_884 = vector.shape_cast %get3A_883 : vector<1x16xf32> to vector<16xf32>
      %add3A_885 = arith.addf %scan3A_808, %get3A_884 : vector<16xf32>
      %mul3A_886 = arith.mulf %get3A_884, %get3A_884 : vector<16xf32>
      %add3A_887 = arith.addf %scan3A_816, %mul3A_886 : vector<16xf32>
      scf.yield %add3A_822, %add3A_831, %add3A_840, %add3A_849, %add3A_858, %add3A_867, %add3A_876, %add3A_885, %add3A_824, %add3A_833, %add3A_842, %add3A_851, %add3A_860, %add3A_869, %add3A_878, %add3A_887 : vector<16xf32>, vector<16xf32>, vector<16xf32>, vector<16xf32>, vector<16xf32>, vector<16xf32>, vector<16xf32>, vector<16xf32>, vector<16xf32>, vector<16xf32>, vector<16xf32>, vector<16xf32>, vector<16xf32>, vector<16xf32>, vector<16xf32>, vector<16xf32>
    }
    %scan3A_458 = arith.constant 128 : i32
    %dma_wait3A_459 = arith.constant 3 : i32
    %dma_wait3A_460 = arith.constant 3 : i32
    %dma_wait3A_461 = arith.constant 384 : i32
    %dma_wait3A_462 = arith.constant 0 : i32
    %dma_wait3A_463 = tpu.memref_slice %arg15[%dma_wait3A_461, %dma_wait3A_462] : memref<512x128xf32, #tpu.memory_space<vmem>> -> memref<128x128xf32, #tpu.memory_space<vmem>>
    %dma_wait3A_464 = arith.constant 0 : i32
    %dma_wait3A_465 = tpu.memref_slice %arg14[%dma_wait3A_459, %dma_wait3A_464] : memref<4x128xi32, #tpu.memory_space<vmem>> -> memref<1x128xi32, #tpu.memory_space<vmem>>
    %dma_wait3A_466 = tpu.memref_squeeze %dma_wait3A_465 : memref<1x128xi32, #tpu.memory_space<vmem>> -> memref<128xi32, #tpu.memory_space<vmem>>
    %dma_wait3A_467 = arith.constant 0 : i32
    %dma_wait3A_468 = arith.constant 0 : i32
    %dma_wait3A_469 = tpu.memref_slice %arg5[%dma_wait3A_467, %dma_wait3A_468] : memref<100000x128xf32, #tpu.memory_space<hbm>> -> memref<100000x128xf32, #tpu.memory_space<hbm>>
    %dma_wait3A_470 = tpu.memref_slice %arg19[%dma_wait3A_460] : memref<4x!tpu.dma_semaphore, #tpu.memory_space<semaphore_mem>> -> memref<1x!tpu.dma_semaphore, #tpu.memory_space<semaphore_mem>>
    %dma_wait3A_471 = tpu.memref_squeeze %dma_wait3A_470 : memref<1x!tpu.dma_semaphore, #tpu.memory_space<semaphore_mem>> -> memref<!tpu.dma_semaphore, #tpu.memory_space<semaphore_mem>>
    tpu.wait_indirect_dma semaphore(%dma_wait3A_471 : memref<!tpu.dma_semaphore, #tpu.memory_space<semaphore_mem>>) src(%dma_wait3A_469 : memref<100000x128xf32, #tpu.memory_space<hbm>>) dst(%dma_wait3A_463 : memref<128x128xf32, #tpu.memory_space<vmem>>)
    %add3A_472 = arith.constant 384 : i32
    %add3A_473 = arith.addi %mul3A_2, %add3A_472 : i32
    %dma_start3A_474 = arith.constant 3 : i32
    %dma_start3A_475 = arith.constant 384 : i32
    %dma_start3A_476 = arith.constant 0 : i32
    %dma_start3A_477 = tpu.memref_slice %arg15[%dma_start3A_475, %dma_start3A_476] : memref<512x128xf32, #tpu.memory_space<vmem>> -> memref<128x128xf32, #tpu.memory_space<vmem>>
    %dma_start3A_478 = arith.constant 0 : i32
    %dma_start3A_479 = tpu.memref_slice %arg9[%add3A_473, %dma_start3A_478] : memref<16384x128xf32, #tpu.memory_space<hbm>> -> memref<128x128xf32, #tpu.memory_space<hbm>>
    %dma_start3A_480 = tpu.memref_slice %arg20[%dma_start3A_474] : memref<4x!tpu.dma_semaphore, #tpu.memory_space<semaphore_mem>> -> memref<1x!tpu.dma_semaphore, #tpu.memory_space<semaphore_mem>>
    %dma_start3A_481 = tpu.memref_squeeze %dma_start3A_480 : memref<1x!tpu.dma_semaphore, #tpu.memory_space<semaphore_mem>> -> memref<!tpu.dma_semaphore, #tpu.memory_space<semaphore_mem>>
    %dma_start3A_482 = arith.constant 0 : i32
    %dma_start3A_483 = tpu.memref_slice %arg9[%add3A_473, %dma_start3A_482] : memref<16384x128xf32, #tpu.memory_space<hbm>> -> memref<128x128xf32, #tpu.memory_space<hbm>>
    %dma_start3A_484 = arith.constant 384 : i32
    %dma_start3A_485 = arith.constant 0 : i32
    %dma_start3A_486 = tpu.memref_slice %arg15[%dma_start3A_484, %dma_start3A_485] : memref<512x128xf32, #tpu.memory_space<vmem>> -> memref<128x128xf32, #tpu.memory_space<vmem>>
    tpu.enqueue_dma source(%dma_start3A_486 : memref<128x128xf32, #tpu.memory_space<vmem>>) target(%dma_start3A_483 : memref<128x128xf32, #tpu.memory_space<hbm>>) target_semaphore(%dma_start3A_481 : memref<!tpu.dma_semaphore, #tpu.memory_space<semaphore_mem>>)
    %scan3A_487 = arith.constant 0 : i32
    %scan3A_488 = arith.constant 128 : i32
    %scan3A_489 = arith.addi %scan3A_487, %scan3A_488 : i32
    %scan3A_490 = arith.constant 1 : i32
    %scan3A_491:16 = scf.for %scan3A_800 = %scan3A_487 to %scan3A_489 step %scan3A_490 iter_args(%scan3A_801 = %scan3A_457#0, %scan3A_802 = %scan3A_457#1, %scan3A_803 = %scan3A_457#2, %scan3A_804 = %scan3A_457#3, %scan3A_805 = %scan3A_457#4, %scan3A_806 = %scan3A_457#5, %scan3A_807 = %scan3A_457#6, %scan3A_808 = %scan3A_457#7, %scan3A_809 = %scan3A_457#8, %scan3A_810 = %scan3A_457#9, %scan3A_811 = %scan3A_457#10, %scan3A_812 = %scan3A_457#11, %scan3A_813 = %scan3A_457#12, %scan3A_814 = %scan3A_457#13, %scan3A_815 = %scan3A_457#14, %scan3A_816 = %scan3A_457#15) -> (vector<16xf32>, vector<16xf32>, vector<16xf32>, vector<16xf32>, vector<16xf32>, vector<16xf32>, vector<16xf32>, vector<16xf32>, vector<16xf32>, vector<16xf32>, vector<16xf32>, vector<16xf32>, vector<16xf32>, vector<16xf32>, vector<16xf32>, vector<16xf32>)  : i32 {
      %add3A_817 = arith.constant 384 : i32
      %add3A_818 = arith.addi %add3A_817, %scan3A_800 : i32
      %get3A = arith.index_cast %add3A_818 : i32 to index
      %get3A_819 = arith.constant 0 : index
      %get3A_820 = tpu.vector_load %arg15[%get3A, %get3A_819] {strides = array<i32>} : memref<512x128xf32, #tpu.memory_space<vmem>>, vector<1x16xf32>,
      %get3A_821 = vector.shape_cast %get3A_820 : vector<1x16xf32> to vector<16xf32>
      %add3A_822 = arith.addf %scan3A_801, %get3A_821 : vector<16xf32>
      %mul3A_823 = arith.mulf %get3A_821, %get3A_821 : vector<16xf32>
      %add3A_824 = arith.addf %scan3A_809, %mul3A_823 : vector<16xf32>
      %add3A_825 = arith.constant 384 : i32
      %add3A_826 = arith.addi %add3A_825, %scan3A_800 : i32
      %get3A_827 = arith.index_cast %add3A_826 : i32 to index
      %get3A_828 = arith.constant 16 : index
      %get3A_829 = tpu.vector_load %arg15[%get3A_827, %get3A_828] {strides = array<i32>} : memref<512x128xf32, #tpu.memory_space<vmem>>, vector<1x16xf32>,
      %get3A_830 = vector.shape_cast %get3A_829 : vector<1x16xf32> to vector<16xf32>
      %add3A_831 = arith.addf %scan3A_802, %get3A_830 : vector<16xf32>
      %mul3A_832 = arith.mulf %get3A_830, %get3A_830 : vector<16xf32>
      %add3A_833 = arith.addf %scan3A_810, %mul3A_832 : vector<16xf32>
      %add3A_834 = arith.constant 384 : i32
      %add3A_835 = arith.addi %add3A_834, %scan3A_800 : i32
      %get3A_836 = arith.index_cast %add3A_835 : i32 to index
      %get3A_837 = arith.constant 32 : index
      %get3A_838 = tpu.vector_load %arg15[%get3A_836, %get3A_837] {strides = array<i32>} : memref<512x128xf32, #tpu.memory_space<vmem>>, vector<1x16xf32>,
      %get3A_839 = vector.shape_cast %get3A_838 : vector<1x16xf32> to vector<16xf32>
      %add3A_840 = arith.addf %scan3A_803, %get3A_839 : vector<16xf32>
      %mul3A_841 = arith.mulf %get3A_839, %get3A_839 : vector<16xf32>
      %add3A_842 = arith.addf %scan3A_811, %mul3A_841 : vector<16xf32>
      %add3A_843 = arith.constant 384 : i32
      %add3A_844 = arith.addi %add3A_843, %scan3A_800 : i32
      %get3A_845 = arith.index_cast %add3A_844 : i32 to index
      %get3A_846 = arith.constant 48 : index
      %get3A_847 = tpu.vector_load %arg15[%get3A_845, %get3A_846] {strides = array<i32>} : memref<512x128xf32, #tpu.memory_space<vmem>>, vector<1x16xf32>,
      %get3A_848 = vector.shape_cast %get3A_847 : vector<1x16xf32> to vector<16xf32>
      %add3A_849 = arith.addf %scan3A_804, %get3A_848 : vector<16xf32>
      %mul3A_850 = arith.mulf %get3A_848, %get3A_848 : vector<16xf32>
      %add3A_851 = arith.addf %scan3A_812, %mul3A_850 : vector<16xf32>
      %add3A_852 = arith.constant 384 : i32
      %add3A_853 = arith.addi %add3A_852, %scan3A_800 : i32
      %get3A_854 = arith.index_cast %add3A_853 : i32 to index
      %get3A_855 = arith.constant 64 : index
      %get3A_856 = tpu.vector_load %arg15[%get3A_854, %get3A_855] {strides = array<i32>} : memref<512x128xf32, #tpu.memory_space<vmem>>, vector<1x16xf32>,
      %get3A_857 = vector.shape_cast %get3A_856 : vector<1x16xf32> to vector<16xf32>
      %add3A_858 = arith.addf %scan3A_805, %get3A_857 : vector<16xf32>
      %mul3A_859 = arith.mulf %get3A_857, %get3A_857 : vector<16xf32>
      %add3A_860 = arith.addf %scan3A_813, %mul3A_859 : vector<16xf32>
      %add3A_861 = arith.constant 384 : i32
      %add3A_862 = arith.addi %add3A_861, %scan3A_800 : i32
      %get3A_863 = arith.index_cast %add3A_862 : i32 to index
      %get3A_864 = arith.constant 80 : index
      %get3A_865 = tpu.vector_load %arg15[%get3A_863, %get3A_864] {strides = array<i32>} : memref<512x128xf32, #tpu.memory_space<vmem>>, vector<1x16xf32>,
      %get3A_866 = vector.shape_cast %get3A_865 : vector<1x16xf32> to vector<16xf32>
      %add3A_867 = arith.addf %scan3A_806, %get3A_866 : vector<16xf32>
      %mul3A_868 = arith.mulf %get3A_866, %get3A_866 : vector<16xf32>
      %add3A_869 = arith.addf %scan3A_814, %mul3A_868 : vector<16xf32>
      %add3A_870 = arith.constant 384 : i32
      %add3A_871 = arith.addi %add3A_870, %scan3A_800 : i32
      %get3A_872 = arith.index_cast %add3A_871 : i32 to index
      %get3A_873 = arith.constant 96 : index
      %get3A_874 = tpu.vector_load %arg15[%get3A_872, %get3A_873] {strides = array<i32>} : memref<512x128xf32, #tpu.memory_space<vmem>>, vector<1x16xf32>,
      %get3A_875 = vector.shape_cast %get3A_874 : vector<1x16xf32> to vector<16xf32>
      %add3A_876 = arith.addf %scan3A_807, %get3A_875 : vector<16xf32>
      %mul3A_877 = arith.mulf %get3A_875, %get3A_875 : vector<16xf32>
      %add3A_878 = arith.addf %scan3A_815, %mul3A_877 : vector<16xf32>
      %add3A_879 = arith.constant 384 : i32
      %add3A_880 = arith.addi %add3A_879, %scan3A_800 : i32
      %get3A_881 = arith.index_cast %add3A_880 : i32 to index
      %get3A_882 = arith.constant 112 : index
      %get3A_883 = tpu.vector_load %arg15[%get3A_881, %get3A_882] {strides = array<i32>} : memref<512x128xf32, #tpu.memory_space<vmem>>, vector<1x16xf32>,
      %get3A_884 = vector.shape_cast %get3A_883 : vector<1x16xf32> to vector<16xf32>
      %add3A_885 = arith.addf %scan3A_808, %get3A_884 : vector<16xf32>
      %mul3A_886 = arith.mulf %get3A_884, %get3A_884 : vector<16xf32>
      %add3A_887 = arith.addf %scan3A_816, %mul3A_886 : vector<16xf32>
      scf.yield %add3A_822, %add3A_831, %add3A_840, %add3A_849, %add3A_858, %add3A_867, %add3A_876, %add3A_885, %add3A_824, %add3A_833, %add3A_842, %add3A_851, %add3A_860, %add3A_869, %add3A_878, %add3A_887 : vector<16xf32>, vector<16xf32>, vector<16xf32>, vector<16xf32>, vector<16xf32>, vector<16xf32>, vector<16xf32>, vector<16xf32>, vector<16xf32>, vector<16xf32>, vector<16xf32>, vector<16xf32>, vector<16xf32>, vector<16xf32>, vector<16xf32>, vector<16xf32>
    }
    %scan3A_492 = arith.constant 128 : i32
    %swap3A = arith.constant 0 : i32
    %swap3A_493 = arith.index_cast %swap3A : i32 to index
    %swap3A_494 = arith.constant 0 : index
    %swap3A_495 = tpu.vector_load %arg18[%swap3A_493, %swap3A_494] {strides = array<i32>} : memref<4x128xf32, #tpu.memory_space<vmem>>, vector<1x16xf32>,
    %swap3A_496 = vector.shape_cast %swap3A_495 : vector<1x16xf32> to vector<16xf32>
    %swap3A_497 = vector.shape_cast %scan3A_329#0 : vector<16xf32> to vector<1x16xf32>
    tpu.vector_store %arg18[%swap3A_493, %swap3A_494], %swap3A_497 {strides = array<i32>} : memref<4x128xf32, #tpu.memory_space<vmem>>, vector<1x16xf32>,
    %swap3A_498 = arith.constant 1 : i32
    %swap3A_499 = arith.index_cast %swap3A_498 : i32 to index
    %swap3A_500 = arith.constant 0 : index
    %swap3A_501 = tpu.vector_load %arg18[%swap3A_499, %swap3A_500] {strides = array<i32>} : memref<4x128xf32, #tpu.memory_space<vmem>>, vector<1x16xf32>,
    %swap3A_502 = vector.shape_cast %swap3A_501 : vector<1x16xf32> to vector<16xf32>
    %swap3A_503 = vector.shape_cast %scan3A_329#8 : vector<16xf32> to vector<1x16xf32>
    tpu.vector_store %arg18[%swap3A_499, %swap3A_500], %swap3A_503 {strides = array<i32>} : memref<4x128xf32, #tpu.memory_space<vmem>>, vector<1x16xf32>,
    %swap3A_504 = arith.constant 2 : i32
    %swap3A_505 = arith.index_cast %swap3A_504 : i32 to index
    %swap3A_506 = arith.constant 0 : index
    %swap3A_507 = tpu.vector_load %arg18[%swap3A_505, %swap3A_506] {strides = array<i32>} : memref<4x128xf32, #tpu.memory_space<vmem>>, vector<1x16xf32>,
    %swap3A_508 = vector.shape_cast %swap3A_507 : vector<1x16xf32> to vector<16xf32>
    %swap3A_509 = vector.shape_cast %scan3A_491#0 : vector<16xf32> to vector<1x16xf32>
    tpu.vector_store %arg18[%swap3A_505, %swap3A_506], %swap3A_509 {strides = array<i32>} : memref<4x128xf32, #tpu.memory_space<vmem>>, vector<1x16xf32>,
    %swap3A_510 = arith.constant 3 : i32
    %swap3A_511 = arith.index_cast %swap3A_510 : i32 to index
    %swap3A_512 = arith.constant 0 : index
    %swap3A_513 = tpu.vector_load %arg18[%swap3A_511, %swap3A_512] {strides = array<i32>} : memref<4x128xf32, #tpu.memory_space<vmem>>, vector<1x16xf32>,
    %swap3A_514 = vector.shape_cast %swap3A_513 : vector<1x16xf32> to vector<16xf32>
    %swap3A_515 = vector.shape_cast %scan3A_491#8 : vector<16xf32> to vector<1x16xf32>
    tpu.vector_store %arg18[%swap3A_511, %swap3A_512], %swap3A_515 {strides = array<i32>} : memref<4x128xf32, #tpu.memory_space<vmem>>, vector<1x16xf32>,
    %swap3A_516 = arith.constant 0 : i32
    %swap3A_517 = arith.index_cast %swap3A_516 : i32 to index
    %swap3A_518 = arith.constant 16 : index
    %swap3A_519 = tpu.vector_load %arg18[%swap3A_517, %swap3A_518] {strides = array<i32>} : memref<4x128xf32, #tpu.memory_space<vmem>>, vector<1x16xf32>,
    %swap3A_520 = vector.shape_cast %swap3A_519 : vector<1x16xf32> to vector<16xf32>
    %swap3A_521 = vector.shape_cast %scan3A_329#1 : vector<16xf32> to vector<1x16xf32>
    tpu.vector_store %arg18[%swap3A_517, %swap3A_518], %swap3A_521 {strides = array<i32>} : memref<4x128xf32, #tpu.memory_space<vmem>>, vector<1x16xf32>,
    %swap3A_522 = arith.constant 1 : i32
    %swap3A_523 = arith.index_cast %swap3A_522 : i32 to index
    %swap3A_524 = arith.constant 16 : index
    %swap3A_525 = tpu.vector_load %arg18[%swap3A_523, %swap3A_524] {strides = array<i32>} : memref<4x128xf32, #tpu.memory_space<vmem>>, vector<1x16xf32>,
    %swap3A_526 = vector.shape_cast %swap3A_525 : vector<1x16xf32> to vector<16xf32>
    %swap3A_527 = vector.shape_cast %scan3A_329#9 : vector<16xf32> to vector<1x16xf32>
    tpu.vector_store %arg18[%swap3A_523, %swap3A_524], %swap3A_527 {strides = array<i32>} : memref<4x128xf32, #tpu.memory_space<vmem>>, vector<1x16xf32>,
    %swap3A_528 = arith.constant 2 : i32
    %swap3A_529 = arith.index_cast %swap3A_528 : i32 to index
    %swap3A_530 = arith.constant 16 : index
    %swap3A_531 = tpu.vector_load %arg18[%swap3A_529, %swap3A_530] {strides = array<i32>} : memref<4x128xf32, #tpu.memory_space<vmem>>, vector<1x16xf32>,
    %swap3A_532 = vector.shape_cast %swap3A_531 : vector<1x16xf32> to vector<16xf32>
    %swap3A_533 = vector.shape_cast %scan3A_491#1 : vector<16xf32> to vector<1x16xf32>
    tpu.vector_store %arg18[%swap3A_529, %swap3A_530], %swap3A_533 {strides = array<i32>} : memref<4x128xf32, #tpu.memory_space<vmem>>, vector<1x16xf32>,
    %swap3A_534 = arith.constant 3 : i32
    %swap3A_535 = arith.index_cast %swap3A_534 : i32 to index
    %swap3A_536 = arith.constant 16 : index
    %swap3A_537 = tpu.vector_load %arg18[%swap3A_535, %swap3A_536] {strides = array<i32>} : memref<4x128xf32, #tpu.memory_space<vmem>>, vector<1x16xf32>,
    %swap3A_538 = vector.shape_cast %swap3A_537 : vector<1x16xf32> to vector<16xf32>
    %swap3A_539 = vector.shape_cast %scan3A_491#9 : vector<16xf32> to vector<1x16xf32>
    tpu.vector_store %arg18[%swap3A_535, %swap3A_536], %swap3A_539 {strides = array<i32>} : memref<4x128xf32, #tpu.memory_space<vmem>>, vector<1x16xf32>,
    %swap3A_540 = arith.constant 0 : i32
    %swap3A_541 = arith.index_cast %swap3A_540 : i32 to index
    %swap3A_542 = arith.constant 32 : index
    %swap3A_543 = tpu.vector_load %arg18[%swap3A_541, %swap3A_542] {strides = array<i32>} : memref<4x128xf32, #tpu.memory_space<vmem>>, vector<1x16xf32>,
    %swap3A_544 = vector.shape_cast %swap3A_543 : vector<1x16xf32> to vector<16xf32>
    %swap3A_545 = vector.shape_cast %scan3A_329#2 : vector<16xf32> to vector<1x16xf32>
    tpu.vector_store %arg18[%swap3A_541, %swap3A_542], %swap3A_545 {strides = array<i32>} : memref<4x128xf32, #tpu.memory_space<vmem>>, vector<1x16xf32>,
    %swap3A_546 = arith.constant 1 : i32
    %swap3A_547 = arith.index_cast %swap3A_546 : i32 to index
    %swap3A_548 = arith.constant 32 : index
    %swap3A_549 = tpu.vector_load %arg18[%swap3A_547, %swap3A_548] {strides = array<i32>} : memref<4x128xf32, #tpu.memory_space<vmem>>, vector<1x16xf32>,
    %swap3A_550 = vector.shape_cast %swap3A_549 : vector<1x16xf32> to vector<16xf32>
    %swap3A_551 = vector.shape_cast %scan3A_329#10 : vector<16xf32> to vector<1x16xf32>
    tpu.vector_store %arg18[%swap3A_547, %swap3A_548], %swap3A_551 {strides = array<i32>} : memref<4x128xf32, #tpu.memory_space<vmem>>, vector<1x16xf32>,
    %swap3A_552 = arith.constant 2 : i32
    %swap3A_553 = arith.index_cast %swap3A_552 : i32 to index
    %swap3A_554 = arith.constant 32 : index
    %swap3A_555 = tpu.vector_load %arg18[%swap3A_553, %swap3A_554] {strides = array<i32>} : memref<4x128xf32, #tpu.memory_space<vmem>>, vector<1x16xf32>,
    %swap3A_556 = vector.shape_cast %swap3A_555 : vector<1x16xf32> to vector<16xf32>
    %swap3A_557 = vector.shape_cast %scan3A_491#2 : vector<16xf32> to vector<1x16xf32>
    tpu.vector_store %arg18[%swap3A_553, %swap3A_554], %swap3A_557 {strides = array<i32>} : memref<4x128xf32, #tpu.memory_space<vmem>>, vector<1x16xf32>,
    %swap3A_558 = arith.constant 3 : i32
    %swap3A_559 = arith.index_cast %swap3A_558 : i32 to index
    %swap3A_560 = arith.constant 32 : index
    %swap3A_561 = tpu.vector_load %arg18[%swap3A_559, %swap3A_560] {strides = array<i32>} : memref<4x128xf32, #tpu.memory_space<vmem>>, vector<1x16xf32>,
    %swap3A_562 = vector.shape_cast %swap3A_561 : vector<1x16xf32> to vector<16xf32>
    %swap3A_563 = vector.shape_cast %scan3A_491#10 : vector<16xf32> to vector<1x16xf32>
    tpu.vector_store %arg18[%swap3A_559, %swap3A_560], %swap3A_563 {strides = array<i32>} : memref<4x128xf32, #tpu.memory_space<vmem>>, vector<1x16xf32>,
    %swap3A_564 = arith.constant 0 : i32
    %swap3A_565 = arith.index_cast %swap3A_564 : i32 to index
    %swap3A_566 = arith.constant 48 : index
    %swap3A_567 = tpu.vector_load %arg18[%swap3A_565, %swap3A_566] {strides = array<i32>} : memref<4x128xf32, #tpu.memory_space<vmem>>, vector<1x16xf32>,
    %swap3A_568 = vector.shape_cast %swap3A_567 : vector<1x16xf32> to vector<16xf32>
    %swap3A_569 = vector.shape_cast %scan3A_329#3 : vector<16xf32> to vector<1x16xf32>
    tpu.vector_store %arg18[%swap3A_565, %swap3A_566], %swap3A_569 {strides = array<i32>} : memref<4x128xf32, #tpu.memory_space<vmem>>, vector<1x16xf32>,
    %swap3A_570 = arith.constant 1 : i32
    %swap3A_571 = arith.index_cast %swap3A_570 : i32 to index
    %swap3A_572 = arith.constant 48 : index
    %swap3A_573 = tpu.vector_load %arg18[%swap3A_571, %swap3A_572] {strides = array<i32>} : memref<4x128xf32, #tpu.memory_space<vmem>>, vector<1x16xf32>,
    %swap3A_574 = vector.shape_cast %swap3A_573 : vector<1x16xf32> to vector<16xf32>
    %swap3A_575 = vector.shape_cast %scan3A_329#11 : vector<16xf32> to vector<1x16xf32>
    tpu.vector_store %arg18[%swap3A_571, %swap3A_572], %swap3A_575 {strides = array<i32>} : memref<4x128xf32, #tpu.memory_space<vmem>>, vector<1x16xf32>,
    %swap3A_576 = arith.constant 2 : i32
    %swap3A_577 = arith.index_cast %swap3A_576 : i32 to index
    %swap3A_578 = arith.constant 48 : index
    %swap3A_579 = tpu.vector_load %arg18[%swap3A_577, %swap3A_578] {strides = array<i32>} : memref<4x128xf32, #tpu.memory_space<vmem>>, vector<1x16xf32>,
    %swap3A_580 = vector.shape_cast %swap3A_579 : vector<1x16xf32> to vector<16xf32>
    %swap3A_581 = vector.shape_cast %scan3A_491#3 : vector<16xf32> to vector<1x16xf32>
    tpu.vector_store %arg18[%swap3A_577, %swap3A_578], %swap3A_581 {strides = array<i32>} : memref<4x128xf32, #tpu.memory_space<vmem>>, vector<1x16xf32>,
    %swap3A_582 = arith.constant 3 : i32
    %swap3A_583 = arith.index_cast %swap3A_582 : i32 to index
    %swap3A_584 = arith.constant 48 : index
    %swap3A_585 = tpu.vector_load %arg18[%swap3A_583, %swap3A_584] {strides = array<i32>} : memref<4x128xf32, #tpu.memory_space<vmem>>, vector<1x16xf32>,
    %swap3A_586 = vector.shape_cast %swap3A_585 : vector<1x16xf32> to vector<16xf32>
    %swap3A_587 = vector.shape_cast %scan3A_491#11 : vector<16xf32> to vector<1x16xf32>
    tpu.vector_store %arg18[%swap3A_583, %swap3A_584], %swap3A_587 {strides = array<i32>} : memref<4x128xf32, #tpu.memory_space<vmem>>, vector<1x16xf32>,
    %swap3A_588 = arith.constant 0 : i32
    %swap3A_589 = arith.index_cast %swap3A_588 : i32 to index
    %swap3A_590 = arith.constant 64 : index
    %swap3A_591 = tpu.vector_load %arg18[%swap3A_589, %swap3A_590] {strides = array<i32>} : memref<4x128xf32, #tpu.memory_space<vmem>>, vector<1x16xf32>,
    %swap3A_592 = vector.shape_cast %swap3A_591 : vector<1x16xf32> to vector<16xf32>
    %swap3A_593 = vector.shape_cast %scan3A_329#4 : vector<16xf32> to vector<1x16xf32>
    tpu.vector_store %arg18[%swap3A_589, %swap3A_590], %swap3A_593 {strides = array<i32>} : memref<4x128xf32, #tpu.memory_space<vmem>>, vector<1x16xf32>,
    %swap3A_594 = arith.constant 1 : i32
    %swap3A_595 = arith.index_cast %swap3A_594 : i32 to index
    %swap3A_596 = arith.constant 64 : index
    %swap3A_597 = tpu.vector_load %arg18[%swap3A_595, %swap3A_596] {strides = array<i32>} : memref<4x128xf32, #tpu.memory_space<vmem>>, vector<1x16xf32>,
    %swap3A_598 = vector.shape_cast %swap3A_597 : vector<1x16xf32> to vector<16xf32>
    %swap3A_599 = vector.shape_cast %scan3A_329#12 : vector<16xf32> to vector<1x16xf32>
    tpu.vector_store %arg18[%swap3A_595, %swap3A_596], %swap3A_599 {strides = array<i32>} : memref<4x128xf32, #tpu.memory_space<vmem>>, vector<1x16xf32>,
    %swap3A_600 = arith.constant 2 : i32
    %swap3A_601 = arith.index_cast %swap3A_600 : i32 to index
    %swap3A_602 = arith.constant 64 : index
    %swap3A_603 = tpu.vector_load %arg18[%swap3A_601, %swap3A_602] {strides = array<i32>} : memref<4x128xf32, #tpu.memory_space<vmem>>, vector<1x16xf32>,
    %swap3A_604 = vector.shape_cast %swap3A_603 : vector<1x16xf32> to vector<16xf32>
    %swap3A_605 = vector.shape_cast %scan3A_491#4 : vector<16xf32> to vector<1x16xf32>
    tpu.vector_store %arg18[%swap3A_601, %swap3A_602], %swap3A_605 {strides = array<i32>} : memref<4x128xf32, #tpu.memory_space<vmem>>, vector<1x16xf32>,
    %swap3A_606 = arith.constant 3 : i32
    %swap3A_607 = arith.index_cast %swap3A_606 : i32 to index
    %swap3A_608 = arith.constant 64 : index
    %swap3A_609 = tpu.vector_load %arg18[%swap3A_607, %swap3A_608] {strides = array<i32>} : memref<4x128xf32, #tpu.memory_space<vmem>>, vector<1x16xf32>,
    %swap3A_610 = vector.shape_cast %swap3A_609 : vector<1x16xf32> to vector<16xf32>
    %swap3A_611 = vector.shape_cast %scan3A_491#12 : vector<16xf32> to vector<1x16xf32>
    tpu.vector_store %arg18[%swap3A_607, %swap3A_608], %swap3A_611 {strides = array<i32>} : memref<4x128xf32, #tpu.memory_space<vmem>>, vector<1x16xf32>,
    %swap3A_612 = arith.constant 0 : i32
    %swap3A_613 = arith.index_cast %swap3A_612 : i32 to index
    %swap3A_614 = arith.constant 80 : index
    %swap3A_615 = tpu.vector_load %arg18[%swap3A_613, %swap3A_614] {strides = array<i32>} : memref<4x128xf32, #tpu.memory_space<vmem>>, vector<1x16xf32>,
    %swap3A_616 = vector.shape_cast %swap3A_615 : vector<1x16xf32> to vector<16xf32>
    %swap3A_617 = vector.shape_cast %scan3A_329#5 : vector<16xf32> to vector<1x16xf32>
    tpu.vector_store %arg18[%swap3A_613, %swap3A_614], %swap3A_617 {strides = array<i32>} : memref<4x128xf32, #tpu.memory_space<vmem>>, vector<1x16xf32>,
    %swap3A_618 = arith.constant 1 : i32
    %swap3A_619 = arith.index_cast %swap3A_618 : i32 to index
    %swap3A_620 = arith.constant 80 : index
    %swap3A_621 = tpu.vector_load %arg18[%swap3A_619, %swap3A_620] {strides = array<i32>} : memref<4x128xf32, #tpu.memory_space<vmem>>, vector<1x16xf32>,
    %swap3A_622 = vector.shape_cast %swap3A_621 : vector<1x16xf32> to vector<16xf32>
    %swap3A_623 = vector.shape_cast %scan3A_329#13 : vector<16xf32> to vector<1x16xf32>
    tpu.vector_store %arg18[%swap3A_619, %swap3A_620], %swap3A_623 {strides = array<i32>} : memref<4x128xf32, #tpu.memory_space<vmem>>, vector<1x16xf32>,
    %swap3A_624 = arith.constant 2 : i32
    %swap3A_625 = arith.index_cast %swap3A_624 : i32 to index
    %swap3A_626 = arith.constant 80 : index
    %swap3A_627 = tpu.vector_load %arg18[%swap3A_625, %swap3A_626] {strides = array<i32>} : memref<4x128xf32, #tpu.memory_space<vmem>>, vector<1x16xf32>,
    %swap3A_628 = vector.shape_cast %swap3A_627 : vector<1x16xf32> to vector<16xf32>
    %swap3A_629 = vector.shape_cast %scan3A_491#5 : vector<16xf32> to vector<1x16xf32>
    tpu.vector_store %arg18[%swap3A_625, %swap3A_626], %swap3A_629 {strides = array<i32>} : memref<4x128xf32, #tpu.memory_space<vmem>>, vector<1x16xf32>,
    %swap3A_630 = arith.constant 3 : i32
    %swap3A_631 = arith.index_cast %swap3A_630 : i32 to index
    %swap3A_632 = arith.constant 80 : index
    %swap3A_633 = tpu.vector_load %arg18[%swap3A_631, %swap3A_632] {strides = array<i32>} : memref<4x128xf32, #tpu.memory_space<vmem>>, vector<1x16xf32>,
    %swap3A_634 = vector.shape_cast %swap3A_633 : vector<1x16xf32> to vector<16xf32>
    %swap3A_635 = vector.shape_cast %scan3A_491#13 : vector<16xf32> to vector<1x16xf32>
    tpu.vector_store %arg18[%swap3A_631, %swap3A_632], %swap3A_635 {strides = array<i32>} : memref<4x128xf32, #tpu.memory_space<vmem>>, vector<1x16xf32>,
    %swap3A_636 = arith.constant 0 : i32
    %swap3A_637 = arith.index_cast %swap3A_636 : i32 to index
    %swap3A_638 = arith.constant 96 : index
    %swap3A_639 = tpu.vector_load %arg18[%swap3A_637, %swap3A_638] {strides = array<i32>} : memref<4x128xf32, #tpu.memory_space<vmem>>, vector<1x16xf32>,
    %swap3A_640 = vector.shape_cast %swap3A_639 : vector<1x16xf32> to vector<16xf32>
    %swap3A_641 = vector.shape_cast %scan3A_329#6 : vector<16xf32> to vector<1x16xf32>
    tpu.vector_store %arg18[%swap3A_637, %swap3A_638], %swap3A_641 {strides = array<i32>} : memref<4x128xf32, #tpu.memory_space<vmem>>, vector<1x16xf32>,
    %swap3A_642 = arith.constant 1 : i32
    %swap3A_643 = arith.index_cast %swap3A_642 : i32 to index
    %swap3A_644 = arith.constant 96 : index
    %swap3A_645 = tpu.vector_load %arg18[%swap3A_643, %swap3A_644] {strides = array<i32>} : memref<4x128xf32, #tpu.memory_space<vmem>>, vector<1x16xf32>,
    %swap3A_646 = vector.shape_cast %swap3A_645 : vector<1x16xf32> to vector<16xf32>
    %swap3A_647 = vector.shape_cast %scan3A_329#14 : vector<16xf32> to vector<1x16xf32>
    tpu.vector_store %arg18[%swap3A_643, %swap3A_644], %swap3A_647 {strides = array<i32>} : memref<4x128xf32, #tpu.memory_space<vmem>>, vector<1x16xf32>,
    %swap3A_648 = arith.constant 2 : i32
    %swap3A_649 = arith.index_cast %swap3A_648 : i32 to index
    %swap3A_650 = arith.constant 96 : index
    %swap3A_651 = tpu.vector_load %arg18[%swap3A_649, %swap3A_650] {strides = array<i32>} : memref<4x128xf32, #tpu.memory_space<vmem>>, vector<1x16xf32>,
    %swap3A_652 = vector.shape_cast %swap3A_651 : vector<1x16xf32> to vector<16xf32>
    %swap3A_653 = vector.shape_cast %scan3A_491#6 : vector<16xf32> to vector<1x16xf32>
    tpu.vector_store %arg18[%swap3A_649, %swap3A_650], %swap3A_653 {strides = array<i32>} : memref<4x128xf32, #tpu.memory_space<vmem>>, vector<1x16xf32>,
    %swap3A_654 = arith.constant 3 : i32
    %swap3A_655 = arith.index_cast %swap3A_654 : i32 to index
    %swap3A_656 = arith.constant 96 : index
    %swap3A_657 = tpu.vector_load %arg18[%swap3A_655, %swap3A_656] {strides = array<i32>} : memref<4x128xf32, #tpu.memory_space<vmem>>, vector<1x16xf32>,
    %swap3A_658 = vector.shape_cast %swap3A_657 : vector<1x16xf32> to vector<16xf32>
    %swap3A_659 = vector.shape_cast %scan3A_491#14 : vector<16xf32> to vector<1x16xf32>
    tpu.vector_store %arg18[%swap3A_655, %swap3A_656], %swap3A_659 {strides = array<i32>} : memref<4x128xf32, #tpu.memory_space<vmem>>, vector<1x16xf32>,
    %swap3A_660 = arith.constant 0 : i32
    %swap3A_661 = arith.index_cast %swap3A_660 : i32 to index
    %swap3A_662 = arith.constant 112 : index
    %swap3A_663 = tpu.vector_load %arg18[%swap3A_661, %swap3A_662] {strides = array<i32>} : memref<4x128xf32, #tpu.memory_space<vmem>>, vector<1x16xf32>,
    %swap3A_664 = vector.shape_cast %swap3A_663 : vector<1x16xf32> to vector<16xf32>
    %swap3A_665 = vector.shape_cast %scan3A_329#7 : vector<16xf32> to vector<1x16xf32>
    tpu.vector_store %arg18[%swap3A_661, %swap3A_662], %swap3A_665 {strides = array<i32>} : memref<4x128xf32, #tpu.memory_space<vmem>>, vector<1x16xf32>,
    %swap3A_666 = arith.constant 1 : i32
    %swap3A_667 = arith.index_cast %swap3A_666 : i32 to index
    %swap3A_668 = arith.constant 112 : index
    %swap3A_669 = tpu.vector_load %arg18[%swap3A_667, %swap3A_668] {strides = array<i32>} : memref<4x128xf32, #tpu.memory_space<vmem>>, vector<1x16xf32>,
    %swap3A_670 = vector.shape_cast %swap3A_669 : vector<1x16xf32> to vector<16xf32>
    %swap3A_671 = vector.shape_cast %scan3A_329#15 : vector<16xf32> to vector<1x16xf32>
    tpu.vector_store %arg18[%swap3A_667, %swap3A_668], %swap3A_671 {strides = array<i32>} : memref<4x128xf32, #tpu.memory_space<vmem>>, vector<1x16xf32>,
    %swap3A_672 = arith.constant 2 : i32
    %swap3A_673 = arith.index_cast %swap3A_672 : i32 to index
    %swap3A_674 = arith.constant 112 : index
    %swap3A_675 = tpu.vector_load %arg18[%swap3A_673, %swap3A_674] {strides = array<i32>} : memref<4x128xf32, #tpu.memory_space<vmem>>, vector<1x16xf32>,
    %swap3A_676 = vector.shape_cast %swap3A_675 : vector<1x16xf32> to vector<16xf32>
    %swap3A_677 = vector.shape_cast %scan3A_491#7 : vector<16xf32> to vector<1x16xf32>
    tpu.vector_store %arg18[%swap3A_673, %swap3A_674], %swap3A_677 {strides = array<i32>} : memref<4x128xf32, #tpu.memory_space<vmem>>, vector<1x16xf32>,
    %swap3A_678 = arith.constant 3 : i32
    %swap3A_679 = arith.index_cast %swap3A_678 : i32 to index
    %swap3A_680 = arith.constant 112 : index
    %swap3A_681 = tpu.vector_load %arg18[%swap3A_679, %swap3A_680] {strides = array<i32>} : memref<4x128xf32, #tpu.memory_space<vmem>>, vector<1x16xf32>,
    %swap3A_682 = vector.shape_cast %swap3A_681 : vector<1x16xf32> to vector<16xf32>
    %swap3A_683 = vector.shape_cast %scan3A_491#15 : vector<16xf32> to vector<1x16xf32>
    tpu.vector_store %arg18[%swap3A_679, %swap3A_680], %swap3A_683 {strides = array<i32>} : memref<4x128xf32, #tpu.memory_space<vmem>>, vector<1x16xf32>,
    "tpu.region"() ({
      %run_scoped3A = tpu.sem_alloc : memref<!tpu.dma_semaphore, #tpu.memory_space<semaphore_mem>>
      %dma_start3A_800 = arith.constant 0 : i32
      %dma_start3A_801 = arith.constant 0 : i32
      %dma_start3A_802 = tpu.memref_slice %arg12[%add3A, %dma_start3A_800, %dma_start3A_801] : memref<32x4x128xf32, #tpu.memory_space<hbm>> -> memref<1x4x128xf32, #tpu.memory_space<hbm>>
      %dma_start3A_803 = tpu.memref_squeeze %dma_start3A_802 : memref<1x4x128xf32, #tpu.memory_space<hbm>> -> memref<4x128xf32, #tpu.memory_space<hbm>>
      %dma_start3A_804 = arith.constant 0 : i32
      %dma_start3A_805 = arith.constant 0 : i32
      %dma_start3A_806 = tpu.memref_slice %arg12[%add3A, %dma_start3A_804, %dma_start3A_805] : memref<32x4x128xf32, #tpu.memory_space<hbm>> -> memref<1x4x128xf32, #tpu.memory_space<hbm>>
      %dma_start3A_807 = tpu.memref_squeeze %dma_start3A_806 : memref<1x4x128xf32, #tpu.memory_space<hbm>> -> memref<4x128xf32, #tpu.memory_space<hbm>>
      tpu.enqueue_dma source(%arg18 : memref<4x128xf32, #tpu.memory_space<vmem>>) target(%dma_start3A_807 : memref<4x128xf32, #tpu.memory_space<hbm>>) target_semaphore(%run_scoped3A : memref<!tpu.dma_semaphore, #tpu.memory_space<semaphore_mem>>)
      %dma_wait3A_808 = arith.constant 0 : i32
      %dma_wait3A_809 = arith.constant 0 : i32
      %dma_wait3A_810 = tpu.memref_slice %arg12[%add3A, %dma_wait3A_808, %dma_wait3A_809] : memref<32x4x128xf32, #tpu.memory_space<hbm>> -> memref<1x4x128xf32, #tpu.memory_space<hbm>>
      %dma_wait3A_811 = tpu.memref_squeeze %dma_wait3A_810 : memref<1x4x128xf32, #tpu.memory_space<hbm>> -> memref<4x128xf32, #tpu.memory_space<hbm>>
      %dma_wait3A_812 = arith.constant 0 : i32
      %dma_wait3A_813 = arith.constant 0 : i32
      %dma_wait3A_814 = tpu.memref_slice %arg12[%add3A, %dma_wait3A_812, %dma_wait3A_813] : memref<32x4x128xf32, #tpu.memory_space<hbm>> -> memref<1x4x128xf32, #tpu.memory_space<hbm>>
      %dma_wait3A_815 = tpu.memref_squeeze %dma_wait3A_814 : memref<1x4x128xf32, #tpu.memory_space<hbm>> -> memref<4x128xf32, #tpu.memory_space<hbm>>
      tpu.wait_dma2 semaphore(%run_scoped3A : memref<!tpu.dma_semaphore, #tpu.memory_space<semaphore_mem>>) src(%arg18 : memref<4x128xf32, #tpu.memory_space<vmem>>) dst(%dma_wait3A_815 : memref<4x128xf32, #tpu.memory_space<hbm>>)
      tpu.yield
    }) : () -> ()
    %dma_wait3A_684 = arith.constant 0 : i32
    %dma_wait3A_685 = arith.constant 0 : i32
    %dma_wait3A_686 = tpu.memref_slice %arg16[%dma_wait3A_685] : memref<512xf32, #tpu.memory_space<vmem>> -> memref<128xf32, #tpu.memory_space<vmem>>
    %dma_wait3A_687 = arith.constant 0 : i32
    %dma_wait3A_688 = tpu.memref_slice %arg13[%dma_wait3A_684, %dma_wait3A_687] : memref<4x128xi32, #tpu.memory_space<vmem>> -> memref<1x128xi32, #tpu.memory_space<vmem>>
    %dma_wait3A_689 = tpu.memref_squeeze %dma_wait3A_688 : memref<1x128xi32, #tpu.memory_space<vmem>> -> memref<128xi32, #tpu.memory_space<vmem>>
    %dma_wait3A_690 = arith.constant 0 : i32
    %dma_wait3A_691 = tpu.memref_slice %arg6[%dma_wait3A_690] : memref<100000xf32, #tpu.memory_space<hbm>> -> memref<100000xf32, #tpu.memory_space<hbm>>
    tpu.wait_indirect_dma semaphore(%arg21 : memref<!tpu.dma_semaphore, #tpu.memory_space<semaphore_mem>>) src(%dma_wait3A_691 : memref<100000xf32, #tpu.memory_space<hbm>>) dst(%dma_wait3A_686 : memref<128xf32, #tpu.memory_space<vmem>>)
    %dma_wait3A_692 = arith.constant 0 : i32
    %dma_wait3A_693 = arith.constant 0 : i32
    %dma_wait3A_694 = tpu.memref_slice %arg17[%dma_wait3A_693] : memref<512xf32, #tpu.memory_space<vmem>> -> memref<128xf32, #tpu.memory_space<vmem>>
    %dma_wait3A_695 = arith.constant 0 : i32
    %dma_wait3A_696 = tpu.memref_slice %arg14[%dma_wait3A_692, %dma_wait3A_695] : memref<4x128xi32, #tpu.memory_space<vmem>> -> memref<1x128xi32, #tpu.memory_space<vmem>>
    %dma_wait3A_697 = tpu.memref_squeeze %dma_wait3A_696 : memref<1x128xi32, #tpu.memory_space<vmem>> -> memref<128xi32, #tpu.memory_space<vmem>>
    %dma_wait3A_698 = arith.constant 0 : i32
    %dma_wait3A_699 = tpu.memref_slice %arg7[%dma_wait3A_698] : memref<100000xf32, #tpu.memory_space<hbm>> -> memref<100000xf32, #tpu.memory_space<hbm>>
    tpu.wait_indirect_dma semaphore(%arg21 : memref<!tpu.dma_semaphore, #tpu.memory_space<semaphore_mem>>) src(%dma_wait3A_699 : memref<100000xf32, #tpu.memory_space<hbm>>) dst(%dma_wait3A_694 : memref<128xf32, #tpu.memory_space<vmem>>)
    %dma_wait3A_700 = arith.constant 1 : i32
    %dma_wait3A_701 = arith.constant 128 : i32
    %dma_wait3A_702 = tpu.memref_slice %arg16[%dma_wait3A_701] : memref<512xf32, #tpu.memory_space<vmem>> -> memref<128xf32, #tpu.memory_space<vmem>>
    %dma_wait3A_703 = arith.constant 0 : i32
    %dma_wait3A_704 = tpu.memref_slice %arg13[%dma_wait3A_700, %dma_wait3A_703] : memref<4x128xi32, #tpu.memory_space<vmem>> -> memref<1x128xi32, #tpu.memory_space<vmem>>
    %dma_wait3A_705 = tpu.memref_squeeze %dma_wait3A_704 : memref<1x128xi32, #tpu.memory_space<vmem>> -> memref<128xi32, #tpu.memory_space<vmem>>
    %dma_wait3A_706 = arith.constant 0 : i32
    %dma_wait3A_707 = tpu.memref_slice %arg6[%dma_wait3A_706] : memref<100000xf32, #tpu.memory_space<hbm>> -> memref<100000xf32, #tpu.memory_space<hbm>>
    tpu.wait_indirect_dma semaphore(%arg21 : memref<!tpu.dma_semaphore, #tpu.memory_space<semaphore_mem>>) src(%dma_wait3A_707 : memref<100000xf32, #tpu.memory_space<hbm>>) dst(%dma_wait3A_702 : memref<128xf32, #tpu.memory_space<vmem>>)
    %dma_wait3A_708 = arith.constant 1 : i32
    %dma_wait3A_709 = arith.constant 128 : i32
    %dma_wait3A_710 = tpu.memref_slice %arg17[%dma_wait3A_709] : memref<512xf32, #tpu.memory_space<vmem>> -> memref<128xf32, #tpu.memory_space<vmem>>
    %dma_wait3A_711 = arith.constant 0 : i32
    %dma_wait3A_712 = tpu.memref_slice %arg14[%dma_wait3A_708, %dma_wait3A_711] : memref<4x128xi32, #tpu.memory_space<vmem>> -> memref<1x128xi32, #tpu.memory_space<vmem>>
    %dma_wait3A_713 = tpu.memref_squeeze %dma_wait3A_712 : memref<1x128xi32, #tpu.memory_space<vmem>> -> memref<128xi32, #tpu.memory_space<vmem>>
    %dma_wait3A_714 = arith.constant 0 : i32
    %dma_wait3A_715 = tpu.memref_slice %arg7[%dma_wait3A_714] : memref<100000xf32, #tpu.memory_space<hbm>> -> memref<100000xf32, #tpu.memory_space<hbm>>
    tpu.wait_indirect_dma semaphore(%arg21 : memref<!tpu.dma_semaphore, #tpu.memory_space<semaphore_mem>>) src(%dma_wait3A_715 : memref<100000xf32, #tpu.memory_space<hbm>>) dst(%dma_wait3A_710 : memref<128xf32, #tpu.memory_space<vmem>>)
    %dma_wait3A_716 = arith.constant 2 : i32
    %dma_wait3A_717 = arith.constant 256 : i32
    %dma_wait3A_718 = tpu.memref_slice %arg16[%dma_wait3A_717] : memref<512xf32, #tpu.memory_space<vmem>> -> memref<128xf32, #tpu.memory_space<vmem>>
    %dma_wait3A_719 = arith.constant 0 : i32
    %dma_wait3A_720 = tpu.memref_slice %arg13[%dma_wait3A_716, %dma_wait3A_719] : memref<4x128xi32, #tpu.memory_space<vmem>> -> memref<1x128xi32, #tpu.memory_space<vmem>>
    %dma_wait3A_721 = tpu.memref_squeeze %dma_wait3A_720 : memref<1x128xi32, #tpu.memory_space<vmem>> -> memref<128xi32, #tpu.memory_space<vmem>>
    %dma_wait3A_722 = arith.constant 0 : i32
    %dma_wait3A_723 = tpu.memref_slice %arg6[%dma_wait3A_722] : memref<100000xf32, #tpu.memory_space<hbm>> -> memref<100000xf32, #tpu.memory_space<hbm>>
    tpu.wait_indirect_dma semaphore(%arg21 : memref<!tpu.dma_semaphore, #tpu.memory_space<semaphore_mem>>) src(%dma_wait3A_723 : memref<100000xf32, #tpu.memory_space<hbm>>) dst(%dma_wait3A_718 : memref<128xf32, #tpu.memory_space<vmem>>)
    %dma_wait3A_724 = arith.constant 2 : i32
    %dma_wait3A_725 = arith.constant 256 : i32
    %dma_wait3A_726 = tpu.memref_slice %arg17[%dma_wait3A_725] : memref<512xf32, #tpu.memory_space<vmem>> -> memref<128xf32, #tpu.memory_space<vmem>>
    %dma_wait3A_727 = arith.constant 0 : i32
    %dma_wait3A_728 = tpu.memref_slice %arg14[%dma_wait3A_724, %dma_wait3A_727] : memref<4x128xi32, #tpu.memory_space<vmem>> -> memref<1x128xi32, #tpu.memory_space<vmem>>
    %dma_wait3A_729 = tpu.memref_squeeze %dma_wait3A_728 : memref<1x128xi32, #tpu.memory_space<vmem>> -> memref<128xi32, #tpu.memory_space<vmem>>
    %dma_wait3A_730 = arith.constant 0 : i32
    %dma_wait3A_731 = tpu.memref_slice %arg7[%dma_wait3A_730] : memref<100000xf32, #tpu.memory_space<hbm>> -> memref<100000xf32, #tpu.memory_space<hbm>>
    tpu.wait_indirect_dma semaphore(%arg21 : memref<!tpu.dma_semaphore, #tpu.memory_space<semaphore_mem>>) src(%dma_wait3A_731 : memref<100000xf32, #tpu.memory_space<hbm>>) dst(%dma_wait3A_726 : memref<128xf32, #tpu.memory_space<vmem>>)
    %dma_wait3A_732 = arith.constant 3 : i32
    %dma_wait3A_733 = arith.constant 384 : i32
    %dma_wait3A_734 = tpu.memref_slice %arg16[%dma_wait3A_733] : memref<512xf32, #tpu.memory_space<vmem>> -> memref<128xf32, #tpu.memory_space<vmem>>
    %dma_wait3A_735 = arith.constant 0 : i32
    %dma_wait3A_736 = tpu.memref_slice %arg13[%dma_wait3A_732, %dma_wait3A_735] : memref<4x128xi32, #tpu.memory_space<vmem>> -> memref<1x128xi32, #tpu.memory_space<vmem>>
    %dma_wait3A_737 = tpu.memref_squeeze %dma_wait3A_736 : memref<1x128xi32, #tpu.memory_space<vmem>> -> memref<128xi32, #tpu.memory_space<vmem>>
    %dma_wait3A_738 = arith.constant 0 : i32
    %dma_wait3A_739 = tpu.memref_slice %arg6[%dma_wait3A_738] : memref<100000xf32, #tpu.memory_space<hbm>> -> memref<100000xf32, #tpu.memory_space<hbm>>
    tpu.wait_indirect_dma semaphore(%arg21 : memref<!tpu.dma_semaphore, #tpu.memory_space<semaphore_mem>>) src(%dma_wait3A_739 : memref<100000xf32, #tpu.memory_space<hbm>>) dst(%dma_wait3A_734 : memref<128xf32, #tpu.memory_space<vmem>>)
    %dma_wait3A_740 = arith.constant 3 : i32
    %dma_wait3A_741 = arith.constant 384 : i32
    %dma_wait3A_742 = tpu.memref_slice %arg17[%dma_wait3A_741] : memref<512xf32, #tpu.memory_space<vmem>> -> memref<128xf32, #tpu.memory_space<vmem>>
    %dma_wait3A_743 = arith.constant 0 : i32
    %dma_wait3A_744 = tpu.memref_slice %arg14[%dma_wait3A_740, %dma_wait3A_743] : memref<4x128xi32, #tpu.memory_space<vmem>> -> memref<1x128xi32, #tpu.memory_space<vmem>>
    %dma_wait3A_745 = tpu.memref_squeeze %dma_wait3A_744 : memref<1x128xi32, #tpu.memory_space<vmem>> -> memref<128xi32, #tpu.memory_space<vmem>>
    %dma_wait3A_746 = arith.constant 0 : i32
    %dma_wait3A_747 = tpu.memref_slice %arg7[%dma_wait3A_746] : memref<100000xf32, #tpu.memory_space<hbm>> -> memref<100000xf32, #tpu.memory_space<hbm>>
    tpu.wait_indirect_dma semaphore(%arg21 : memref<!tpu.dma_semaphore, #tpu.memory_space<semaphore_mem>>) src(%dma_wait3A_747 : memref<100000xf32, #tpu.memory_space<hbm>>) dst(%dma_wait3A_742 : memref<128xf32, #tpu.memory_space<vmem>>)
    "tpu.region"() ({
      %run_scoped3A = tpu.sem_alloc : memref<!tpu.dma_semaphore, #tpu.memory_space<semaphore_mem>>
      %dma_start3A_800 = tpu.memref_slice %arg10[%mul3A_2] : memref<16384xf32, #tpu.memory_space<hbm>> -> memref<512xf32, #tpu.memory_space<hbm>>
      %dma_start3A_801 = tpu.memref_slice %arg10[%mul3A_2] : memref<16384xf32, #tpu.memory_space<hbm>> -> memref<512xf32, #tpu.memory_space<hbm>>
      tpu.enqueue_dma source(%arg16 : memref<512xf32, #tpu.memory_space<vmem>>) target(%dma_start3A_801 : memref<512xf32, #tpu.memory_space<hbm>>) target_semaphore(%run_scoped3A : memref<!tpu.dma_semaphore, #tpu.memory_space<semaphore_mem>>)
      %dma_wait3A_802 = tpu.memref_slice %arg10[%mul3A_2] : memref<16384xf32, #tpu.memory_space<hbm>> -> memref<512xf32, #tpu.memory_space<hbm>>
      %dma_wait3A_803 = tpu.memref_slice %arg10[%mul3A_2] : memref<16384xf32, #tpu.memory_space<hbm>> -> memref<512xf32, #tpu.memory_space<hbm>>
      tpu.wait_dma2 semaphore(%run_scoped3A : memref<!tpu.dma_semaphore, #tpu.memory_space<semaphore_mem>>) src(%arg16 : memref<512xf32, #tpu.memory_space<vmem>>) dst(%dma_wait3A_803 : memref<512xf32, #tpu.memory_space<hbm>>)
      tpu.yield
    }) : () -> ()
    "tpu.region"() ({
      %run_scoped3A = tpu.sem_alloc : memref<!tpu.dma_semaphore, #tpu.memory_space<semaphore_mem>>
      %dma_start3A_800 = tpu.memref_slice %arg11[%mul3A_2] : memref<16384xf32, #tpu.memory_space<hbm>> -> memref<512xf32, #tpu.memory_space<hbm>>
      %dma_start3A_801 = tpu.memref_slice %arg11[%mul3A_2] : memref<16384xf32, #tpu.memory_space<hbm>> -> memref<512xf32, #tpu.memory_space<hbm>>
      tpu.enqueue_dma source(%arg17 : memref<512xf32, #tpu.memory_space<vmem>>) target(%dma_start3A_801 : memref<512xf32, #tpu.memory_space<hbm>>) target_semaphore(%run_scoped3A : memref<!tpu.dma_semaphore, #tpu.memory_space<semaphore_mem>>)
      %dma_wait3A_802 = tpu.memref_slice %arg11[%mul3A_2] : memref<16384xf32, #tpu.memory_space<hbm>> -> memref<512xf32, #tpu.memory_space<hbm>>
      %dma_wait3A_803 = tpu.memref_slice %arg11[%mul3A_2] : memref<16384xf32, #tpu.memory_space<hbm>> -> memref<512xf32, #tpu.memory_space<hbm>>
      tpu.wait_dma2 semaphore(%run_scoped3A : memref<!tpu.dma_semaphore, #tpu.memory_space<semaphore_mem>>) src(%arg17 : memref<512xf32, #tpu.memory_space<vmem>>) dst(%dma_wait3A_803 : memref<512xf32, #tpu.memory_space<hbm>>)
      tpu.yield
    }) : () -> ()
    %dma_wait3A_748 = arith.constant 0 : i32
    %dma_wait3A_749 = arith.constant 0 : i32
    %dma_wait3A_750 = arith.constant 0 : i32
    %dma_wait3A_751 = tpu.memref_slice %arg15[%dma_wait3A_749, %dma_wait3A_750] : memref<512x128xf32, #tpu.memory_space<vmem>> -> memref<128x128xf32, #tpu.memory_space<vmem>>
    %dma_wait3A_752 = arith.constant 0 : i32
    %dma_wait3A_753 = tpu.memref_slice %arg9[%add3A_371, %dma_wait3A_752] : memref<16384x128xf32, #tpu.memory_space<hbm>> -> memref<128x128xf32, #tpu.memory_space<hbm>>
    %dma_wait3A_754 = tpu.memref_slice %arg20[%dma_wait3A_748] : memref<4x!tpu.dma_semaphore, #tpu.memory_space<semaphore_mem>> -> memref<1x!tpu.dma_semaphore, #tpu.memory_space<semaphore_mem>>
    %dma_wait3A_755 = tpu.memref_squeeze %dma_wait3A_754 : memref<1x!tpu.dma_semaphore, #tpu.memory_space<semaphore_mem>> -> memref<!tpu.dma_semaphore, #tpu.memory_space<semaphore_mem>>
    %dma_wait3A_756 = arith.constant 0 : i32
    %dma_wait3A_757 = tpu.memref_slice %arg9[%add3A_371, %dma_wait3A_756] : memref<16384x128xf32, #tpu.memory_space<hbm>> -> memref<128x128xf32, #tpu.memory_space<hbm>>
    %dma_wait3A_758 = arith.constant 0 : i32
    %dma_wait3A_759 = arith.constant 0 : i32
    %dma_wait3A_760 = tpu.memref_slice %arg15[%dma_wait3A_758, %dma_wait3A_759] : memref<512x128xf32, #tpu.memory_space<vmem>> -> memref<128x128xf32, #tpu.memory_space<vmem>>
    tpu.wait_dma2 semaphore(%dma_wait3A_755 : memref<!tpu.dma_semaphore, #tpu.memory_space<semaphore_mem>>) src(%dma_wait3A_760 : memref<128x128xf32, #tpu.memory_space<vmem>>) dst(%dma_wait3A_757 : memref<128x128xf32, #tpu.memory_space<hbm>>)
    %dma_wait3A_761 = arith.constant 1 : i32
    %dma_wait3A_762 = arith.constant 128 : i32
    %dma_wait3A_763 = arith.constant 0 : i32
    %dma_wait3A_764 = tpu.memref_slice %arg15[%dma_wait3A_762, %dma_wait3A_763] : memref<512x128xf32, #tpu.memory_space<vmem>> -> memref<128x128xf32, #tpu.memory_space<vmem>>
    %dma_wait3A_765 = arith.constant 0 : i32
    %dma_wait3A_766 = tpu.memref_slice %arg9[%add3A_405, %dma_wait3A_765] : memref<16384x128xf32, #tpu.memory_space<hbm>> -> memref<128x128xf32, #tpu.memory_space<hbm>>
    %dma_wait3A_767 = tpu.memref_slice %arg20[%dma_wait3A_761] : memref<4x!tpu.dma_semaphore, #tpu.memory_space<semaphore_mem>> -> memref<1x!tpu.dma_semaphore, #tpu.memory_space<semaphore_mem>>
    %dma_wait3A_768 = tpu.memref_squeeze %dma_wait3A_767 : memref<1x!tpu.dma_semaphore, #tpu.memory_space<semaphore_mem>> -> memref<!tpu.dma_semaphore, #tpu.memory_space<semaphore_mem>>
    %dma_wait3A_769 = arith.constant 0 : i32
    %dma_wait3A_770 = tpu.memref_slice %arg9[%add3A_405, %dma_wait3A_769] : memref<16384x128xf32, #tpu.memory_space<hbm>> -> memref<128x128xf32, #tpu.memory_space<hbm>>
    %dma_wait3A_771 = arith.constant 128 : i32
    %dma_wait3A_772 = arith.constant 0 : i32
    %dma_wait3A_773 = tpu.memref_slice %arg15[%dma_wait3A_771, %dma_wait3A_772] : memref<512x128xf32, #tpu.memory_space<vmem>> -> memref<128x128xf32, #tpu.memory_space<vmem>>
    tpu.wait_dma2 semaphore(%dma_wait3A_768 : memref<!tpu.dma_semaphore, #tpu.memory_space<semaphore_mem>>) src(%dma_wait3A_773 : memref<128x128xf32, #tpu.memory_space<vmem>>) dst(%dma_wait3A_770 : memref<128x128xf32, #tpu.memory_space<hbm>>)
    %dma_wait3A_774 = arith.constant 2 : i32
    %dma_wait3A_775 = arith.constant 256 : i32
    %dma_wait3A_776 = arith.constant 0 : i32
    %dma_wait3A_777 = tpu.memref_slice %arg15[%dma_wait3A_775, %dma_wait3A_776] : memref<512x128xf32, #tpu.memory_space<vmem>> -> memref<128x128xf32, #tpu.memory_space<vmem>>
    %dma_wait3A_778 = arith.constant 0 : i32
    %dma_wait3A_779 = tpu.memref_slice %arg9[%add3A_439, %dma_wait3A_778] : memref<16384x128xf32, #tpu.memory_space<hbm>> -> memref<128x128xf32, #tpu.memory_space<hbm>>
    %dma_wait3A_780 = tpu.memref_slice %arg20[%dma_wait3A_774] : memref<4x!tpu.dma_semaphore, #tpu.memory_space<semaphore_mem>> -> memref<1x!tpu.dma_semaphore, #tpu.memory_space<semaphore_mem>>
    %dma_wait3A_781 = tpu.memref_squeeze %dma_wait3A_780 : memref<1x!tpu.dma_semaphore, #tpu.memory_space<semaphore_mem>> -> memref<!tpu.dma_semaphore, #tpu.memory_space<semaphore_mem>>
    %dma_wait3A_782 = arith.constant 0 : i32
    %dma_wait3A_783 = tpu.memref_slice %arg9[%add3A_439, %dma_wait3A_782] : memref<16384x128xf32, #tpu.memory_space<hbm>> -> memref<128x128xf32, #tpu.memory_space<hbm>>
    %dma_wait3A_784 = arith.constant 256 : i32
    %dma_wait3A_785 = arith.constant 0 : i32
    %dma_wait3A_786 = tpu.memref_slice %arg15[%dma_wait3A_784, %dma_wait3A_785] : memref<512x128xf32, #tpu.memory_space<vmem>> -> memref<128x128xf32, #tpu.memory_space<vmem>>
    tpu.wait_dma2 semaphore(%dma_wait3A_781 : memref<!tpu.dma_semaphore, #tpu.memory_space<semaphore_mem>>) src(%dma_wait3A_786 : memref<128x128xf32, #tpu.memory_space<vmem>>) dst(%dma_wait3A_783 : memref<128x128xf32, #tpu.memory_space<hbm>>)
    %dma_wait3A_787 = arith.constant 3 : i32
    %dma_wait3A_788 = arith.constant 384 : i32
    %dma_wait3A_789 = arith.constant 0 : i32
    %dma_wait3A_790 = tpu.memref_slice %arg15[%dma_wait3A_788, %dma_wait3A_789] : memref<512x128xf32, #tpu.memory_space<vmem>> -> memref<128x128xf32, #tpu.memory_space<vmem>>
    %dma_wait3A_791 = arith.constant 0 : i32
    %dma_wait3A_792 = tpu.memref_slice %arg9[%add3A_473, %dma_wait3A_791] : memref<16384x128xf32, #tpu.memory_space<hbm>> -> memref<128x128xf32, #tpu.memory_space<hbm>>
    %dma_wait3A_793 = tpu.memref_slice %arg20[%dma_wait3A_787] : memref<4x!tpu.dma_semaphore, #tpu.memory_space<semaphore_mem>> -> memref<1x!tpu.dma_semaphore, #tpu.memory_space<semaphore_mem>>
    %dma_wait3A_794 = tpu.memref_squeeze %dma_wait3A_793 : memref<1x!tpu.dma_semaphore, #tpu.memory_space<semaphore_mem>> -> memref<!tpu.dma_semaphore, #tpu.memory_space<semaphore_mem>>
    %dma_wait3A_795 = arith.constant 0 : i32
    %dma_wait3A_796 = tpu.memref_slice %arg9[%add3A_473, %dma_wait3A_795] : memref<16384x128xf32, #tpu.memory_space<hbm>> -> memref<128x128xf32, #tpu.memory_space<hbm>>
    %dma_wait3A_797 = arith.constant 384 : i32
    %dma_wait3A_798 = arith.constant 0 : i32
    %dma_wait3A_799 = tpu.memref_slice %arg15[%dma_wait3A_797, %dma_wait3A_798] : memref<512x128xf32, #tpu.memory_space<vmem>> -> memref<128x128xf32, #tpu.memory_space<vmem>>
    tpu.wait_dma2 semaphore(%dma_wait3A_794 : memref<!tpu.dma_semaphore, #tpu.memory_space<semaphore_mem>>) src(%dma_wait3A_799 : memref<128x128xf32, #tpu.memory_space<vmem>>) dst(%dma_wait3A_796 : memref<128x128xf32, #tpu.memory_space<hbm>>)
    return
  }
}

module attributes {stable_mosaic.version = 14 : i64} {
  func.func @_fused_body(%arg0: i32, %arg1: i32, %arg2: memref<4096x128xf32, #tpu.memory_space<vmem>>, %arg3: memref<4096x128xf32, #tpu.memory_space<vmem>>, %arg4: memref<32x4x128xf32, #tpu.memory_space<vmem>>, %arg5: memref<128xf32, #tpu.memory_space<vmem>>, %arg6: memref<128xf32, #tpu.memory_space<vmem>>, %arg7: memref<128xf32, #tpu.memory_space<vmem>>, %arg8: memref<128xf32, #tpu.memory_space<vmem>>, %arg9: memref<512x256xf32, #tpu.memory_space<vmem>>, %arg10: memref<512xf32, #tpu.memory_space<vmem>>, %arg11: memref<1x256xf32, #tpu.memory_space<vmem>>, %arg12: memref<1xf32, #tpu.memory_space<vmem>>, %arg13: memref<1xf32, #tpu.memory_space<vmem>>, %arg14: memref<4096xf32, #tpu.memory_space<vmem>>, %arg15: memref<4096xf32, #tpu.memory_space<vmem>>, %arg16: memref<512xf32, #tpu.memory_space<vmem>>, %arg17: memref<512xf32, #tpu.memory_space<vmem>>, %arg18: memref<256x512xf32, #tpu.memory_space<vmem>>, %arg19: memref<256xf32, #tpu.memory_space<vmem>>, %arg20: memref<256xf32, #tpu.memory_space<vmem>>, %arg21: memref<256xf32, #tpu.memory_space<vmem>>, %arg22: memref<128x256xf32, #tpu.memory_space<vmem>>, %arg23: memref<128xf32, #tpu.memory_space<vmem>>, %arg24: memref<128xf32, #tpu.memory_space<vmem>>, %arg25: memref<128xf32, #tpu.memory_space<vmem>>, %arg26: memref<1x128xf32, #tpu.memory_space<vmem>>, %arg27: memref<1xf32, #tpu.memory_space<vmem>>, %arg28: memref<4096xf32, #tpu.memory_space<vmem>>, %arg29: memref<16384x512xf32, #tpu.memory_space<vmem>>, %arg30: memref<16384xf32, #tpu.memory_space<vmem>>, %arg31: memref<2x512xf32, #tpu.memory_space<vmem>>, %arg32: memref<2x256xf32, #tpu.memory_space<vmem>>, %arg33: memref<2x128xf32, #tpu.memory_space<vmem>>) attributes {dimension_semantics = [#tpu.dimension_semantics<arbitrary>, #tpu.dimension_semantics<arbitrary>], iteration_bounds = array<i64: 4, 4>, scalar_prefetch = 0 : i64, scratch_operands = 5 : i64, tpu.core_type = #tpu.core_type<tc>, window_params = [{transform_indices = @transform_0, window_bounds = array<i64: 4096, 128>}, {transform_indices = @transform_1, window_bounds = array<i64: 4096, 128>}, {pipeline_mode = #tpu.pipeline_mode<synchronous>, transform_indices = @transform_2, window_bounds = array<i64: 32, 4, 128>}, {pipeline_mode = #tpu.pipeline_mode<synchronous>, transform_indices = @transform_3, window_bounds = array<i64: 128>}, {pipeline_mode = #tpu.pipeline_mode<synchronous>, transform_indices = @transform_4, window_bounds = array<i64: 128>}, {pipeline_mode = #tpu.pipeline_mode<synchronous>, transform_indices = @transform_5, window_bounds = array<i64: 128>}, {pipeline_mode = #tpu.pipeline_mode<synchronous>, transform_indices = @transform_6, window_bounds = array<i64: 128>}, {pipeline_mode = #tpu.pipeline_mode<synchronous>, transform_indices = @transform_7, window_bounds = array<i64: 512, 256>}, {pipeline_mode = #tpu.pipeline_mode<synchronous>, transform_indices = @transform_8, window_bounds = array<i64: 512>}, {pipeline_mode = #tpu.pipeline_mode<synchronous>, transform_indices = @transform_9, window_bounds = array<i64: 1, 256>}, {pipeline_mode = #tpu.pipeline_mode<synchronous>, transform_indices = @transform_10, window_bounds = array<i64: 1>}, {pipeline_mode = #tpu.pipeline_mode<synchronous>, transform_indices = @transform_11, window_bounds = array<i64: 1>}, {transform_indices = @transform_12, window_bounds = array<i64: 4096>}, {transform_indices = @transform_13, window_bounds = array<i64: 4096>}, {pipeline_mode = #tpu.pipeline_mode<synchronous>, transform_indices = @transform_14, window_bounds = array<i64: 512>}, {pipeline_mode = #tpu.pipeline_mode<synchronous>, transform_indices = @transform_15, window_bounds = array<i64: 512>}, {pipeline_mode = #tpu.pipeline_mode<synchronous>, transform_indices = @transform_16, window_bounds = array<i64: 256, 512>}, {pipeline_mode = #tpu.pipeline_mode<synchronous>, transform_indices = @transform_17, window_bounds = array<i64: 256>}, {pipeline_mode = #tpu.pipeline_mode<synchronous>, transform_indices = @transform_18, window_bounds = array<i64: 256>}, {pipeline_mode = #tpu.pipeline_mode<synchronous>, transform_indices = @transform_19, window_bounds = array<i64: 256>}, {pipeline_mode = #tpu.pipeline_mode<synchronous>, transform_indices = @transform_20, window_bounds = array<i64: 128, 256>}, {pipeline_mode = #tpu.pipeline_mode<synchronous>, transform_indices = @transform_21, window_bounds = array<i64: 128>}, {pipeline_mode = #tpu.pipeline_mode<synchronous>, transform_indices = @transform_22, window_bounds = array<i64: 128>}, {pipeline_mode = #tpu.pipeline_mode<synchronous>, transform_indices = @transform_23, window_bounds = array<i64: 128>}, {pipeline_mode = #tpu.pipeline_mode<synchronous>, transform_indices = @transform_24, window_bounds = array<i64: 1, 128>}, {pipeline_mode = #tpu.pipeline_mode<synchronous>, transform_indices = @transform_25, window_bounds = array<i64: 1>}, {transform_indices = @transform_26, window_bounds = array<i64: 4096>}]} {
    %mul3A = arith.constant 4096 : i32
    %mul3A_0 = arith.muli %arg1, %mul3A : i32
    %broadcast_in_dim3A = arith.constant 1.000000e+00 : f32
    %broadcast_in_dim3A_1 = vector.broadcast %broadcast_in_dim3A : f32 to vector<1x4096xf32>
    %eq3A = arith.constant 0 : i32
    %eq3A_2 = arith.cmpi eq, %arg0, %eq3A : i32
    %convert_element_type3A = arith.extui %eq3A_2 : i1 to i32
    %cond3A = arith.constant 0 : i32
    %cond3A_3 = arith.cmpi ne, %convert_element_type3A, %cond3A : i32
    scf.if %cond3A_3 {
      %get3A = arith.constant 0 : index
      %get3A_19 = arith.constant 0 : index
      %get3A_20 = arith.constant 0 : index
      %get3A_21 = vector.load %arg4[%get3A, %get3A_19, %get3A_20] : memref<32x4x128xf32, #tpu.memory_space<vmem>>, vector<32x4x128xf32>
      %reduce_sum3A = arith.constant dense<0.000000e+00> : vector<4x128xf32>
      %reduce_sum3A_22 = vector.multi_reduction <add>, %get3A_21, %reduce_sum3A [0] : vector<32x4x128xf32> to vector<4x128xf32>
      %slice3A = vector.extract_strided_slice %reduce_sum3A_22 {offsets = [0, 0], sizes = [1, 128], strides = [1, 1]} : vector<4x128xf32> to vector<1x128xf32>
      %squeeze3A = vector.shape_cast %slice3A : vector<1x128xf32> to vector<128xf32>
      %slice3A_23 = vector.extract_strided_slice %reduce_sum3A_22 {offsets = [1, 0], sizes = [1, 128], strides = [1, 1]} : vector<4x128xf32> to vector<1x128xf32>
      %squeeze3A_24 = vector.shape_cast %slice3A_23 : vector<1x128xf32> to vector<128xf32>
      %get3A_25 = arith.constant 0 : index
      %get3A_26 = vector.load %arg5[%get3A_25] : memref<128xf32, #tpu.memory_space<vmem>>, vector<128xf32>
      %get3A_27 = arith.constant 0 : index
      %get3A_28 = vector.load %arg6[%get3A_27] : memref<128xf32, #tpu.memory_space<vmem>>, vector<128xf32>
      %mul3A_29 = arith.constant 6.10351563E-5 : f32
      %mul3A_30 = vector.broadcast %mul3A_29 : f32 to vector<128xf32>
      %mul3A_31 = arith.mulf %squeeze3A, %mul3A_30 : vector<128xf32>
      %mul3A_32 = arith.constant 6.10351563E-5 : f32
      %mul3A_33 = vector.broadcast %mul3A_32 : f32 to vector<128xf32>
      %mul3A_34 = arith.mulf %squeeze3A_24, %mul3A_33 : vector<128xf32>
      %mul3A_35 = arith.mulf %mul3A_31, %mul3A_31 : vector<128xf32>
      %sub3A = arith.subf %mul3A_34, %mul3A_35 : vector<128xf32>
      %add3A = arith.constant 9.99999974E-6 : f32
      %add3A_36 = vector.broadcast %add3A : f32 to vector<128xf32>
      %add3A_37 = arith.addf %sub3A, %add3A_36 : vector<128xf32>
      %rsqrt3A = math.rsqrt %add3A_37 : vector<128xf32>
      %mul3A_38 = arith.mulf %get3A_26, %rsqrt3A : vector<128xf32>
      %mul3A_39 = arith.mulf %mul3A_31, %mul3A_38 : vector<128xf32>
      %sub3A_40 = arith.subf %get3A_28, %mul3A_39 : vector<128xf32>
      %slice3A_41 = vector.extract_strided_slice %reduce_sum3A_22 {offsets = [2, 0], sizes = [1, 128], strides = [1, 1]} : vector<4x128xf32> to vector<1x128xf32>
      %squeeze3A_42 = vector.shape_cast %slice3A_41 : vector<1x128xf32> to vector<128xf32>
      %slice3A_43 = vector.extract_strided_slice %reduce_sum3A_22 {offsets = [3, 0], sizes = [1, 128], strides = [1, 1]} : vector<4x128xf32> to vector<1x128xf32>
      %squeeze3A_44 = vector.shape_cast %slice3A_43 : vector<1x128xf32> to vector<128xf32>
      %get3A_45 = arith.constant 0 : index
      %get3A_46 = vector.load %arg7[%get3A_45] : memref<128xf32, #tpu.memory_space<vmem>>, vector<128xf32>
      %get3A_47 = arith.constant 0 : index
      %get3A_48 = vector.load %arg8[%get3A_47] : memref<128xf32, #tpu.memory_space<vmem>>, vector<128xf32>
      %mul3A_49 = arith.constant 6.10351563E-5 : f32
      %mul3A_50 = vector.broadcast %mul3A_49 : f32 to vector<128xf32>
      %mul3A_51 = arith.mulf %squeeze3A_42, %mul3A_50 : vector<128xf32>
      %mul3A_52 = arith.constant 6.10351563E-5 : f32
      %mul3A_53 = vector.broadcast %mul3A_52 : f32 to vector<128xf32>
      %mul3A_54 = arith.mulf %squeeze3A_44, %mul3A_53 : vector<128xf32>
      %mul3A_55 = arith.mulf %mul3A_51, %mul3A_51 : vector<128xf32>
      %sub3A_56 = arith.subf %mul3A_54, %mul3A_55 : vector<128xf32>
      %add3A_57 = arith.constant 9.99999974E-6 : f32
      %add3A_58 = vector.broadcast %add3A_57 : f32 to vector<128xf32>
      %add3A_59 = arith.addf %sub3A_56, %add3A_58 : vector<128xf32>
      %rsqrt3A_60 = math.rsqrt %add3A_59 : vector<128xf32>
      %mul3A_61 = arith.mulf %get3A_46, %rsqrt3A_60 : vector<128xf32>
      %mul3A_62 = arith.mulf %mul3A_51, %mul3A_61 : vector<128xf32>
      %sub3A_63 = arith.subf %get3A_48, %mul3A_62 : vector<128xf32>
      %get3A_64 = arith.constant 0 : index
      %get3A_65 = arith.constant 0 : index
      %get3A_66 = vector.load %arg2[%get3A_64, %get3A_65] : memref<4096x128xf32, #tpu.memory_space<vmem>>, vector<4096x128xf32>
      %broadcast_in_dim3A_67 = vector.shape_cast %mul3A_38 : vector<128xf32> to vector<1x128xf32>
      %mul3A_68 = vector.broadcast %broadcast_in_dim3A_67 : vector<1x128xf32> to vector<4096x128xf32>
      %mul3A_69 = arith.mulf %get3A_66, %mul3A_68 : vector<4096x128xf32>
      %broadcast_in_dim3A_70 = vector.shape_cast %sub3A_40 : vector<128xf32> to vector<1x128xf32>
      %add3A_71 = vector.broadcast %broadcast_in_dim3A_70 : vector<1x128xf32> to vector<4096x128xf32>
      %add3A_72 = arith.addf %mul3A_69, %add3A_71 : vector<4096x128xf32>
      %get3A_73 = arith.constant 0 : index
      %get3A_74 = arith.constant 0 : index
      %get3A_75 = vector.load %arg3[%get3A_73, %get3A_74] : memref<4096x128xf32, #tpu.memory_space<vmem>>, vector<4096x128xf32>
      %broadcast_in_dim3A_76 = vector.shape_cast %mul3A_61 : vector<128xf32> to vector<1x128xf32>
      %mul3A_77 = vector.broadcast %broadcast_in_dim3A_76 : vector<1x128xf32> to vector<4096x128xf32>
      %mul3A_78 = arith.mulf %get3A_75, %mul3A_77 : vector<4096x128xf32>
      %broadcast_in_dim3A_79 = vector.shape_cast %sub3A_63 : vector<128xf32> to vector<1x128xf32>
      %add3A_80 = vector.broadcast %broadcast_in_dim3A_79 : vector<1x128xf32> to vector<4096x128xf32>
      %add3A_81 = arith.addf %mul3A_78, %add3A_80 : vector<4096x128xf32>
      %concatenate3A = tpu.concatenate %add3A_72, %add3A_81 in 1 : vector<4096x128xf32>, vector<4096x128xf32> -> vector<4096x256xf32>
      %get3A_82 = arith.constant 0 : index
      %get3A_83 = arith.constant 0 : index
      %get3A_84 = vector.load %arg9[%get3A_82, %get3A_83] : memref<512x256xf32, #tpu.memory_space<vmem>>, vector<512x256xf32>
      %dot_general3A = arith.constant dense<0.000000e+00> : vector<4096x512xf32>
      %dot_general3A_85 = tpu.matmul %concatenate3A, %get3A_84, %dot_general3A {dimension_numbers = #tpu.dot_dimension_numbers<[1], [1], [0], [0], [0, 0, 1, 0], [], []>, transpose_lhs_hint = false} : vector<4096x256xf32>, vector<512x256xf32>, vector<4096x512xf32> -> vector<4096x512xf32>
      %get3A_86 = arith.constant 0 : index
      %get3A_87 = vector.load %arg10[%get3A_86] : memref<512xf32, #tpu.memory_space<vmem>>, vector<512xf32>
      %broadcast_in_dim3A_88 = vector.shape_cast %get3A_87 : vector<512xf32> to vector<1x512xf32>
      %add3A_89 = vector.broadcast %broadcast_in_dim3A_88 : vector<1x512xf32> to vector<4096x512xf32>
      %add3A_90 = arith.addf %dot_general3A_85, %add3A_89 : vector<4096x512xf32>
      %swap3A = arith.index_cast %mul3A_0 : i32 to index
      %swap3A_91 = arith.constant 0 : index
      %swap3A_92 = vector.load %arg29[%swap3A, %swap3A_91] : memref<16384x512xf32, #tpu.memory_space<vmem>>, vector<4096x512xf32>
      tpu.vector_store %arg29[%swap3A, %swap3A_91], %add3A_90 {strides = array<i32>} : memref<16384x512xf32, #tpu.memory_space<vmem>>, vector<4096x512xf32>,
      %get3A_93 = arith.constant 0 : index
      %get3A_94 = arith.constant 0 : index
      %get3A_95 = vector.load %arg11[%get3A_93, %get3A_94] : memref<1x256xf32, #tpu.memory_space<vmem>>, vector<1x256xf32>
      %mul3A_96 = vector.broadcast %get3A_95 : vector<1x256xf32> to vector<4096x256xf32>
      %mul3A_97 = arith.mulf %concatenate3A, %mul3A_96 : vector<4096x256xf32>
      %reduce_sum3A_98 = arith.constant dense<0.000000e+00> : vector<4096xf32>
      %reduce_sum3A_99 = vector.multi_reduction <add>, %mul3A_97, %reduce_sum3A_98 [1] : vector<4096x256xf32> to vector<4096xf32>
      %get3A_100 = arith.constant 0 : index
      %get3A_101 = vector.load %arg12[%get3A_100] : memref<1xf32, #tpu.memory_space<vmem>>, vector<1xf32>
      %get3A_102 = vector.extract %get3A_101[0] : f32 from vector<1xf32>
      %add3A_103 = vector.broadcast %get3A_102 : f32 to vector<4096xf32>
      %add3A_104 = arith.addf %reduce_sum3A_99, %add3A_103 : vector<4096xf32>
      %get3A_105 = arith.constant 0 : index
      %get3A_106 = vector.load %arg13[%get3A_105] : memref<1xf32, #tpu.memory_space<vmem>>, vector<1xf32>
      %get3A_107 = vector.extract %get3A_106[0] : f32 from vector<1xf32>
      %add3A_108 = vector.broadcast %get3A_107 : f32 to vector<4096xf32>
      %add3A_109 = arith.addf %add3A_104, %add3A_108 : vector<4096xf32>
      %get3A_110 = arith.constant 0 : index
      %get3A_111 = vector.load %arg14[%get3A_110] : memref<4096xf32, #tpu.memory_space<vmem>>, vector<4096xf32>
      %add3A_112 = arith.addf %add3A_109, %get3A_111 : vector<4096xf32>
      %get3A_113 = arith.constant 0 : index
      %get3A_114 = vector.load %arg15[%get3A_113] : memref<4096xf32, #tpu.memory_space<vmem>>, vector<4096xf32>
      %add3A_115 = arith.addf %add3A_112, %get3A_114 : vector<4096xf32>
      %swap3A_116 = arith.index_cast %mul3A_0 : i32 to index
      %swap3A_117 = vector.load %arg30[%swap3A_116] : memref<16384xf32, #tpu.memory_space<vmem>>, vector<4096xf32>
      tpu.vector_store %arg30[%swap3A_116], %add3A_115 {strides = array<i32>} : memref<16384xf32, #tpu.memory_space<vmem>>, vector<4096xf32>,
      %mul3A_118 = arith.mulf %add3A_90, %add3A_90 : vector<4096x512xf32>
      %dot_general3A_119 = arith.constant dense<0.000000e+00> : vector<1x512xf32>
      %dot_general3A_120 = tpu.matmul %broadcast_in_dim3A_1, %mul3A_118, %dot_general3A_119 {dimension_numbers = #tpu.dot_dimension_numbers<[1], [0], [0], [1], [0, 0, 1, 1], [], []>, transpose_lhs_hint = false} : vector<1x4096xf32>, vector<4096x512xf32>, vector<1x512xf32> -> vector<1x512xf32>
      %eq3A_121 = arith.constant 0 : i32
      %eq3A_122 = arith.cmpi eq, %arg1, %eq3A_121 : i32
      %convert_element_type3A_123 = arith.extui %eq3A_122 : i1 to i32
      %cond3A_124 = arith.constant 0 : i32
      %cond3A_125 = arith.cmpi ne, %convert_element_type3A_123, %cond3A_124 : i32
      scf.if %cond3A_125 {
        %slice3A_130 = vector.extract_strided_slice %reduce_sum3A_22 {offsets = [0, 0], sizes = [1, 128], strides = [1, 1]} : vector<4x128xf32> to vector<1x128xf32>
        %squeeze3A_131 = vector.shape_cast %slice3A_130 : vector<1x128xf32> to vector<128xf32>
        %mul3A_132 = arith.mulf %mul3A_38, %squeeze3A_131 : vector<128xf32>
        %mul3A_133 = arith.constant 1.638400e+04 : f32
        %mul3A_134 = vector.broadcast %mul3A_133 : f32 to vector<128xf32>
        %mul3A_135 = arith.mulf %mul3A_134, %sub3A_40 : vector<128xf32>
        %add3A_136 = arith.addf %mul3A_132, %mul3A_135 : vector<128xf32>
        %slice3A_137 = vector.extract_strided_slice %reduce_sum3A_22 {offsets = [2, 0], sizes = [1, 128], strides = [1, 1]} : vector<4x128xf32> to vector<1x128xf32>
        %squeeze3A_138 = vector.shape_cast %slice3A_137 : vector<1x128xf32> to vector<128xf32>
        %mul3A_139 = arith.mulf %mul3A_61, %squeeze3A_138 : vector<128xf32>
        %mul3A_140 = arith.constant 1.638400e+04 : f32
        %mul3A_141 = vector.broadcast %mul3A_140 : f32 to vector<128xf32>
        %mul3A_142 = arith.mulf %mul3A_141, %sub3A_63 : vector<128xf32>
        %add3A_143 = arith.addf %mul3A_139, %mul3A_142 : vector<128xf32>
        %concatenate3A_144 = tpu.concatenate %add3A_136, %add3A_143 in 0 : vector<128xf32>, vector<128xf32> -> vector<256xf32>
        %broadcast_in_dim3A_145 = vector.shape_cast %concatenate3A_144 : vector<256xf32> to vector<1x256xf32>
        %get3A_146 = arith.constant 0 : index
        %get3A_147 = arith.constant 0 : index
        %get3A_148 = vector.load %arg9[%get3A_146, %get3A_147] : memref<512x256xf32, #tpu.memory_space<vmem>>, vector<512x256xf32>
        %dot_general3A_149 = arith.constant dense<0.000000e+00> : vector<1x512xf32>
        %dot_general3A_150 = tpu.matmul %broadcast_in_dim3A_145, %get3A_148, %dot_general3A_149 {dimension_numbers = #tpu.dot_dimension_numbers<[1], [1], [0], [0], [0, 0, 1, 0], [], []>, transpose_lhs_hint = false} : vector<1x256xf32>, vector<512x256xf32>, vector<1x512xf32> -> vector<1x512xf32>
        %squeeze3A_151 = vector.shape_cast %dot_general3A_150 : vector<1x512xf32> to vector<512xf32>
        %get3A_152 = arith.constant 0 : index
        %get3A_153 = vector.load %arg10[%get3A_152] : memref<512xf32, #tpu.memory_space<vmem>>, vector<512xf32>
        %mul3A_154 = arith.constant 1.638400e+04 : f32
        %mul3A_155 = vector.broadcast %mul3A_154 : f32 to vector<512xf32>
        %mul3A_156 = arith.mulf %mul3A_155, %get3A_153 : vector<512xf32>
        %add3A_157 = arith.addf %squeeze3A_151, %mul3A_156 : vector<512xf32>
        %swap3A_158 = arith.constant 0 : index
        %swap3A_159 = arith.constant 0 : index
        %swap3A_160 = vector.load %arg31[%swap3A_158, %swap3A_159] : memref<2x512xf32, #tpu.memory_space<vmem>>, vector<1x512xf32>
        %swap3A_161 = vector.shape_cast %swap3A_160 : vector<1x512xf32> to vector<512xf32>
        %swap3A_162 = vector.shape_cast %add3A_157 : vector<512xf32> to vector<1x512xf32>
        tpu.vector_store %arg31[%swap3A_158, %swap3A_159], %swap3A_162 {strides = array<i32>} : memref<2x512xf32, #tpu.memory_space<vmem>>, vector<1x512xf32>,
        %squeeze3A_163 = vector.shape_cast %dot_general3A_120 : vector<1x512xf32> to vector<512xf32>
        %swap3A_164 = arith.constant 1 : index
        %swap3A_165 = arith.constant 0 : index
        %swap3A_166 = vector.load %arg31[%swap3A_164, %swap3A_165] : memref<2x512xf32, #tpu.memory_space<vmem>>, vector<1x512xf32>
        %swap3A_167 = vector.shape_cast %swap3A_166 : vector<1x512xf32> to vector<512xf32>
        %swap3A_168 = vector.shape_cast %squeeze3A_163 : vector<512xf32> to vector<1x512xf32>
        tpu.vector_store %arg31[%swap3A_164, %swap3A_165], %swap3A_168 {strides = array<i32>} : memref<2x512xf32, #tpu.memory_space<vmem>>, vector<1x512xf32>,
      } else {
      }
      %gt3A = arith.constant 0 : i32
      %gt3A_126 = arith.cmpi sgt, %arg1, %gt3A : i32
      %convert_element_type3A_127 = arith.extui %gt3A_126 : i1 to i32
      %cond3A_128 = arith.constant 0 : i32
      %cond3A_129 = arith.cmpi ne, %convert_element_type3A_127, %cond3A_128 : i32
      scf.if %cond3A_129 {
        %get3A_130 = arith.constant 1 : index
        %get3A_131 = arith.constant 0 : index
        %get3A_132 = vector.load %arg31[%get3A_130, %get3A_131] : memref<2x512xf32, #tpu.memory_space<vmem>>, vector<1x512xf32>
        %get3A_133 = vector.shape_cast %get3A_132 : vector<1x512xf32> to vector<512xf32>
        %squeeze3A_134 = vector.shape_cast %dot_general3A_120 : vector<1x512xf32> to vector<512xf32>
        %add3A_135 = arith.addf %get3A_133, %squeeze3A_134 : vector<512xf32>
        %swap3A_136 = arith.constant 1 : index
        %swap3A_137 = arith.constant 0 : index
        %swap3A_138 = vector.load %arg31[%swap3A_136, %swap3A_137] : memref<2x512xf32, #tpu.memory_space<vmem>>, vector<1x512xf32>
        %swap3A_139 = vector.shape_cast %swap3A_138 : vector<1x512xf32> to vector<512xf32>
        %swap3A_140 = vector.shape_cast %add3A_135 : vector<512xf32> to vector<1x512xf32>
        tpu.vector_store %arg31[%swap3A_136, %swap3A_137], %swap3A_140 {strides = array<i32>} : memref<2x512xf32, #tpu.memory_space<vmem>>, vector<1x512xf32>,
      } else {
      }
    } else {
    }
    %eq3A_4 = arith.constant 1 : i32
    %eq3A_5 = arith.cmpi eq, %arg0, %eq3A_4 : i32
    %convert_element_type3A_6 = arith.extui %eq3A_5 : i1 to i32
    %cond3A_7 = arith.constant 0 : i32
    %cond3A_8 = arith.cmpi ne, %convert_element_type3A_6, %cond3A_7 : i32
    scf.if %cond3A_8 {
      %get3A = arith.constant 0 : index
      %get3A_19 = arith.constant 0 : index
      %get3A_20 = vector.load %arg31[%get3A, %get3A_19] : memref<2x512xf32, #tpu.memory_space<vmem>>, vector<2x512xf32>
      %slice3A = vector.extract_strided_slice %get3A_20 {offsets = [0, 0], sizes = [1, 512], strides = [1, 1]} : vector<2x512xf32> to vector<1x512xf32>
      %squeeze3A = vector.shape_cast %slice3A : vector<1x512xf32> to vector<512xf32>
      %slice3A_21 = vector.extract_strided_slice %get3A_20 {offsets = [1, 0], sizes = [1, 512], strides = [1, 1]} : vector<2x512xf32> to vector<1x512xf32>
      %squeeze3A_22 = vector.shape_cast %slice3A_21 : vector<1x512xf32> to vector<512xf32>
      %get3A_23 = arith.constant 0 : index
      %get3A_24 = vector.load %arg16[%get3A_23] : memref<512xf32, #tpu.memory_space<vmem>>, vector<512xf32>
      %get3A_25 = arith.constant 0 : index
      %get3A_26 = vector.load %arg17[%get3A_25] : memref<512xf32, #tpu.memory_space<vmem>>, vector<512xf32>
      %mul3A_27 = arith.constant 6.10351563E-5 : f32
      %mul3A_28 = vector.broadcast %mul3A_27 : f32 to vector<512xf32>
      %mul3A_29 = arith.mulf %squeeze3A, %mul3A_28 : vector<512xf32>
      %mul3A_30 = arith.constant 6.10351563E-5 : f32
      %mul3A_31 = vector.broadcast %mul3A_30 : f32 to vector<512xf32>
      %mul3A_32 = arith.mulf %squeeze3A_22, %mul3A_31 : vector<512xf32>
      %mul3A_33 = arith.mulf %mul3A_29, %mul3A_29 : vector<512xf32>
      %sub3A = arith.subf %mul3A_32, %mul3A_33 : vector<512xf32>
      %add3A = arith.constant 9.99999974E-6 : f32
      %add3A_34 = vector.broadcast %add3A : f32 to vector<512xf32>
      %add3A_35 = arith.addf %sub3A, %add3A_34 : vector<512xf32>
      %rsqrt3A = math.rsqrt %add3A_35 : vector<512xf32>
      %mul3A_36 = arith.mulf %get3A_24, %rsqrt3A : vector<512xf32>
      %mul3A_37 = arith.mulf %mul3A_29, %mul3A_36 : vector<512xf32>
      %sub3A_38 = arith.subf %get3A_26, %mul3A_37 : vector<512xf32>
      %get3A_39 = arith.index_cast %mul3A_0 : i32 to index
      %get3A_40 = arith.constant 0 : index
      %get3A_41 = vector.load %arg29[%get3A_39, %get3A_40] : memref<16384x512xf32, #tpu.memory_space<vmem>>, vector<4096x512xf32>
      %broadcast_in_dim3A_42 = vector.shape_cast %mul3A_36 : vector<512xf32> to vector<1x512xf32>
      %mul3A_43 = vector.broadcast %broadcast_in_dim3A_42 : vector<1x512xf32> to vector<4096x512xf32>
      %mul3A_44 = arith.mulf %get3A_41, %mul3A_43 : vector<4096x512xf32>
      %broadcast_in_dim3A_45 = vector.shape_cast %sub3A_38 : vector<512xf32> to vector<1x512xf32>
      %add3A_46 = vector.broadcast %broadcast_in_dim3A_45 : vector<1x512xf32> to vector<4096x512xf32>
      %add3A_47 = arith.addf %mul3A_44, %add3A_46 : vector<4096x512xf32>
      %max3A = arith.constant 0.000000e+00 : f32
      %max3A_48 = vector.broadcast %max3A : f32 to vector<4096x512xf32>
      %max3A_49 = arith.maximumf %add3A_47, %max3A_48 : vector<4096x512xf32>
      %get3A_50 = arith.constant 0 : index
      %get3A_51 = arith.constant 0 : index
      %get3A_52 = vector.load %arg18[%get3A_50, %get3A_51] : memref<256x512xf32, #tpu.memory_space<vmem>>, vector<256x512xf32>
      %dot_general3A = arith.constant dense<0.000000e+00> : vector<4096x256xf32>
      %dot_general3A_53 = tpu.matmul %max3A_49, %get3A_52, %dot_general3A {dimension_numbers = #tpu.dot_dimension_numbers<[1], [1], [0], [0], [0, 0, 1, 0], [], []>, transpose_lhs_hint = false} : vector<4096x512xf32>, vector<256x512xf32>, vector<4096x256xf32> -> vector<4096x256xf32>
      %get3A_54 = arith.constant 0 : index
      %get3A_55 = vector.load %arg19[%get3A_54] : memref<256xf32, #tpu.memory_space<vmem>>, vector<256xf32>
      %broadcast_in_dim3A_56 = vector.shape_cast %get3A_55 : vector<256xf32> to vector<1x256xf32>
      %add3A_57 = vector.broadcast %broadcast_in_dim3A_56 : vector<1x256xf32> to vector<4096x256xf32>
      %add3A_58 = arith.addf %dot_general3A_53, %add3A_57 : vector<4096x256xf32>
      %swap3A = arith.index_cast %mul3A_0 : i32 to index
      %swap3A_59 = arith.constant 0 : index
      %swap3A_60 = vector.load %arg29[%swap3A, %swap3A_59] : memref<16384x512xf32, #tpu.memory_space<vmem>>, vector<4096x256xf32>
      tpu.vector_store %arg29[%swap3A, %swap3A_59], %add3A_58 {strides = array<i32>} : memref<16384x512xf32, #tpu.memory_space<vmem>>, vector<4096x256xf32>,
      %get3A_61 = arith.index_cast %mul3A_0 : i32 to index
      %get3A_62 = arith.constant 0 : index
      %get3A_63 = vector.load %arg29[%get3A_61, %get3A_62] : memref<16384x512xf32, #tpu.memory_space<vmem>>, vector<4096x256xf32>
      %dot_general3A_64 = arith.constant dense<0.000000e+00> : vector<1x256xf32>
      %dot_general3A_65 = tpu.matmul %broadcast_in_dim3A_1, %get3A_63, %dot_general3A_64 {dimension_numbers = #tpu.dot_dimension_numbers<[1], [0], [0], [1], [0, 0, 1, 1], [], []>, transpose_lhs_hint = false} : vector<1x4096xf32>, vector<4096x256xf32>, vector<1x256xf32> -> vector<1x256xf32>
      %mul3A_66 = arith.mulf %get3A_63, %get3A_63 : vector<4096x256xf32>
      %dot_general3A_67 = arith.constant dense<0.000000e+00> : vector<1x256xf32>
      %dot_general3A_68 = tpu.matmul %broadcast_in_dim3A_1, %mul3A_66, %dot_general3A_67 {dimension_numbers = #tpu.dot_dimension_numbers<[1], [0], [0], [1], [0, 0, 1, 1], [], []>, transpose_lhs_hint = false} : vector<1x4096xf32>, vector<4096x256xf32>, vector<1x256xf32> -> vector<1x256xf32>
      %concatenate3A = tpu.concatenate %dot_general3A_65, %dot_general3A_68 in 0 : vector<1x256xf32>, vector<1x256xf32> -> vector<2x256xf32>
      %eq3A_69 = arith.constant 0 : i32
      %eq3A_70 = arith.cmpi eq, %arg1, %eq3A_69 : i32
      %convert_element_type3A_71 = arith.extui %eq3A_70 : i1 to i32
      %cond3A_72 = arith.constant 0 : i32
      %cond3A_73 = arith.cmpi ne, %convert_element_type3A_71, %cond3A_72 : i32
      scf.if %cond3A_73 {
        %swap3A_78 = arith.constant 0 : index
        %swap3A_79 = arith.constant 0 : index
        %swap3A_80 = vector.load %arg32[%swap3A_78, %swap3A_79] : memref<2x256xf32, #tpu.memory_space<vmem>>, vector<2x256xf32>
        tpu.vector_store %arg32[%swap3A_78, %swap3A_79], %concatenate3A {strides = array<i32>} : memref<2x256xf32, #tpu.memory_space<vmem>>, vector<2x256xf32>,
      } else {
      }
      %gt3A = arith.constant 0 : i32
      %gt3A_74 = arith.cmpi sgt, %arg1, %gt3A : i32
      %convert_element_type3A_75 = arith.extui %gt3A_74 : i1 to i32
      %cond3A_76 = arith.constant 0 : i32
      %cond3A_77 = arith.cmpi ne, %convert_element_type3A_75, %cond3A_76 : i32
      scf.if %cond3A_77 {
        %get3A_78 = arith.constant 0 : index
        %get3A_79 = arith.constant 0 : index
        %get3A_80 = vector.load %arg32[%get3A_78, %get3A_79] : memref<2x256xf32, #tpu.memory_space<vmem>>, vector<2x256xf32>
        %add3A_81 = arith.addf %get3A_80, %concatenate3A : vector<2x256xf32>
        %swap3A_82 = arith.constant 0 : index
        %swap3A_83 = arith.constant 0 : index
        %swap3A_84 = vector.load %arg32[%swap3A_82, %swap3A_83] : memref<2x256xf32, #tpu.memory_space<vmem>>, vector<2x256xf32>
        tpu.vector_store %arg32[%swap3A_82, %swap3A_83], %add3A_81 {strides = array<i32>} : memref<2x256xf32, #tpu.memory_space<vmem>>, vector<2x256xf32>,
      } else {
      }
    } else {
    }
    %eq3A_9 = arith.constant 2 : i32
    %eq3A_10 = arith.cmpi eq, %arg0, %eq3A_9 : i32
    %convert_element_type3A_11 = arith.extui %eq3A_10 : i1 to i32
    %cond3A_12 = arith.constant 0 : i32
    %cond3A_13 = arith.cmpi ne, %convert_element_type3A_11, %cond3A_12 : i32
    scf.if %cond3A_13 {
      %get3A = arith.constant 0 : index
      %get3A_19 = arith.constant 0 : index
      %get3A_20 = vector.load %arg32[%get3A, %get3A_19] : memref<2x256xf32, #tpu.memory_space<vmem>>, vector<2x256xf32>
      %slice3A = vector.extract_strided_slice %get3A_20 {offsets = [0, 0], sizes = [1, 256], strides = [1, 1]} : vector<2x256xf32> to vector<1x256xf32>
      %squeeze3A = vector.shape_cast %slice3A : vector<1x256xf32> to vector<256xf32>
      %slice3A_21 = vector.extract_strided_slice %get3A_20 {offsets = [1, 0], sizes = [1, 256], strides = [1, 1]} : vector<2x256xf32> to vector<1x256xf32>
      %squeeze3A_22 = vector.shape_cast %slice3A_21 : vector<1x256xf32> to vector<256xf32>
      %get3A_23 = arith.constant 0 : index
      %get3A_24 = vector.load %arg20[%get3A_23] : memref<256xf32, #tpu.memory_space<vmem>>, vector<256xf32>
      %get3A_25 = arith.constant 0 : index
      %get3A_26 = vector.load %arg21[%get3A_25] : memref<256xf32, #tpu.memory_space<vmem>>, vector<256xf32>
      %mul3A_27 = arith.constant 6.10351563E-5 : f32
      %mul3A_28 = vector.broadcast %mul3A_27 : f32 to vector<256xf32>
      %mul3A_29 = arith.mulf %squeeze3A, %mul3A_28 : vector<256xf32>
      %mul3A_30 = arith.constant 6.10351563E-5 : f32
      %mul3A_31 = vector.broadcast %mul3A_30 : f32 to vector<256xf32>
      %mul3A_32 = arith.mulf %squeeze3A_22, %mul3A_31 : vector<256xf32>
      %mul3A_33 = arith.mulf %mul3A_29, %mul3A_29 : vector<256xf32>
      %sub3A = arith.subf %mul3A_32, %mul3A_33 : vector<256xf32>
      %add3A = arith.constant 9.99999974E-6 : f32
      %add3A_34 = vector.broadcast %add3A : f32 to vector<256xf32>
      %add3A_35 = arith.addf %sub3A, %add3A_34 : vector<256xf32>
      %rsqrt3A = math.rsqrt %add3A_35 : vector<256xf32>
      %mul3A_36 = arith.mulf %get3A_24, %rsqrt3A : vector<256xf32>
      %mul3A_37 = arith.mulf %mul3A_29, %mul3A_36 : vector<256xf32>
      %sub3A_38 = arith.subf %get3A_26, %mul3A_37 : vector<256xf32>
      %get3A_39 = arith.index_cast %mul3A_0 : i32 to index
      %get3A_40 = arith.constant 0 : index
      %get3A_41 = vector.load %arg29[%get3A_39, %get3A_40] : memref<16384x512xf32, #tpu.memory_space<vmem>>, vector<4096x256xf32>
      %broadcast_in_dim3A_42 = vector.shape_cast %mul3A_36 : vector<256xf32> to vector<1x256xf32>
      %mul3A_43 = vector.broadcast %broadcast_in_dim3A_42 : vector<1x256xf32> to vector<4096x256xf32>
      %mul3A_44 = arith.mulf %get3A_41, %mul3A_43 : vector<4096x256xf32>
      %broadcast_in_dim3A_45 = vector.shape_cast %sub3A_38 : vector<256xf32> to vector<1x256xf32>
      %add3A_46 = vector.broadcast %broadcast_in_dim3A_45 : vector<1x256xf32> to vector<4096x256xf32>
      %add3A_47 = arith.addf %mul3A_44, %add3A_46 : vector<4096x256xf32>
      %max3A = arith.constant 0.000000e+00 : f32
      %max3A_48 = vector.broadcast %max3A : f32 to vector<4096x256xf32>
      %max3A_49 = arith.maximumf %add3A_47, %max3A_48 : vector<4096x256xf32>
      %get3A_50 = arith.constant 0 : index
      %get3A_51 = arith.constant 0 : index
      %get3A_52 = vector.load %arg22[%get3A_50, %get3A_51] : memref<128x256xf32, #tpu.memory_space<vmem>>, vector<128x256xf32>
      %dot_general3A = arith.constant dense<0.000000e+00> : vector<4096x128xf32>
      %dot_general3A_53 = tpu.matmul %max3A_49, %get3A_52, %dot_general3A {dimension_numbers = #tpu.dot_dimension_numbers<[1], [1], [0], [0], [0, 0, 1, 0], [], []>, transpose_lhs_hint = false} : vector<4096x256xf32>, vector<128x256xf32>, vector<4096x128xf32> -> vector<4096x128xf32>
      %get3A_54 = arith.constant 0 : index
      %get3A_55 = vector.load %arg23[%get3A_54] : memref<128xf32, #tpu.memory_space<vmem>>, vector<128xf32>
      %broadcast_in_dim3A_56 = vector.shape_cast %get3A_55 : vector<128xf32> to vector<1x128xf32>
      %add3A_57 = vector.broadcast %broadcast_in_dim3A_56 : vector<1x128xf32> to vector<4096x128xf32>
      %add3A_58 = arith.addf %dot_general3A_53, %add3A_57 : vector<4096x128xf32>
      %swap3A = arith.index_cast %mul3A_0 : i32 to index
      %swap3A_59 = arith.constant 0 : index
      %swap3A_60 = vector.load %arg29[%swap3A, %swap3A_59] : memref<16384x512xf32, #tpu.memory_space<vmem>>, vector<4096x128xf32>
      tpu.vector_store %arg29[%swap3A, %swap3A_59], %add3A_58 {strides = array<i32>} : memref<16384x512xf32, #tpu.memory_space<vmem>>, vector<4096x128xf32>,
      %get3A_61 = arith.index_cast %mul3A_0 : i32 to index
      %get3A_62 = arith.constant 0 : index
      %get3A_63 = vector.load %arg29[%get3A_61, %get3A_62] : memref<16384x512xf32, #tpu.memory_space<vmem>>, vector<4096x128xf32>
      %dot_general3A_64 = arith.constant dense<0.000000e+00> : vector<1x128xf32>
      %dot_general3A_65 = tpu.matmul %broadcast_in_dim3A_1, %get3A_63, %dot_general3A_64 {dimension_numbers = #tpu.dot_dimension_numbers<[1], [0], [0], [1], [0, 0, 1, 1], [], []>, transpose_lhs_hint = false} : vector<1x4096xf32>, vector<4096x128xf32>, vector<1x128xf32> -> vector<1x128xf32>
      %mul3A_66 = arith.mulf %get3A_63, %get3A_63 : vector<4096x128xf32>
      %dot_general3A_67 = arith.constant dense<0.000000e+00> : vector<1x128xf32>
      %dot_general3A_68 = tpu.matmul %broadcast_in_dim3A_1, %mul3A_66, %dot_general3A_67 {dimension_numbers = #tpu.dot_dimension_numbers<[1], [0], [0], [1], [0, 0, 1, 1], [], []>, transpose_lhs_hint = false} : vector<1x4096xf32>, vector<4096x128xf32>, vector<1x128xf32> -> vector<1x128xf32>
      %concatenate3A = tpu.concatenate %dot_general3A_65, %dot_general3A_68 in 0 : vector<1x128xf32>, vector<1x128xf32> -> vector<2x128xf32>
      %eq3A_69 = arith.constant 0 : i32
      %eq3A_70 = arith.cmpi eq, %arg1, %eq3A_69 : i32
      %convert_element_type3A_71 = arith.extui %eq3A_70 : i1 to i32
      %cond3A_72 = arith.constant 0 : i32
      %cond3A_73 = arith.cmpi ne, %convert_element_type3A_71, %cond3A_72 : i32
      scf.if %cond3A_73 {
        %swap3A_78 = arith.constant 0 : index
        %swap3A_79 = arith.constant 0 : index
        %swap3A_80 = vector.load %arg33[%swap3A_78, %swap3A_79] : memref<2x128xf32, #tpu.memory_space<vmem>>, vector<2x128xf32>
        tpu.vector_store %arg33[%swap3A_78, %swap3A_79], %concatenate3A {strides = array<i32>} : memref<2x128xf32, #tpu.memory_space<vmem>>, vector<2x128xf32>,
      } else {
      }
      %gt3A = arith.constant 0 : i32
      %gt3A_74 = arith.cmpi sgt, %arg1, %gt3A : i32
      %convert_element_type3A_75 = arith.extui %gt3A_74 : i1 to i32
      %cond3A_76 = arith.constant 0 : i32
      %cond3A_77 = arith.cmpi ne, %convert_element_type3A_75, %cond3A_76 : i32
      scf.if %cond3A_77 {
        %get3A_78 = arith.constant 0 : index
        %get3A_79 = arith.constant 0 : index
        %get3A_80 = vector.load %arg33[%get3A_78, %get3A_79] : memref<2x128xf32, #tpu.memory_space<vmem>>, vector<2x128xf32>
        %add3A_81 = arith.addf %get3A_80, %concatenate3A : vector<2x128xf32>
        %swap3A_82 = arith.constant 0 : index
        %swap3A_83 = arith.constant 0 : index
        %swap3A_84 = vector.load %arg33[%swap3A_82, %swap3A_83] : memref<2x128xf32, #tpu.memory_space<vmem>>, vector<2x128xf32>
        tpu.vector_store %arg33[%swap3A_82, %swap3A_83], %add3A_81 {strides = array<i32>} : memref<2x128xf32, #tpu.memory_space<vmem>>, vector<2x128xf32>,
      } else {
      }
    } else {
    }
    %eq3A_14 = arith.constant 3 : i32
    %eq3A_15 = arith.cmpi eq, %arg0, %eq3A_14 : i32
    %convert_element_type3A_16 = arith.extui %eq3A_15 : i1 to i32
    %cond3A_17 = arith.constant 0 : i32
    %cond3A_18 = arith.cmpi ne, %convert_element_type3A_16, %cond3A_17 : i32
    scf.if %cond3A_18 {
      %get3A = arith.constant 0 : index
      %get3A_19 = arith.constant 0 : index
      %get3A_20 = vector.load %arg33[%get3A, %get3A_19] : memref<2x128xf32, #tpu.memory_space<vmem>>, vector<2x128xf32>
      %slice3A = vector.extract_strided_slice %get3A_20 {offsets = [0, 0], sizes = [1, 128], strides = [1, 1]} : vector<2x128xf32> to vector<1x128xf32>
      %squeeze3A = vector.shape_cast %slice3A : vector<1x128xf32> to vector<128xf32>
      %slice3A_21 = vector.extract_strided_slice %get3A_20 {offsets = [1, 0], sizes = [1, 128], strides = [1, 1]} : vector<2x128xf32> to vector<1x128xf32>
      %squeeze3A_22 = vector.shape_cast %slice3A_21 : vector<1x128xf32> to vector<128xf32>
      %get3A_23 = arith.constant 0 : index
      %get3A_24 = vector.load %arg24[%get3A_23] : memref<128xf32, #tpu.memory_space<vmem>>, vector<128xf32>
      %get3A_25 = arith.constant 0 : index
      %get3A_26 = vector.load %arg25[%get3A_25] : memref<128xf32, #tpu.memory_space<vmem>>, vector<128xf32>
      %mul3A_27 = arith.constant 6.10351563E-5 : f32
      %mul3A_28 = vector.broadcast %mul3A_27 : f32 to vector<128xf32>
      %mul3A_29 = arith.mulf %squeeze3A, %mul3A_28 : vector<128xf32>
      %mul3A_30 = arith.constant 6.10351563E-5 : f32
      %mul3A_31 = vector.broadcast %mul3A_30 : f32 to vector<128xf32>
      %mul3A_32 = arith.mulf %squeeze3A_22, %mul3A_31 : vector<128xf32>
      %mul3A_33 = arith.mulf %mul3A_29, %mul3A_29 : vector<128xf32>
      %sub3A = arith.subf %mul3A_32, %mul3A_33 : vector<128xf32>
      %add3A = arith.constant 9.99999974E-6 : f32
      %add3A_34 = vector.broadcast %add3A : f32 to vector<128xf32>
      %add3A_35 = arith.addf %sub3A, %add3A_34 : vector<128xf32>
      %rsqrt3A = math.rsqrt %add3A_35 : vector<128xf32>
      %mul3A_36 = arith.mulf %get3A_24, %rsqrt3A : vector<128xf32>
      %mul3A_37 = arith.mulf %mul3A_29, %mul3A_36 : vector<128xf32>
      %sub3A_38 = arith.subf %get3A_26, %mul3A_37 : vector<128xf32>
      %get3A_39 = arith.index_cast %mul3A_0 : i32 to index
      %get3A_40 = arith.constant 0 : index
      %get3A_41 = vector.load %arg29[%get3A_39, %get3A_40] : memref<16384x512xf32, #tpu.memory_space<vmem>>, vector<4096x128xf32>
      %broadcast_in_dim3A_42 = vector.shape_cast %mul3A_36 : vector<128xf32> to vector<1x128xf32>
      %mul3A_43 = vector.broadcast %broadcast_in_dim3A_42 : vector<1x128xf32> to vector<4096x128xf32>
      %mul3A_44 = arith.mulf %get3A_41, %mul3A_43 : vector<4096x128xf32>
      %broadcast_in_dim3A_45 = vector.shape_cast %sub3A_38 : vector<128xf32> to vector<1x128xf32>
      %add3A_46 = vector.broadcast %broadcast_in_dim3A_45 : vector<1x128xf32> to vector<4096x128xf32>
      %add3A_47 = arith.addf %mul3A_44, %add3A_46 : vector<4096x128xf32>
      %max3A = arith.constant 0.000000e+00 : f32
      %max3A_48 = vector.broadcast %max3A : f32 to vector<4096x128xf32>
      %max3A_49 = arith.maximumf %add3A_47, %max3A_48 : vector<4096x128xf32>
      %get3A_50 = arith.constant 0 : index
      %get3A_51 = arith.constant 0 : index
      %get3A_52 = vector.load %arg26[%get3A_50, %get3A_51] : memref<1x128xf32, #tpu.memory_space<vmem>>, vector<1x128xf32>
      %mul3A_53 = vector.broadcast %get3A_52 : vector<1x128xf32> to vector<4096x128xf32>
      %mul3A_54 = arith.mulf %max3A_49, %mul3A_53 : vector<4096x128xf32>
      %reduce_sum3A = arith.constant dense<0.000000e+00> : vector<4096xf32>
      %reduce_sum3A_55 = vector.multi_reduction <add>, %mul3A_54, %reduce_sum3A [1] : vector<4096x128xf32> to vector<4096xf32>
      %get3A_56 = arith.constant 0 : index
      %get3A_57 = vector.load %arg27[%get3A_56] : memref<1xf32, #tpu.memory_space<vmem>>, vector<1xf32>
      %get3A_58 = vector.extract %get3A_57[0] : f32 from vector<1xf32>
      %add3A_59 = vector.broadcast %get3A_58 : f32 to vector<4096xf32>
      %add3A_60 = arith.addf %reduce_sum3A_55, %add3A_59 : vector<4096xf32>
      %get3A_61 = arith.index_cast %mul3A_0 : i32 to index
      %get3A_62 = vector.load %arg30[%get3A_61] : memref<16384xf32, #tpu.memory_space<vmem>>, vector<4096xf32>
      %add3A_63 = arith.addf %add3A_60, %get3A_62 : vector<4096xf32>
      %swap3A = arith.constant 0 : index
      %swap3A_64 = vector.load %arg28[%swap3A] : memref<4096xf32, #tpu.memory_space<vmem>>, vector<4096xf32>
      tpu.vector_store %arg28[%swap3A], %add3A_63 {strides = array<i32>} : memref<4096xf32, #tpu.memory_space<vmem>>, vector<4096xf32>,
    } else {
    }
    return
  }
  func.func @transform_0(%arg0: i32, %arg1: i32) -> (i32, i32) {
    %eq3A = arith.constant 0 : i32
    %eq3A_0 = arith.cmpi eq, %arg0, %eq3A : i32
    %jit3A = arith.constant 0 : i32
    %select_n3A = arith.select %eq3A_0, %arg1, %jit3A : i32
    %c0_i32 = arith.constant 0 : i32
    %c0_i32_1 = arith.constant 0 : i32
    return %select_n3A, %c0_i32 : i32, i32
  }
  func.func @transform_1(%arg0: i32, %arg1: i32) -> (i32, i32) {
    %eq3A = arith.constant 0 : i32
    %eq3A_0 = arith.cmpi eq, %arg0, %eq3A : i32
    %jit3A = arith.constant 0 : i32
    %select_n3A = arith.select %eq3A_0, %arg1, %jit3A : i32
    %c0_i32 = arith.constant 0 : i32
    %c0_i32_1 = arith.constant 0 : i32
    return %select_n3A, %c0_i32 : i32, i32
  }
  func.func @transform_2(%arg0: i32, %arg1: i32) -> (i32, i32, i32) {
    %c0_i32 = arith.constant 0 : i32
    %c0_i32_0 = arith.constant 0 : i32
    %c0_i32_1 = arith.constant 0 : i32
    %c0_i32_2 = arith.constant 0 : i32
    return %c0_i32, %c0_i32_0, %c0_i32_1 : i32, i32, i32
  }
  func.func @transform_3(%arg0: i32, %arg1: i32) -> i32 {
    %c0_i32 = arith.constant 0 : i32
    %c0_i32_0 = arith.constant 0 : i32
    return %c0_i32 : i32
  }
  func.func @transform_4(%arg0: i32, %arg1: i32) -> i32 {
    %c0_i32 = arith.constant 0 : i32
    %c0_i32_0 = arith.constant 0 : i32
    return %c0_i32 : i32
  }
  func.func @transform_5(%arg0: i32, %arg1: i32) -> i32 {
    %c0_i32 = arith.constant 0 : i32
    %c0_i32_0 = arith.constant 0 : i32
    return %c0_i32 : i32
  }
  func.func @transform_6(%arg0: i32, %arg1: i32) -> i32 {
    %c0_i32 = arith.constant 0 : i32
    %c0_i32_0 = arith.constant 0 : i32
    return %c0_i32 : i32
  }
  func.func @transform_7(%arg0: i32, %arg1: i32) -> (i32, i32) {
    %c0_i32 = arith.constant 0 : i32
    %c0_i32_0 = arith.constant 0 : i32
    %c0_i32_1 = arith.constant 0 : i32
    return %c0_i32, %c0_i32_0 : i32, i32
  }
  func.func @transform_8(%arg0: i32, %arg1: i32) -> i32 {
    %c0_i32 = arith.constant 0 : i32
    %c0_i32_0 = arith.constant 0 : i32
    return %c0_i32 : i32
  }
  func.func @transform_9(%arg0: i32, %arg1: i32) -> (i32, i32) {
    %c0_i32 = arith.constant 0 : i32
    %c0_i32_0 = arith.constant 0 : i32
    %c0_i32_1 = arith.constant 0 : i32
    return %c0_i32, %c0_i32_0 : i32, i32
  }
  func.func @transform_10(%arg0: i32, %arg1: i32) -> i32 {
    %c0_i32 = arith.constant 0 : i32
    %c0_i32_0 = arith.constant 0 : i32
    return %c0_i32 : i32
  }
  func.func @transform_11(%arg0: i32, %arg1: i32) -> i32 {
    %c0_i32 = arith.constant 0 : i32
    %c0_i32_0 = arith.constant 0 : i32
    return %c0_i32 : i32
  }
  func.func @transform_12(%arg0: i32, %arg1: i32) -> i32 {
    %eq3A = arith.constant 0 : i32
    %eq3A_0 = arith.cmpi eq, %arg0, %eq3A : i32
    %jit3A = arith.constant 0 : i32
    %select_n3A = arith.select %eq3A_0, %arg1, %jit3A : i32
    %c0_i32 = arith.constant 0 : i32
    return %select_n3A : i32
  }
  func.func @transform_13(%arg0: i32, %arg1: i32) -> i32 {
    %eq3A = arith.constant 0 : i32
    %eq3A_0 = arith.cmpi eq, %arg0, %eq3A : i32
    %jit3A = arith.constant 0 : i32
    %select_n3A = arith.select %eq3A_0, %arg1, %jit3A : i32
    %c0_i32 = arith.constant 0 : i32
    return %select_n3A : i32
  }
  func.func @transform_14(%arg0: i32, %arg1: i32) -> i32 {
    %c0_i32 = arith.constant 0 : i32
    %c0_i32_0 = arith.constant 0 : i32
    return %c0_i32 : i32
  }
  func.func @transform_15(%arg0: i32, %arg1: i32) -> i32 {
    %c0_i32 = arith.constant 0 : i32
    %c0_i32_0 = arith.constant 0 : i32
    return %c0_i32 : i32
  }
  func.func @transform_16(%arg0: i32, %arg1: i32) -> (i32, i32) {
    %c0_i32 = arith.constant 0 : i32
    %c0_i32_0 = arith.constant 0 : i32
    %c0_i32_1 = arith.constant 0 : i32
    return %c0_i32, %c0_i32_0 : i32, i32
  }
  func.func @transform_17(%arg0: i32, %arg1: i32) -> i32 {
    %c0_i32 = arith.constant 0 : i32
    %c0_i32_0 = arith.constant 0 : i32
    return %c0_i32 : i32
  }
  func.func @transform_18(%arg0: i32, %arg1: i32) -> i32 {
    %c0_i32 = arith.constant 0 : i32
    %c0_i32_0 = arith.constant 0 : i32
    return %c0_i32 : i32
  }
  func.func @transform_19(%arg0: i32, %arg1: i32) -> i32 {
    %c0_i32 = arith.constant 0 : i32
    %c0_i32_0 = arith.constant 0 : i32
    return %c0_i32 : i32
  }
  func.func @transform_20(%arg0: i32, %arg1: i32) -> (i32, i32) {
    %c0_i32 = arith.constant 0 : i32
    %c0_i32_0 = arith.constant 0 : i32
    %c0_i32_1 = arith.constant 0 : i32
    return %c0_i32, %c0_i32_0 : i32, i32
  }
  func.func @transform_21(%arg0: i32, %arg1: i32) -> i32 {
    %c0_i32 = arith.constant 0 : i32
    %c0_i32_0 = arith.constant 0 : i32
    return %c0_i32 : i32
  }
  func.func @transform_22(%arg0: i32, %arg1: i32) -> i32 {
    %c0_i32 = arith.constant 0 : i32
    %c0_i32_0 = arith.constant 0 : i32
    return %c0_i32 : i32
  }
  func.func @transform_23(%arg0: i32, %arg1: i32) -> i32 {
    %c0_i32 = arith.constant 0 : i32
    %c0_i32_0 = arith.constant 0 : i32
    return %c0_i32 : i32
  }
  func.func @transform_24(%arg0: i32, %arg1: i32) -> (i32, i32) {
    %c0_i32 = arith.constant 0 : i32
    %c0_i32_0 = arith.constant 0 : i32
    %c0_i32_1 = arith.constant 0 : i32
    return %c0_i32, %c0_i32_0 : i32, i32
  }
  func.func @transform_25(%arg0: i32, %arg1: i32) -> i32 {
    %c0_i32 = arith.constant 0 : i32
    %c0_i32_0 = arith.constant 0 : i32
    return %c0_i32 : i32
  }
  func.func @transform_26(%arg0: i32, %arg1: i32) -> i32 {
    %eq3A = arith.constant 3 : i32
    %eq3A_0 = arith.cmpi eq, %arg0, %eq3A : i32
    %jit3A = arith.constant 0 : i32
    %select_n3A = arith.select %eq3A_0, %arg1, %jit3A : i32
    %c0_i32 = arith.constant 0 : i32
    return %select_n3A : i32
  }
}

</mosaic_0001>

<sc_bundles>
// kernel: kernel.4.cloned.1.call-start
scs
__scs_entry_jumppad:
0x0: {  	(pc) =	sbr.rel $0x88, $3  }
0x1: {  	(tag) =	ssettag $0x0;
	lr =	simm.s32 $0x1  }
0x2: {  	[smem:$0x3F86] =	sst lr;
	_ =	strace $0xD0000000  }
0x3: {  	_ = 	snop  }
0x4: {  	_ = 	snop  }
0x5: {  	_ = 	snop  }
0x6: {  	_ = 	snop  }
0x7: {  	_ = 	snop  }
__scs_overlays_trampoline_lowered:
0x8: {  	[smem:$0x3F95] =	sst s0  }
0x9: {  	[smem:$0x3F96] =	sst s1  }
0xa: {  	[smem:$0x3F97] =	sst s2  }
0xb: {  	[smem:$0x3F98] =	sst s3  }
0xc: {  	[smem:$0x3F99] =	sst s4  }
0xd: {  	[smem:$0x3F9A] =	sst s5  }
0xe: {  	[smem:$0x3F9B] =	sst s6  }
0xf: {  	[smem:$0x3F9C] =	sst s7  }
0x10: {  	[smem:$0x3F9D] =	sst s8  }
0x11: {  	[smem:$0x3F9E] =	sst s9;
	s0 =	simm.s32 @!p0 $0x0  }
0x12: {  	s1 =	sld [smem:$0x3F84];
	s0 =	simm.s32 @p0 $0x1  }
0x13: {  	[smem:$0x3F9F] =	sst s0;
	s0 =	simm.s32 @!p1 $0x0  }
0x14: {  	s2 =	sld [smem:$0x3F83];
	s0 =	simm.s32 @p1 $0x1  }
0x15: {  	[smem:$0x3FA0] =	sst s0;
	s0 =	simm.s32 @!p2 $0x0  }
0x16: {  	s3 =	sld [smem:$0x3FDB];
	s0 =	simm.s32 @p2 $0x1  }
0x17: {  	s4 =	simm.s32 $0x1BF5;
	[smem:$0x3FA2] =	sst s0  }
0x18: {  	s0 =	sld [smem:$0x3F85];
	_ =	swait.ge [sflag:s4], $0x0  }
0x19: {  	s7 =	sld [smem:$0x3F86]  }
0x1a: {  	s8 =	sadd.s32 $0xFFFFE003, lr  }
0x1b: {  	s9 =	sadd.s32 $0xFFFFFEF7, lr;
	s5 =	simm.s32 $0xFFFFFFFF;
	p2 =	slt.u32 s8, $0xFFFFF086  }
0x1c: {  	p1 =	slt.u32 s9, $0xF7A;
	s5 =	simm.s32 @!p2 $0x0  }
0x1d: {  	s5 =	simm.s32 @p1 $0x1;
	p0 =	seq.s32 s7, s2  }
0x1e: {  	s7 =	smul.u32 @!p0 $0xF7A, s2;
	p2 =	seq.s32 @!p0 s5, $0x0  }
0x1f: {  	s9 =	smul.u32 $0xF7A, s1;
	s8 =	simm.s32 @!p0 $0x1BF5;
	p2 =	por !p2, p0  }
0x20: {  	[sflag:s8] =	ssyncset.s32 @!p0 $0xFFFFF086;
	s6 =	sadd.s32 @!p0 s3, s7;
	s7 =	simm.s32 @!p0 $0x108  }
0x21: {  	s3 =	sadd.s32 s3, s9;
	s6 =	sadd.s32 @!p0 $0x88, s6;
	s7 =	simm.s32 @p2 $0x1082  }
0x22: {  	[simem:s7], [sflag:s8] =	dma.local @!p0 [hbm:s6], $0xF7A  }
0x23: {  	s9 =	sor.u32 $0xD0000000, s2;
	s6 =	simm.s32 $0x108;
	_ =	swait.ge @!p0 [sflag:s8], $0x0  }
0x24: {  	s3 =	sadd.s32 $0x88, s3;
	s6 =	simm.s32 @!p1 $0x1082;
	[sflag:s4] =	ssyncset.s32 $0xFFFFF086  }
0x25: {  	[simem:s6], [sflag:s4] =	dma.local [hbm:s3], $0xF7A  }
0x26: {  	[smem:$0x3F86] =	sst s1;
	(tag) =	ssettag s2;
	_ =	strace s9  }
0x27: {  	s1 =	sld [smem:$0x3F96]  }
0x28: {  	s2 =	sld [smem:$0x3F97]  }
0x29: {  	s4 =	sld [smem:$0x3F99]  }
0x2a: {  	p0 =	seq.s32 s5, $0x0;
	s5 =	sld [smem:$0x3F9A]  }
0x2b: {  	s6 =	sld [smem:$0x3F9B]  }
0x2c: {  	s7 =	sld [smem:$0x3F9C]  }
0x2d: {  	s3 =	simm.s32 $0x108;
	s8 =	sld [smem:$0x3F9D]  }
0x2e: {  	s3 =	simm.s32 @!p0 $0x1082;
	s9 =	sld [smem:$0x3F9E]  }
0x2f: {  	lr =	sadd.s32 s0, s3;
	s0 =	sld [smem:$0x3F95]  }
0x30: {  	s3 =	sld [smem:$0x3F98]  }
0x31: {  	[smem:$0x3FA1] =	sst s10  }
0x32: {  	s10 =	sld [smem:$0x3F9F];
	_ =	sdelay $0x3  }
0x33: {  	p0 =	seq.s32 s10, $0x1;
	s10 =	sld [smem:$0x3FA1];
	_ =	sdelay $0x3  }
0x34: {  	[smem:$0x3FA1] =	sst s10  }
0x35: {  	s10 =	sld [smem:$0x3FA0];
	_ =	sdelay $0x3  }
0x36: {  	p1 =	seq.s32 s10, $0x1;
	s10 =	sld [smem:$0x3FA1];
	_ =	sdelay $0x3  }
0x37: {  	[smem:$0x3FA1] =	sst s10  }
0x38: {  	s10 =	sld [smem:$0x3FA2]  }
0x39: {  	_ = 	snop;
	(pc) =	sbr.ind lr, $3  }
0x3a: {  	_ = 	snop  }
0x3b: {  	_ = 	snop  }
0x3c: {  	p2 =	seq.s32 s10, $0x1;
	s10 =	sld [smem:$0x3FA1]  }
0x3d: {  	_ =	shalt  }
0x3e: {  	_ =	shalt  }
0x3f: {  	_ =	shalt  }
0x40: {  	_ =	shalt  }
0x41: {  	_ =	shalt  }
0x42: {  	_ =	shalt  }
0x43: {  	_ =	shalt  }
0x44: {  	_ =	shalt  }
0x45: {  	_ =	shalt  }
0x46: {  	_ =	shalt  }
0x47: {  	_ =	shalt  }
0x48: {  	_ =	shalt  }
0x49: {  	_ =	shalt  }
0x4a: {  	_ =	shalt  }
0x4b: {  	_ =	shalt  }
0x4c: {  	_ =	shalt  }
0x4d: {  	_ =	shalt  }
0x4e: {  	_ =	shalt  }
0x4f: {  	_ =	shalt  }
0x50: {  	_ =	shalt  }
0x51: {  	_ =	shalt  }
0x52: {  	_ =	shalt  }
0x53: {  	_ =	shalt  }
0x54: {  	_ =	shalt  }
0x55: {  	_ =	shalt  }
0x56: {  	_ =	shalt  }
0x57: {  	_ =	shalt  }
0x58: {  	_ =	shalt  }
0x59: {  	_ =	shalt  }
0x5a: {  	_ =	shalt  }
0x5b: {  	_ =	shalt  }
0x5c: {  	_ =	shalt  }
0x5d: {  	_ =	shalt  }
0x5e: {  	_ =	shalt  }
0x5f: {  	_ =	shalt  }
0x60: {  	_ =	shalt  }
0x61: {  	_ =	shalt  }
0x62: {  	_ =	shalt  }
0x63: {  	_ =	shalt  }
0x64: {  	_ =	shalt  }
0x65: {  	_ =	shalt  }
0x66: {  	_ =	shalt  }
0x67: {  	_ =	shalt  }
0x68: {  	_ =	shalt  }
0x69: {  	_ =	shalt  }
0x6a: {  	_ =	shalt  }
0x6b: {  	_ =	shalt  }
0x6c: {  	_ =	shalt  }
0x6d: {  	_ =	shalt  }
0x6e: {  	_ =	shalt  }
0x6f: {  	_ =	shalt  }
0x70: {  	_ =	shalt  }
0x71: {  	_ =	shalt  }
0x72: {  	_ =	shalt  }
0x73: {  	_ =	shalt  }
0x74: {  	_ =	shalt  }
0x75: {  	_ =	shalt  }
0x76: {  	_ =	shalt  }
0x77: {  	_ =	shalt  }
0x78: {  	_ =	shalt  }
0x79: {  	_ =	shalt  }
0x7a: {  	_ =	shalt  }
0x7b: {  	_ =	shalt  }
0x7c: {  	_ =	shalt  }
0x7d: {  	_ =	shalt  }
0x7e: {  	_ =	shalt  }
0x7f: {  	_ =	shalt  }
0x80: {  	_ =	shalt  }
0x81: {  	_ =	shalt  }
0x82: {  	_ =	shalt  }
0x83: {  	_ =	shalt  }
0x84: {  	_ =	shalt  }
0x85: {  	_ =	shalt  }
0x86: {  	_ =	shalt  }
0x87: {  	_ =	shalt  }
.Lfunc_end0:
.L_simem_size_0:
called_computation_lowered:
.L_overlay_start_0:
0x88: {  	s2 =	sld [smem:$0x3FD9]  }
0x89: {  	s3 =	sld [smem:$0x3FFE];
	_ =	sdelay $0x1  }
0x8a: {  	s1 =	srdreg.scid  }
0x8b: {  	s0 =	sand.u32 $0x1, s1  }
0x8c: {  	s17 =	sshll.u32 s0, $0xA;
	s2 =	sadd.s32 s3, s2  }
0x8d: {  	s2 =	sadd.s32 s2, s17  }
0x8e: {  	[smem:$0x3FAD] =	sst s2  }
0x8f: {  	_ = 	snop  }
0x90: {  	s2 =	sld [smem:$0x3FC9]  }
0x91: {  	s18 =	sld [smem:$0x3FC8]  }
0x92: {  	s4 =	sld [smem:$0x3FC7]  }
0x93: {  	s5 =	sld [smem:$0x3FC6];
	(tm) =	ssettm $0x1  }
0x94: {  	s6 =	sld [smem:$0x3FFB];
	_ =	sdelay $0x3  }
0x95: {  	_ =	strace s6  }
0x96: {  	s6 =	sld [smem:$0x3FFC];
	_ =	sdelay $0x3  }
0x97: {  	_ =	strace s6  }
0x98: {  	s6 =	sld [smem:$0x3FFD];
	_ =	sdelay $0x3  }
0x99: {  	_ =	strace s6  }
0x9a: {  	_ =	strace $0x8FFFFFFF  }
0x9b: {  	s19 =	sld [smem:$0x3FDB];
	_ =	sdelay $0x1  }
0x9c: {  	s7 =	simm.s32 $_scs_section_size  }
0x9d: {  	s8 =	simm.s32 $_size__tile_overlayer_lowered;
	s9 =	simm.s32 $_tile_overlayer_lowered  }
0x9e: {  	s22 =	simm.s32 $0x1BFF;
	s21 =	sshll.u32 s9, $0x1;
	s6 =	sadd.s32 s7, s19  }
0x9f: {  	s10 =	simm.s32 $0x0;
	s20 =	sshll.u32 s8, $0x1;
	s8 =	sadd.s32 s21, s6  }
0xa0: {  	[timem:s10], [sflag:s22] =	dma.local [hbm:s8], s20  }
0xa1: {  	_ =	swait.ge [sflag:s22], s20  }
0xa2: {  	s7 =	ssub.s32 $0x0, s20;
	[sflag:s22] =	ssyncset.done $0x0  }
0xa3: {  	[sflag:s22] =	ssyncadd.s32 s7;
	_ =	sdelay $0x1  }
0xa4: {  	s23 =	simm.s32 $0x1B8B  }
0xa5: {  	_ =	swait.ge [sflag:s23], $0x1  }
0xa6: {  	[sflag:s23] =	ssyncset.done $0x0  }
0xa7: {  	s25 =	simm.s32 $0x1B8E;
	s24 =	sld [smem:$0x3FFE];
	[sflag:s23] =	ssyncadd.s32 $0xFFFFFFFF  }
0xa8: {  	s26 =	simm.s32 $execute0_lowered;
	[smem:$0x3FD2] =	sst s25  }
0xa9: {  	s8 =	sshll.u32 s26, $0x1;
	_ =	strace $0x80000046;
	[dreg:$0x1] =	wrdreg $0xFFFFFFFF  }
0xaa: {  	s28 =	simm.s32 $_size_execute0_lowered;
	s6 =	sadd.s32 s6, s8;
	[dreg:$0x0] =	wrdreg $0x0  }
0xab: {  	s8 =	sshll.u32 s28, $0x1;
	[dreg:$0x2] =	wrdreg s6  }
0xac: {  	[dreg:$0x3] =	wrdreg s8  }
0xad: {  	[dreg:$0x4] =	wrdreg $0xC0  }
0xae: {  	_ =	task [dreg:s10], $0x5FFFF  }
0xaf: {  	[dreg:$0x1] =	wrdreg $0xFFFFFFFF  }
0xb0: {  	[dreg:$0x0] =	wrdreg $0x60  }
0xb1: {  	[dreg:$0x2] =	wrdreg s2  }
0xb2: {  	[dreg:$0x3] =	wrdreg s18  }
0xb3: {  	[dreg:$0x4] =	wrdreg s4  }
0xb4: {  	[dreg:$0x5] =	wrdreg s5  }
0xb5: {  	[dreg:$0x6] =	wrdreg s24  }
0xb6: {  	[dreg:$0x7] =	wrdreg $0x9  }
0xb7: {  	_ =	task.clear_ibuf [dreg:s10], $0x8FFFF;
	_ =	strace $0x90000046  }
0xb8: {  	s29 =	simm.s32 $0x9;
	_ =	strace $0x80000048  }
0xb9: {  	_ =	swait.ge [sflag:s29], $0x1  }
0xba: {  	[sflag:s29] =	ssyncadd.s32 $0xFFFFFFFF  }
0xbb: {  	_ =	strace $0x90000048  }
0xbc: {  	_ =	sfence  }
0xbd: {  	s30 =	sld [smem:$0x0];
	_ =	sdelay $0x2  }
0xbe: {  	s31 =	sshll.u32 s1, $0xD;
	s1 =	sshrl.u32 s1, $0x2  }
0xbf: {  	s3 =	sand.u32 $0x4000, s31;
	s1 =	sadd.s32 s1, s30  }
0xc0: {  	s0 =	sor.u32 s3, s0;
	s1 =	sshll.u32 s1, $0x11  }
0xc1: {  	s0 =	sor.u32 s1, s0  }
0xc2: {  	s0 =	sadd.s32 $0x8F2B, s0  }
0xc3: {  	[sflag:s0] =	ssyncadd.remote.s32 $0x1  }
0xc4: {  	_ =	sfence.sel $0xFFFF  }
0xc5: {  	[dreg:$0x0] =	wrdreg $0xFFFFFFFF;
	(pc) =	sbr.abs _section_cstart, $3  }
0xc6: {  	[dreg:$0x1] =	wrdreg $0xFFFFFFFF  }
0xc7: {  	_ =	task.clear_ibuf [dreg:s10], $0x2FFFF;
	_ =	strace $0x9FFFFFFF  }
0xc8: {  	(tm) =	ssettm $0x7FFFFFFF  }
0xc9: {  	_ =	shalt  }
tec
execute0_lowered:
.L_overlay_start_1:
0x0: {  	(tag) =	ssettag $0x1  }
0x1: {  	s0 =	rddreg [dreg:$0x0]  }
0x2: {  	s4 =	rddreg [dreg:$0x1]  }
0x3: {  	s1 =	rddreg [dreg:$0x2]  }
0x4: {  	s2 =	rddreg [dreg:$0x3]  }
0x5: {  	s3 =	rddreg [dreg:$0x4];
	s5 =	simm.s32 $0x0  }
0x6: {  	s6 =	srdreg.scid;
	s8 =	stileid.u32;
	s15 =	simm.s32 $0x10400  }
0x7: {  	s31 =	simm.s32 $0x380;
	s29 =	simm.s32 $0x400;
	s28 =	simm.s32 $0x6  }
0x8: {  	s30 =	simm.s32 $0x4;
	[smem:$0x7FF] =	sst s5;
	s7 =	sand.u32 $0x1, s6  }
0x9: {  	s6 =	sadd.s32 $0x3200, s3;
	s8 =	sshll.u32 s8, $0xA;
	s10 =	sadd.s32 $0x6400, s3  }
0xa: {  	s18 =	sadd.s32 $0x46400, s3;
	s9 =	sshll.u32 s7, $0x9;
	s7 =	ssub.s32 $0x2, s7  }
0xb: {  	_ =	strace $0x80000047;
	s8 =	sor.u32 s9, s8;
	s12 =	sshrl.u32 s7, $0x1  }
0xc: {  	s9 =	simm.s32 $0x1;
	s11 =	sshrl.u32 s8, $0x3;
	s7 =	ssub.s32 s7, s12  }
0xd: {  	s8 =	sshll.u32 s8, $0x4;
	s12 =	simm.s32 $0x8;
	s13 =	sadd.s32 s11, s3  }
0xe: {  	s0 =	sadd.s32 s0, s11;
	s19 =	sadd.s32 s4, s11;
	s20 =	sadd.s32 s10, s8  }
0xf: {  	s21 =	sor.u32 $0x800, s8;
	s22 =	sor.u32 $0x1000, s8;
	[dreg:$0x6] =	wrdreg s0  }
0x10: {  	s23 =	sor.u32 $0x1800, s8;
	s8 =	sadd.s32 s18, s8;
	[dreg:$0x7] =	wrdreg s19  }
0x11: {  	s4 =	simm.s32 $0x4400;
	s11 =	simm.s32 $0x7;
	[dreg:$0x8] =	wrdreg s20  }
0x12: {  	s24 =	sadd.s32 s10, s21;
	s25 =	sadd.s32 s10, s22;
	s10 =	sadd.s32 s10, s23  }
0x13: {  	[dreg:$0xc] =	wrdreg s8;
	s0 =	sadd.s32 s18, s21;
	s26 =	sadd.s32 s18, s22  }
0x14: {  	s16 =	sadd.s32 s18, s23;
	s17 =	sadd.s32 $0x87400, s13;
	s18 =	sadd.s32 $0x86400, s13  }
0x15: {  	s19 =	sadd.s32 $0x86C00, s13;
	s20 =	smax.u32 s7, $0x1;
	[dreg:$0x9] =	wrdreg s24  }
0x16: {  	s21 =	simm.s32 $0xA;
	s22 =	simm.s32 $0x200;
	[dreg:$0xa] =	wrdreg s25  }
0x17: {  	s23 =	simm.s32 $0x80;
	s7 =	simm.s32 $0x8400;
	[dreg:$0xb] =	wrdreg s10  }
0x18: {  	s8 =	simm.s32 $0xC400;
	s13 =	simm.s32 $0x9;
	[dreg:$0xd] =	wrdreg s0  }
0x19: {  	[dreg:$0xe] =	wrdreg s26;
	s26 =	simm.s32 $0x10600;
	s24 =	simm.s32 $0x5  }
0x1a: {  	s25 =	simm.s32 $0x2;
	s10 =	simm.s32 $0x3;
	s0 =	simm.s32 $0x0  }
.LBB2_1:
0x1b: {  	s14 =	rddreg [dreg:$0x6]  }
0x1c: {  	[tilespmem:s5], [sflag:$0xA] =	stream.linear.gather [hbm4b:s14+s5], $0x200, $0x38;
	[tilespmem:$0x10A00] =	vst v63  }
0x1d: {  	_ =	swait.ge [sflag:s21], $0x200  }
0x1e: {  	[sflag:s21] =	ssyncset.done $0x0  }
0x1f: {  	s14 =	rddreg [dreg:$0x7];
	[sflag:s21] =	ssyncadd.s32 $0xFFFFFE00  }
0x20: {  	[tilespmem:s22], [sflag:$0xA] =	stream.linear.gather [hbm4b:s14+s5], $0x200, $0x38;
	[tilespmem:$0x10A00] =	vst v63  }
0x21: {  	_ =	swait.ge [sflag:s21], $0x200  }
0x22: {  	[sflag:s21] =	ssyncset.done $0x0  }
0x23: {  	[sflag:s21] =	ssyncadd.s32 $0xFFFFFE00  }
0x24: {  	[tilespmem:s15], [sflag:$0x9] =	stream.indirect.gather [hbm4b:s3+s23], $0x1, s5, s23, $0xb8;
	[tilespmem:$0x10A00] =	vst v63  }
0x25: {  	_ = 	snop  }
0x26: {  	[tilespmem:s26], [sflag:$0x9] =	stream.indirect.gather [hbm4b:s6+s23], $0x1, s22, s23, $0xb8;
	[tilespmem:$0x10A00] =	vst v63  }
0x27: {  	s26 =	simm.s32 $0x10480  }
0x28: {  	[tilespmem:s26], [sflag:$0x9] =	stream.indirect.gather [hbm4b:s3+s23], $0x1, s23, s23, $0xb8;
	[tilespmem:$0x10A00] =	vst v63  }
0x29: {  	s15 =	simm.s32 $0x280;
	s26 =	simm.s32 $0x10680  }
0x2a: {  	[tilespmem:s26], [sflag:$0x9] =	stream.indirect.gather [hbm4b:s6+s23], $0x1, s15, s23, $0xb8;
	[tilespmem:$0x10A00] =	vst v63  }
0x2b: {  	s14 =	simm.s32 $0x100;
	s26 =	simm.s32 $0x10500  }
0x2c: {  	[tilespmem:s26], [sflag:$0x9] =	stream.indirect.gather [hbm4b:s3+s23], $0x1, s14, s23, $0xb8;
	[tilespmem:$0x10A00] =	vst v63  }
0x2d: {  	s15 =	simm.s32 $0x300;
	s26 =	simm.s32 $0x10700  }
0x2e: {  	[tilespmem:s26], [sflag:$0x9] =	stream.indirect.gather [hbm4b:s6+s23], $0x1, s15, s23, $0xb8;
	[tilespmem:$0x10A00] =	vst v63  }
0x2f: {  	s15 =	simm.s32 $0x180;
	s26 =	simm.s32 $0x10580  }
0x30: {  	[tilespmem:s26], [sflag:$0x9] =	stream.indirect.gather [hbm4b:s3+s23], $0x1, s15, s23, $0xb8;
	[tilespmem:$0x10A00] =	vst v63  }
0x31: {  	s26 =	simm.s32 $0x10780  }
0x32: {  	[tilespmem:s26], [sflag:$0x9] =	stream.indirect.gather [hbm4b:s6+s23], $0x1, s31, s23, $0xb8;
	[tilespmem:$0x10A00] =	vst v63  }
0x33: {  	_ = 	snop  }
0x34: {  	[tilespmem:s29], [sflag:$0x1] =	stream.indirect.gather [hbm4b:s1+s23], $0x80, s5, s23, $0xb8;
	[tilespmem:$0x10A00] =	vst v63  }
0x35: {  	_ = 	snop  }
0x36: {  	[tilespmem:s4], [sflag:$0x2] =	stream.indirect.gather [hbm4b:s1+s23], $0x80, s23, s23, $0xb8;
	[tilespmem:$0x10A00] =	vst v63  }
0x37: {  	_ = 	snop  }
0x38: {  	[tilespmem:s7], [sflag:$0x3] =	stream.indirect.gather [hbm4b:s1+s23], $0x80, s14, s23, $0xb8;
	[tilespmem:$0x10A00] =	vst v63  }
0x39: {  	_ = 	snop  }
0x3a: {  	[tilespmem:s8], [sflag:$0x4] =	stream.indirect.gather [hbm4b:s1+s23], $0x80, s15, s23, $0xb8;
	[tilespmem:$0x10A00] =	vst v63  }
0x3b: {  	_ =	swait.ge [sflag:s9], $0x4000  }
0x3c: {  	[sflag:s9] =	ssyncset.done $0x0  }
0x3d: {  	s26 =	simm.s32 $0x0;
	s15 =	rddreg [dreg:$0x8];
	[sflag:s9] =	ssyncadd.s32 $0xFFFFC000  }
0x3e: {  	[hbm4b:s15+s5] =	stream.linear.scatter [tilespmem:s29], [sflag:$0x5], $0x4000, $0x38;
	[tilespmem:$0x10A00] =	vst v63  }
0x3f: {  	v0 =	vld [tilespmem:s26+$0x470]  }
0x40: {  	v1 =	vld [tilespmem:s26+$0x400]  }
0x41: {  	v5 =	vimm.f32 $0.0e+00;
	v4 =	vld [tilespmem:s26+$0x410]  }
0x42: {  	v13 =	vimm.f32 $0.0e+00;
	v14 =	vimm.f32 $0.0e+00;
	v15 =	vimm.f32 $0.0e+00  }
0x43: {  	v11 =	vimm.f32 $0.0e+00;
	v10 =	vimm.f32 $0.0e+00;
	v7 =	vimm.f32 $0.0e+00;
	v16 =	vld [tilespmem:s26+$0x420]  }
0x44: {  	v8 =	vimm.f32 $0.0e+00;
	v9 =	vimm.f32 $0.0e+00;
	v12 =	vimm.f32 $0.0e+00;
	v17 =	vld [tilespmem:s26+$0x430]  }
0x45: {  	v18 =	vld [tilespmem:s26+$0x440];
	v3 =	vadd.f32 v0, v5;
	v6 =	vmul.f32 v0, v0;
	v2 =	vadd.f32 v1, v5  }
0x46: {  	v20 =	vld [tilespmem:s26+$0x450];
	v22 =	vmul.f32 v1, v1;
	v0 =	vadd.f32 v4, v5;
	v21 =	vmul.f32 v4, v4  }
0x47: {  	s14 =	simm.s32 $0x80;
	s15 =	simm.s32 $0x400;
	v19 =	vld [tilespmem:s26+$0x460];
	v4 =	vimm.f32 $0.0e+00;
	v1 =	vadd.f32 v6, v5;
	v6 =	vimm.f32 $0.0e+00  }
.LBB2_2:
0x48: {  	p0 =	sne.s32 s15, $0xFE00;
	v23 =	vld [tilespmem:s14+$0x470];
	v5 =	vadd.f32 v22, v5;
	v13 =	vadd.f32 v16, v13;
	v16 =	vmul.f32 v16, v16  }
0x49: {  	v22 =	vld [tilespmem:s14+$0x400];
	v14 =	vadd.f32 v21, v14;
	v15 =	vadd.f32 v17, v15;
	v17 =	vmul.f32 v17, v17  }
0x4a: {  	v21 =	vld [tilespmem:s14+$0x410];
	v11 =	vadd.f32 v16, v11;
	v10 =	vadd.f32 v18, v10;
	v18 =	vmul.f32 v18, v18  }
.Ltmp0:
0x4b: {  	v16 =	vld [tilespmem:s14+$0x420];
	v7 =	vadd.f32 v17, v7;
	v8 =	vadd.f32 v20, v8;
	v20 =	vmul.f32 v20, v20;
	(pc) =	sbr.rel @p0 .LBB2_2-.Ltmp0, $4  }
0x4c: {  	v17 =	vld [tilespmem:s14+$0x430];
	v6 =	vadd.f32 v18, v6;
	v9 =	vadd.f32 v19, v9;
	v19 =	vmul.f32 v19, v19  }
0x4d: {  	v18 =	vld [tilespmem:s14+$0x440];
	v3 =	vadd.f32 v23, v3;
	v23 =	vmul.f32 v23, v23;
	v12 =	vadd.f32 v20, v12  }
0x4e: {  	v2 =	vadd.f32 v22, v2;
	v22 =	vmul.f32 v22, v22;
	v20 =	vld [tilespmem:s14+$0x450];
	v4 =	vadd.f32 v19, v4  }
0x4f: {  	v0 =	vadd.f32 v21, v0;
	v21 =	vmul.f32 v21, v21;
	v19 =	vld [tilespmem:s14+$0x460];
	s14 =	sshra.s32 s15, $0x2;
	s15 =	sadd.s32 $0x200, s15;
	v1 =	vadd.f32 v23, v1  }
0x50: {  	v23 =	vld [tilespmem:s14+$0x470]  }
0x51: {  	v24 =	vld [tilespmem:s14+$0x400]  }
0x52: {  	v25 =	vld [tilespmem:s14+$0x410]  }
0x53: {  	v26 =	vld [tilespmem:s14+$0x420]  }
0x54: {  	v27 =	vld [tilespmem:s14+$0x430]  }
0x55: {  	v28 =	vld [tilespmem:s14+$0x440]  }
0x56: {  	v29 =	vld [tilespmem:s14+$0x450]  }
0x57: {  	v5 =	vadd.f32 v22, v5;
	v22 =	vmul.f32 v16, v16;
	v30 =	vld [tilespmem:s14+$0x460];
	_ =	swait.ge [sflag:s24], $0x4000  }
0x58: {  	v13 =	vadd.f32 v16, v13;
	v14 =	vadd.f32 v21, v14;
	v16 =	vmul.f32 v17, v17;
	[sflag:s24] =	ssyncset.done $0x0  }
0x59: {  	v15 =	vadd.f32 v17, v15;
	v11 =	vadd.f32 v22, v11;
	v17 =	vmul.f32 v18, v18;
	[sflag:s24] =	ssyncadd.s32 $0xFFFFC000  }
0x5a: {  	v10 =	vadd.f32 v18, v10;
	v18 =	vmul.f32 v20, v20;
	v16 =	vadd.f32 v16, v7;
	[tilespmem:s29], [sflag:$0x1] =	stream.indirect.gather [hbm4b:s2+s23], $0x80, s22, s23, $0xb8;
	[tilespmem:$0x10A00] =	vst v63  }
0x5b: {  	v20 =	vadd.f32 v20, v8;
	v17 =	vadd.f32 v17, v6;
	_ =	swait.ge [sflag:s25], $0x4000  }
0x5c: {  	v21 =	vadd.f32 v19, v9;
	v6 =	vmul.f32 v19, v19;
	v12 =	vadd.f32 v18, v12;
	[sflag:s25] =	ssyncset.done $0x0  }
0x5d: {  	s26 =	simm.s32 $0x0;
	v19 =	vadd.f32 v23, v3;
	v3 =	vmul.f32 v23, v23;
	v22 =	vadd.f32 v24, v2;
	s15 =	rddreg [dreg:$0x9];
	[sflag:s25] =	ssyncadd.s32 $0xFFFFC000  }
0x5e: {  	v2 =	vmul.f32 v24, v24;
	v60 =	vadd.f32 v25, v0;
	v9 =	vadd.f32 v27, v15;
	[hbm4b:s15+s26] =	stream.linear.scatter [tilespmem:s4], [sflag:$0x6], $0x4000, $0x38;
	[tilespmem:$0x10A00] =	vst v63  }
0x5f: {  	v0 =	vmul.f32 v25, v25;
	v23 =	vadd.f32 v6, v4;
	v61 =	vadd.f32 v3, v1;
	s26 =	simm.s32 $0x0  }
0x60: {  	v4 =	vadd.f32 v2, v5;
	v1 =	vmul.f32 v26, v26;
	v5 =	vadd.f32 v26, v13;
	v13 =	vld [tilespmem:s26+$0x4470]  }
0x61: {  	v8 =	vadd.f32 v28, v10;
	v6 =	vadd.f32 v0, v14;
	v0 =	vmul.f32 v27, v27;
	v62 =	vld [tilespmem:s26+$0x4400]  }
0x62: {  	v3 =	vmul.f32 v28, v28;
	v2 =	vadd.f32 v29, v20;
	v63 =	vld [tilespmem:s26+$0x4410];
	v7 =	vadd.f32 v1, v11  }
0x63: {  	v18 =	vld [tilespmem:s26+$0x4420];
	v1 =	vadd.f32 v0, v16;
	v0 =	vmul.f32 v29, v29;
	v11 =	vmul.f32 v30, v30  }
0x64: {  	v10 =	vadd.f32 v3, v17;
	v3 =	vadd.f32 v30, v21;
	v17 =	vld [tilespmem:s26+$0x4430]  }
0x65: {  	v16 =	vld [tilespmem:s26+$0x4440];
	v15 =	vadd.f32 v0, v12;
	v0 =	vadd.f32 v11, v23;
	v23 =	vmul.f32 v13, v13  }
0x66: {  	v20 =	vld [tilespmem:s26+$0x4450];
	v14 =	vadd.f32 v13, v19;
	v11 =	vadd.f32 v62, v22;
	v21 =	vmul.f32 v62, v62  }
0x67: {  	s14 =	simm.s32 $0x80;
	s15 =	simm.s32 $0x400;
	v12 =	vadd.f32 v63, v60;
	v22 =	vmul.f32 v63, v63;
	v19 =	vld [tilespmem:s26+$0x4460];
	v13 =	vadd.f32 v23, v61  }
.LBB2_4:
0x68: {  	p0 =	sne.s32 s15, $0xFE00;
	v23 =	vld [tilespmem:s14+$0x4470];
	v4 =	vadd.f32 v21, v4;
	v5 =	vadd.f32 v18, v5;
	v18 =	vmul.f32 v18, v18  }
0x69: {  	v21 =	vld [tilespmem:s14+$0x4400];
	v6 =	vadd.f32 v22, v6;
	v9 =	vadd.f32 v17, v9;
	v17 =	vmul.f32 v17, v17  }
0x6a: {  	v22 =	vld [tilespmem:s14+$0x4410];
	v7 =	vadd.f32 v18, v7;
	v8 =	vadd.f32 v16, v8;
	v16 =	vmul.f32 v16, v16  }
.Ltmp1:
0x6b: {  	v18 =	vld [tilespmem:s14+$0x4420];
	v1 =	vadd.f32 v17, v1;
	v2 =	vadd.f32 v20, v2;
	v20 =	vmul.f32 v20, v20;
	(pc) =	sbr.rel @p0 .LBB2_4-.Ltmp1, $4  }
0x6c: {  	v17 =	vld [tilespmem:s14+$0x4430];
	v10 =	vadd.f32 v16, v10;
	v3 =	vadd.f32 v19, v3;
	v19 =	vmul.f32 v19, v19  }
0x6d: {  	v16 =	vld [tilespmem:s14+$0x4440];
	v14 =	vadd.f32 v23, v14;
	v23 =	vmul.f32 v23, v23;
	v15 =	vadd.f32 v20, v15  }
0x6e: {  	v11 =	vadd.f32 v21, v11;
	v21 =	vmul.f32 v21, v21;
	v20 =	vld [tilespmem:s14+$0x4450];
	v0 =	vadd.f32 v19, v0  }
0x6f: {  	v12 =	vadd.f32 v22, v12;
	v22 =	vmul.f32 v22, v22;
	v19 =	vld [tilespmem:s14+$0x4460];
	s14 =	sshra.s32 s15, $0x2;
	s15 =	sadd.s32 $0x200, s15;
	v13 =	vadd.f32 v23, v13  }
0x70: {  	v23 =	vld [tilespmem:s14+$0x4470]  }
0x71: {  	v24 =	vld [tilespmem:s14+$0x4400]  }
0x72: {  	v25 =	vld [tilespmem:s14+$0x4410]  }
0x73: {  	v26 =	vld [tilespmem:s14+$0x4420]  }
0x74: {  	v27 =	vld [tilespmem:s14+$0x4430]  }
0x75: {  	v28 =	vld [tilespmem:s14+$0x4440]  }
0x76: {  	v29 =	vld [tilespmem:s14+$0x4450]  }
0x77: {  	v4 =	vadd.f32 v21, v4;
	v21 =	vmul.f32 v18, v18;
	v30 =	vld [tilespmem:s14+$0x4460];
	_ =	swait.ge [sflag:s28], $0x4000  }
0x78: {  	v5 =	vadd.f32 v18, v5;
	v9 =	vadd.f32 v17, v9;
	v17 =	vmul.f32 v17, v17;
	[sflag:s28] =	ssyncset.done $0x0  }
0x79: {  	s15 =	simm.s32 $0x280;
	v6 =	vadd.f32 v22, v6;
	v8 =	vadd.f32 v16, v8;
	v16 =	vmul.f32 v16, v16;
	[sflag:s28] =	ssyncadd.s32 $0xFFFFC000  }
0x7a: {  	v7 =	vadd.f32 v21, v7;
	v18 =	vmul.f32 v20, v20;
	v1 =	vadd.f32 v17, v1;
	[tilespmem:s4], [sflag:$0x2] =	stream.indirect.gather [hbm4b:s2+s23], $0x80, s15, s23, $0xb8;
	[tilespmem:$0x10A00] =	vst v63  }
0x7b: {  	v2 =	vadd.f32 v20, v2;
	v10 =	vadd.f32 v16, v10;
	_ =	swait.ge [sflag:s10], $0x4000  }
0x7c: {  	v3 =	vadd.f32 v19, v3;
	v16 =	vmul.f32 v19, v19;
	v15 =	vadd.f32 v18, v15;
	[sflag:s10] =	ssyncset.done $0x0  }
0x7d: {  	s26 =	simm.s32 $0x0;
	v14 =	vadd.f32 v23, v14;
	v17 =	vmul.f32 v23, v23;
	v11 =	vadd.f32 v24, v11;
	s15 =	rddreg [dreg:$0xa];
	[sflag:s10] =	ssyncadd.s32 $0xFFFFC000  }
0x7e: {  	v18 =	vmul.f32 v24, v24;
	v12 =	vadd.f32 v25, v12;
	v5 =	vadd.f32 v26, v5;
	[hbm4b:s15+s26] =	stream.linear.scatter [tilespmem:s7], [sflag:$0x7], $0x4000, $0x38;
	[tilespmem:$0x10A00] =	vst v63  }
0x7f: {  	v9 =	vadd.f32 v27, v9;
	v0 =	vadd.f32 v16, v0;
	v16 =	vmul.f32 v25, v25;
	s26 =	simm.s32 $0x0  }
0x80: {  	v8 =	vadd.f32 v28, v8;
	v13 =	vadd.f32 v17, v13;
	v17 =	vmul.f32 v26, v26;
	v19 =	vld [tilespmem:s26+$0x8470]  }
0x81: {  	v2 =	vadd.f32 v29, v2;
	v6 =	vadd.f32 v16, v6;
	v16 =	vmul.f32 v27, v27;
	v20 =	vld [tilespmem:s26+$0x8400]  }
0x82: {  	v21 =	vmul.f32 v30, v30;
	v22 =	vld [tilespmem:s26+$0x8410];
	v7 =	vadd.f32 v17, v7;
	v17 =	vmul.f32 v28, v28  }
0x83: {  	v4 =	vadd.f32 v18, v4;
	v18 =	vld [tilespmem:s26+$0x8420];
	v1 =	vadd.f32 v16, v1;
	v16 =	vmul.f32 v29, v29  }
0x84: {  	v3 =	vadd.f32 v30, v3;
	v10 =	vadd.f32 v17, v10;
	v17 =	vld [tilespmem:s26+$0x8430]  }
0x85: {  	v0 =	vadd.f32 v21, v0;
	v15 =	vadd.f32 v16, v15;
	v16 =	vld [tilespmem:s26+$0x8440];
	v23 =	vmul.f32 v19, v19  }
0x86: {  	v14 =	vadd.f32 v19, v14;
	v11 =	vadd.f32 v20, v11;
	v21 =	vmul.f32 v20, v20;
	v20 =	vld [tilespmem:s26+$0x8450]  }
0x87: {  	s14 =	simm.s32 $0x80;
	s15 =	simm.s32 $0x400;
	v12 =	vadd.f32 v22, v12;
	v22 =	vmul.f32 v22, v22;
	v19 =	vld [tilespmem:s26+$0x8460];
	v13 =	vadd.f32 v23, v13  }
.LBB2_6:
0x88: {  	p0 =	sne.s32 s15, $0xFE00;
	v23 =	vld [tilespmem:s14+$0x8470];
	v4 =	vadd.f32 v21, v4;
	v5 =	vadd.f32 v18, v5;
	v18 =	vmul.f32 v18, v18  }
0x89: {  	v21 =	vld [tilespmem:s14+$0x8400];
	v6 =	vadd.f32 v22, v6;
	v9 =	vadd.f32 v17, v9;
	v17 =	vmul.f32 v17, v17  }
0x8a: {  	v22 =	vld [tilespmem:s14+$0x8410];
	v7 =	vadd.f32 v18, v7;
	v8 =	vadd.f32 v16, v8;
	v16 =	vmul.f32 v16, v16  }
.Ltmp2:
0x8b: {  	v18 =	vld [tilespmem:s14+$0x8420];
	v1 =	vadd.f32 v17, v1;
	v2 =	vadd.f32 v20, v2;
	v20 =	vmul.f32 v20, v20;
	(pc) =	sbr.rel @p0 .LBB2_6-.Ltmp2, $4  }
0x8c: {  	v17 =	vld [tilespmem:s14+$0x8430];
	v10 =	vadd.f32 v16, v10;
	v3 =	vadd.f32 v19, v3;
	v19 =	vmul.f32 v19, v19  }
0x8d: {  	v16 =	vld [tilespmem:s14+$0x8440];
	v14 =	vadd.f32 v23, v14;
	v23 =	vmul.f32 v23, v23;
	v15 =	vadd.f32 v20, v15  }
0x8e: {  	v11 =	vadd.f32 v21, v11;
	v21 =	vmul.f32 v21, v21;
	v20 =	vld [tilespmem:s14+$0x8450];
	v0 =	vadd.f32 v19, v0  }
0x8f: {  	v12 =	vadd.f32 v22, v12;
	v22 =	vmul.f32 v22, v22;
	v19 =	vld [tilespmem:s14+$0x8460];
	s14 =	sshra.s32 s15, $0x2;
	s15 =	sadd.s32 $0x200, s15;
	v13 =	vadd.f32 v23, v13  }
0x90: {  	v23 =	vld [tilespmem:s14+$0x8470]  }
0x91: {  	v24 =	vld [tilespmem:s14+$0x8400]  }
0x92: {  	v25 =	vld [tilespmem:s14+$0x8410]  }
0x93: {  	v26 =	vld [tilespmem:s14+$0x8420]  }
0x94: {  	v27 =	vld [tilespmem:s14+$0x8430]  }
0x95: {  	v28 =	vld [tilespmem:s14+$0x8440]  }
0x96: {  	v29 =	vld [tilespmem:s14+$0x8450]  }
0x97: {  	v4 =	vadd.f32 v21, v4;
	v21 =	vmul.f32 v18, v18;
	v30 =	vld [tilespmem:s14+$0x8460];
	_ =	swait.ge [sflag:s11], $0x4000  }
0x98: {  	v5 =	vadd.f32 v18, v5;
	v9 =	vadd.f32 v17, v9;
	v17 =	vmul.f32 v17, v17;
	[sflag:s11] =	ssyncset.done $0x0  }
0x99: {  	s15 =	simm.s32 $0x300;
	v6 =	vadd.f32 v22, v6;
	v18 =	vadd.f32 v16, v8;
	v8 =	vmul.f32 v16, v16;
	[sflag:s11] =	ssyncadd.s32 $0xFFFFC000  }
0x9a: {  	v7 =	vadd.f32 v21, v7;
	v16 =	vmul.f32 v20, v20;
	v1 =	vadd.f32 v17, v1;
	[tilespmem:s7], [sflag:$0x3] =	stream.indirect.gather [hbm4b:s2+s23], $0x80, s15, s23, $0xb8;
	[tilespmem:$0x10A00] =	vst v63  }
0x9b: {  	v2 =	vadd.f32 v20, v2;
	v10 =	vadd.f32 v8, v10;
	_ =	swait.ge [sflag:s30], $0x4000  }
0x9c: {  	v15 =	vadd.f32 v16, v15;
	v16 =	vadd.f32 v19, v3;
	v3 =	vmul.f32 v19, v19;
	[sflag:s30] =	ssyncset.done $0x0  }
0x9d: {  	s26 =	simm.s32 $0x0;
	v14 =	vadd.f32 v23, v14;
	v8 =	vmul.f32 v23, v23;
	v19 =	vadd.f32 v24, v11;
	s15 =	rddreg [dreg:$0xb];
	[sflag:s30] =	ssyncadd.s32 $0xFFFFC000  }
0x9e: {  	v11 =	vmul.f32 v24, v24;
	v22 =	vadd.f32 v25, v12;
	v9 =	vadd.f32 v27, v9;
	[hbm4b:s15+s26] =	stream.linear.scatter [tilespmem:s8], [sflag:$0x8], $0x4000, $0x38;
	[tilespmem:$0x10A00] =	vst v63  }
0x9f: {  	v20 =	vadd.f32 v3, v0;
	v3 =	vmul.f32 v25, v25;
	v23 =	vadd.f32 v8, v13;
	s26 =	simm.s32 $0x0  }
0xa0: {  	v0 =	vadd.f32 v11, v4;
	v4 =	vmul.f32 v26, v26;
	v8 =	vadd.f32 v26, v5;
	v12 =	vld [tilespmem:s26+$0xC470]  }
0xa1: {  	v5 =	vmul.f32 v27, v27;
	v11 =	vmul.f32 v28, v28;
	v21 =	vld [tilespmem:s26+$0xC400];
	v3 =	vadd.f32 v3, v6  }
0xa2: {  	v13 =	vmul.f32 v30, v30;
	v63 =	vld [tilespmem:s26+$0xC410];
	v4 =	vadd.f32 v4, v7;
	v6 =	vadd.f32 v28, v18  }
0xa3: {  	v5 =	vadd.f32 v5, v1;
	v7 =	vadd.f32 v29, v2;
	v1 =	vmul.f32 v29, v29;
	v18 =	vld [tilespmem:s26+$0xC420]  }
0xa4: {  	v17 =	vld [tilespmem:s26+$0xC430];
	v10 =	vadd.f32 v11, v10;
	v11 =	vadd.f32 v30, v16  }
0xa5: {  	v16 =	vld [tilespmem:s26+$0xC440];
	v2 =	vadd.f32 v1, v15;
	v1 =	vadd.f32 v13, v20;
	v15 =	vmul.f32 v12, v12  }
0xa6: {  	v13 =	vadd.f32 v12, v14;
	v12 =	vadd.f32 v21, v19;
	v21 =	vmul.f32 v21, v21;
	v19 =	vld [tilespmem:s26+$0xC450]  }
0xa7: {  	s14 =	simm.s32 $0x80;
	s15 =	simm.s32 $0x400;
	v20 =	vld [tilespmem:s26+$0xC460];
	v14 =	vadd.f32 v63, v22;
	v22 =	vmul.f32 v63, v63;
	v15 =	vadd.f32 v15, v23  }
.LBB2_8:
0xa8: {  	p0 =	sne.s32 s15, $0xFE00;
	v23 =	vld [tilespmem:s14+$0xC470];
	v0 =	vadd.f32 v21, v0;
	v8 =	vadd.f32 v18, v8;
	v18 =	vmul.f32 v18, v18  }
0xa9: {  	v21 =	vld [tilespmem:s14+$0xC400];
	v3 =	vadd.f32 v22, v3;
	v9 =	vadd.f32 v17, v9;
	v17 =	vmul.f32 v17, v17  }
0xaa: {  	v22 =	vld [tilespmem:s14+$0xC410];
	v4 =	vadd.f32 v18, v4;
	v6 =	vadd.f32 v16, v6;
	v16 =	vmul.f32 v16, v16  }
.Ltmp3:
0xab: {  	v18 =	vld [tilespmem:s14+$0xC420];
	v5 =	vadd.f32 v17, v5;
	v7 =	vadd.f32 v19, v7;
	v19 =	vmul.f32 v19, v19;
	(pc) =	sbr.rel @p0 .LBB2_8-.Ltmp3, $4  }
0xac: {  	v17 =	vld [tilespmem:s14+$0xC430];
	v10 =	vadd.f32 v16, v10;
	v11 =	vadd.f32 v20, v11;
	v20 =	vmul.f32 v20, v20  }
0xad: {  	v16 =	vld [tilespmem:s14+$0xC440];
	v13 =	vadd.f32 v23, v13;
	v23 =	vmul.f32 v23, v23;
	v2 =	vadd.f32 v19, v2  }
0xae: {  	v12 =	vadd.f32 v21, v12;
	v21 =	vmul.f32 v21, v21;
	v19 =	vld [tilespmem:s14+$0xC450];
	v1 =	vadd.f32 v20, v1  }
0xaf: {  	v14 =	vadd.f32 v22, v14;
	v22 =	vmul.f32 v22, v22;
	v20 =	vld [tilespmem:s14+$0xC460];
	s14 =	sshra.s32 s15, $0x2;
	s15 =	sadd.s32 $0x200, s15;
	v15 =	vadd.f32 v23, v15  }
0xb0: {  	v23 =	vld [tilespmem:s14+$0xC470]  }
0xb1: {  	v24 =	vld [tilespmem:s14+$0xC400]  }
0xb2: {  	v25 =	vld [tilespmem:s14+$0xC410]  }
0xb3: {  	v26 =	vld [tilespmem:s14+$0xC420]  }
0xb4: {  	v27 =	vld [tilespmem:s14+$0xC430]  }
0xb5: {  	v28 =	vld [tilespmem:s14+$0xC440];
	v21 =	vadd.f32 v21, v0;
	v8 =	vadd.f32 v18, v8;
	v0 =	vmul.f32 v18, v18  }
0xb6: {  	v29 =	vld [tilespmem:s14+$0xC450];
	v3 =	vadd.f32 v22, v3;
	v9 =	vadd.f32 v17, v9;
	v17 =	vmul.f32 v17, v17  }
0xb7: {  	v30 =	vld [tilespmem:s14+$0xC460];
	_ =	swait.ge [sflag:s12], $0x4000;
	v4 =	vadd.f32 v0, v4;
	v6 =	vadd.f32 v16, v6;
	v0 =	vmul.f32 v16, v16  }
0xb8: {  	v31 =	vimm.f32 $0.0e+00;
	[sflag:s12] =	ssyncset.done $0x0;
	v5 =	vadd.f32 v17, v5;
	v7 =	vadd.f32 v19, v7  }
0xb9: {  	[sflag:s12] =	ssyncadd.s32 $0xFFFFC000;
	v16 =	vmul.f32 v19, v19;
	v17 =	vadd.f32 v0, v10;
	v18 =	vadd.f32 v20, v11  }
0xba: {  	[tilespmem:s8], [sflag:$0x4] =	stream.indirect.gather [hbm4b:s2+s23], $0x80, s31, s23, $0xb8;
	v10 =	vmul.f32 v20, v20;
	v0 =	vadd.f32 v23, v13;
	v11 =	vmul.f32 v23, v23;
	[tilespmem:$0x10A00] =	vst v63  }
0xbb: {  	_ =	swait.ge [sflag:s9], $0x4000;
	v16 =	vadd.f32 v16, v2;
	v13 =	vadd.f32 v24, v12;
	v2 =	vmul.f32 v24, v24  }
0xbc: {  	[sflag:s9] =	ssyncset.done $0x0;
	v12 =	vadd.f32 v25, v14;
	v14 =	vmul.f32 v25, v25;
	v6 =	vadd.f32 v28, v6  }
0xbd: {  	s26 =	simm.s32 $0x0;
	s15 =	rddreg [dreg:$0xc];
	v24 =	vimm.f32 $0.0e+00;
	[sflag:s9] =	ssyncadd.s32 $0xFFFFC000;
	v19 =	vadd.f32 v10, v1;
	v10 =	vadd.f32 v26, v8  }
0xbe: {  	v25 =	vimm.f32 $0.0e+00;
	v8 =	vadd.f32 v27, v9;
	[hbm4b:s15+s26] =	stream.linear.scatter [tilespmem:s29], [sflag:$0x5], $0x4000, $0x38;
	v1 =	vadd.f32 v11, v15;
	[tilespmem:$0x10A00] =	vst v63  }
0xbf: {  	v15 =	vadd.f32 v2, v21;
	v2 =	vmul.f32 v26, v26;
	s26 =	simm.s32 $0x0;
	v14 =	vadd.f32 v14, v3  }
0xc0: {  	v3 =	vmul.f32 v27, v27;
	v21 =	vmul.f32 v30, v30;
	v27 =	vimm.f32 $0.0e+00;
	v20 =	vld [tilespmem:s26+$0x470]  }
0xc1: {  	v26 =	vimm.f32 $0.0e+00;
	v22 =	vld [tilespmem:s26+$0x400];
	v11 =	vadd.f32 v2, v4;
	v2 =	vmul.f32 v28, v28  }
0xc2: {  	v23 =	vld [tilespmem:s26+$0x410];
	v9 =	vadd.f32 v3, v5;
	v4 =	vadd.f32 v29, v7;
	v3 =	vmul.f32 v29, v29  }
0xc3: {  	v29 =	vimm.f32 $0.0e+00;
	v28 =	vimm.f32 $0.0e+00;
	v7 =	vadd.f32 v2, v17  }
0xc4: {  	v32 =	vld [tilespmem:s26+$0x420];
	v5 =	vadd.f32 v3, v16;
	v3 =	vadd.f32 v21, v19;
	v21 =	vimm.f32 $0.0e+00  }
0xc5: {  	v33 =	vld [tilespmem:s26+$0x430];
	v2 =	vadd.f32 v30, v18;
	v30 =	vimm.f32 $0.0e+00;
	v19 =	vadd.f32 v20, v21  }
0xc6: {  	v34 =	vld [tilespmem:s26+$0x440];
	v17 =	vmul.f32 v20, v20;
	v18 =	vadd.f32 v22, v21;
	v38 =	vmul.f32 v22, v22  }
0xc7: {  	v35 =	vld [tilespmem:s26+$0x450];
	v16 =	vadd.f32 v23, v21;
	v37 =	vmul.f32 v23, v23;
	v23 =	vimm.f32 $0.0e+00  }
0xc8: {  	s14 =	simm.s32 $0x80;
	s15 =	simm.s32 $0x400;
	v36 =	vld [tilespmem:s26+$0x460];
	v22 =	vimm.f32 $0.0e+00;
	v20 =	vimm.f32 $0.0e+00;
	v17 =	vadd.f32 v17, v21  }
.LBB2_10:
0xc9: {  	p0 =	sne.s32 s15, $0xFE00;
	v39 =	vld [tilespmem:s14+$0x470];
	v21 =	vadd.f32 v38, v21;
	v29 =	vadd.f32 v32, v29;
	v32 =	vmul.f32 v32, v32  }
0xca: {  	v38 =	vld [tilespmem:s14+$0x400];
	v30 =	vadd.f32 v37, v30;
	v31 =	vadd.f32 v33, v31;
	v33 =	vmul.f32 v33, v33  }
0xcb: {  	v37 =	vld [tilespmem:s14+$0x410];
	v27 =	vadd.f32 v32, v27;
	v26 =	vadd.f32 v34, v26;
	v34 =	vmul.f32 v34, v34  }
.Ltmp4:
0xcc: {  	v32 =	vld [tilespmem:s14+$0x420];
	v23 =	vadd.f32 v33, v23;
	v24 =	vadd.f32 v35, v24;
	v35 =	vmul.f32 v35, v35;
	(pc) =	sbr.rel @p0 .LBB2_10-.Ltmp4, $4  }
0xcd: {  	v33 =	vld [tilespmem:s14+$0x430];
	v22 =	vadd.f32 v34, v22;
	v25 =	vadd.f32 v36, v25;
	v36 =	vmul.f32 v36, v36  }
0xce: {  	v34 =	vld [tilespmem:s14+$0x440];
	v19 =	vadd.f32 v39, v19;
	v39 =	vmul.f32 v39, v39;
	v28 =	vadd.f32 v35, v28  }
0xcf: {  	v18 =	vadd.f32 v38, v18;
	v38 =	vmul.f32 v38, v38;
	v35 =	vld [tilespmem:s14+$0x450];
	v20 =	vadd.f32 v36, v20  }
0xd0: {  	v16 =	vadd.f32 v37, v16;
	v37 =	vmul.f32 v37, v37;
	v36 =	vld [tilespmem:s14+$0x460];
	s14 =	sshra.s32 s15, $0x2;
	s15 =	sadd.s32 $0x200, s15;
	v17 =	vadd.f32 v39, v17  }
0xd1: {  	v39 =	vld [tilespmem:s14+$0x470]  }
0xd2: {  	v40 =	vld [tilespmem:s14+$0x400]  }
0xd3: {  	v41 =	vld [tilespmem:s14+$0x410]  }
0xd4: {  	v42 =	vld [tilespmem:s14+$0x420]  }
0xd5: {  	v21 =	vadd.f32 v38, v21;
	v50 =	vmul.f32 v32, v32;
	v51 =	vld [tilespmem:s14+$0x430]  }
0xd6: {  	v29 =	vadd.f32 v32, v29;
	v53 =	vld [tilespmem:s14+$0x440];
	v30 =	vadd.f32 v37, v30;
	v52 =	vmul.f32 v33, v33  }
0xd7: {  	v43 =	vld [tilespmem:s14+$0x450];
	v31 =	vadd.f32 v33, v31;
	v27 =	vadd.f32 v50, v27;
	v54 =	vmul.f32 v34, v34  }
0xd8: {  	v44 =	vld [tilespmem:s14+$0x460];
	_ =	swait.ge [sflag:s25], $0x4000;
	v26 =	vadd.f32 v34, v26;
	v55 =	vmul.f32 v35, v35;
	v33 =	vadd.f32 v52, v23  }
0xd9: {  	[sflag:s25] =	ssyncset.done $0x0;
	v56 =	vadd.f32 v35, v24;
	v45 =	vadd.f32 v54, v22  }
0xda: {  	s26 =	simm.s32 $0x0;
	s15 =	rddreg [dreg:$0xd];
	[sflag:s25] =	ssyncadd.s32 $0xFFFFC000;
	v57 =	vadd.f32 v36, v25;
	v22 =	vmul.f32 v36, v36;
	v28 =	vadd.f32 v55, v28  }
0xdb: {  	[hbm4b:s15+s26] =	stream.linear.scatter [tilespmem:s4], [sflag:$0x6], $0x4000, $0x38;
	v58 =	vadd.f32 v39, v19;
	v19 =	vmul.f32 v39, v39;
	v59 =	vadd.f32 v40, v18;
	[tilespmem:$0x10A00] =	vst v63  }
0xdc: {  	s26 =	simm.s32 $0x0;
	v18 =	vmul.f32 v40, v40;
	v46 =	vadd.f32 v41, v16;
	v25 =	vadd.f32 v51, v31  }
0xdd: {  	v62 =	vld [tilespmem:s26+$0x4400];
	v16 =	vmul.f32 v41, v41;
	v60 =	vadd.f32 v22, v20;
	v61 =	vadd.f32 v19, v17  }
0xde: {  	v20 =	vadd.f32 v18, v21;
	v17 =	vmul.f32 v42, v42;
	v21 =	vadd.f32 v42, v29;
	v29 =	vld [tilespmem:s26+$0x4470]  }
0xdf: {  	v47 =	vld [tilespmem:s26+$0x4410];
	v24 =	vadd.f32 v53, v26;
	v22 =	vadd.f32 v16, v30;
	v16 =	vmul.f32 v51, v51  }
0xe0: {  	v19 =	vmul.f32 v53, v53;
	v18 =	vadd.f32 v43, v56;
	v23 =	vadd.f32 v17, v27  }
0xe1: {  	v34 =	vld [tilespmem:s26+$0x4420];
	v17 =	vadd.f32 v16, v33;
	v16 =	vmul.f32 v43, v43;
	v27 =	vmul.f32 v44, v44  }
0xe2: {  	v26 =	vadd.f32 v19, v45;
	v19 =	vadd.f32 v44, v57;
	v33 =	vld [tilespmem:s26+$0x4430]  }
0xe3: {  	v32 =	vld [tilespmem:s26+$0x4440];
	v31 =	vadd.f32 v16, v28;
	v16 =	vadd.f32 v27, v60;
	v63 =	vmul.f32 v29, v29  }
0xe4: {  	v36 =	vld [tilespmem:s26+$0x4450];
	v37 =	vmul.f32 v62, v62;
	v27 =	vadd.f32 v62, v59;
	v28 =	vadd.f32 v47, v46  }
0xe5: {  	s14 =	simm.s32 $0x80;
	s15 =	simm.s32 $0x400;
	v35 =	vld [tilespmem:s26+$0x4460];
	v38 =	vmul.f32 v47, v47;
	v30 =	vadd.f32 v29, v58;
	v29 =	vadd.f32 v63, v61  }
.LBB2_12:
0xe6: {  	p0 =	sne.s32 s15, $0xFE00;
	v39 =	vld [tilespmem:s14+$0x4470];
	v20 =	vadd.f32 v37, v20;
	v21 =	vadd.f32 v34, v21;
	v34 =	vmul.f32 v34, v34  }
0xe7: {  	v37 =	vld [tilespmem:s14+$0x4400];
	v22 =	vadd.f32 v38, v22;
	v25 =	vadd.f32 v33, v25;
	v33 =	vmul.f32 v33, v33  }
0xe8: {  	v38 =	vld [tilespmem:s14+$0x4410];
	v23 =	vadd.f32 v34, v23;
	v24 =	vadd.f32 v32, v24;
	v32 =	vmul.f32 v32, v32  }
.Ltmp5:
0xe9: {  	v34 =	vld [tilespmem:s14+$0x4420];
	v17 =	vadd.f32 v33, v17;
	v18 =	vadd.f32 v36, v18;
	v36 =	vmul.f32 v36, v36;
	(pc) =	sbr.rel @p0 .LBB2_12-.Ltmp5, $4  }
0xea: {  	v33 =	vld [tilespmem:s14+$0x4430];
	v26 =	vadd.f32 v32, v26;
	v19 =	vadd.f32 v35, v19;
	v35 =	vmul.f32 v35, v35  }
0xeb: {  	v32 =	vld [tilespmem:s14+$0x4440];
	v30 =	vadd.f32 v39, v30;
	v39 =	vmul.f32 v39, v39;
	v31 =	vadd.f32 v36, v31  }
0xec: {  	v27 =	vadd.f32 v37, v27;
	v37 =	vmul.f32 v37, v37;
	v36 =	vld [tilespmem:s14+$0x4450];
	v16 =	vadd.f32 v35, v16  }
0xed: {  	v28 =	vadd.f32 v38, v28;
	v38 =	vmul.f32 v38, v38;
	v35 =	vld [tilespmem:s14+$0x4460];
	s14 =	sshra.s32 s15, $0x2;
	s15 =	sadd.s32 $0x200, s15;
	v29 =	vadd.f32 v39, v29  }
0xee: {  	v39 =	vld [tilespmem:s14+$0x4470]  }
0xef: {  	v40 =	vld [tilespmem:s14+$0x4400]  }
0xf0: {  	v41 =	vld [tilespmem:s14+$0x4410]  }
0xf1: {  	v20 =	vadd.f32 v37, v20;
	v45 =	vmul.f32 v34, v34;
	v42 =	vld [tilespmem:s14+$0x4420]  }
0xf2: {  	v21 =	vadd.f32 v34, v21;
	v46 =	vld [tilespmem:s14+$0x4430];
	v22 =	vadd.f32 v38, v22;
	v47 =	vmul.f32 v33, v33  }
0xf3: {  	v48 =	vld [tilespmem:s14+$0x4440];
	v25 =	vadd.f32 v33, v25;
	v23 =	vadd.f32 v45, v23;
	v49 =	vmul.f32 v32, v32  }
0xf4: {  	v43 =	vld [tilespmem:s14+$0x4450];
	v24 =	vadd.f32 v32, v24;
	v50 =	vmul.f32 v36, v36;
	v17 =	vadd.f32 v47, v17  }
0xf5: {  	v51 =	vld [tilespmem:s14+$0x4460];
	_ =	swait.ge [sflag:s10], $0x4000;
	v18 =	vadd.f32 v36, v18;
	v26 =	vadd.f32 v49, v26  }
0xf6: {  	[sflag:s10] =	ssyncset.done $0x0;
	v19 =	vadd.f32 v35, v19;
	v52 =	vmul.f32 v35, v35;
	v31 =	vadd.f32 v50, v31  }
0xf7: {  	s26 =	simm.s32 $0x0;
	s15 =	rddreg [dreg:$0xe];
	[sflag:s10] =	ssyncadd.s32 $0xFFFFC000;
	v30 =	vadd.f32 v39, v30;
	v53 =	vmul.f32 v39, v39;
	v27 =	vadd.f32 v40, v27  }
0xf8: {  	[hbm4b:s15+s26] =	stream.linear.scatter [tilespmem:s7], [sflag:$0x7], $0x4000, $0x38;
	v54 =	vmul.f32 v40, v40;
	v28 =	vadd.f32 v41, v28;
	v55 =	vmul.f32 v41, v41;
	[tilespmem:$0x10A00] =	vst v63  }
0xf9: {  	s26 =	simm.s32 $0x0;
	v56 =	vmul.f32 v42, v42;
	v21 =	vadd.f32 v42, v21;
	v25 =	vadd.f32 v46, v25  }
0xfa: {  	v58 =	vld [tilespmem:s26+$0x8470];
	v57 =	vmul.f32 v46, v46;
	v24 =	vadd.f32 v48, v24;
	v18 =	vadd.f32 v43, v18  }
0xfb: {  	v59 =	vld [tilespmem:s26+$0x8400];
	v37 =	vmul.f32 v48, v48;
	v16 =	vadd.f32 v52, v16;
	v19 =	vadd.f32 v51, v19  }
0xfc: {  	v60 =	vld [tilespmem:s26+$0x8410];
	v61 =	vmul.f32 v43, v43;
	v29 =	vadd.f32 v53, v29;
	v20 =	vadd.f32 v54, v20  }
0xfd: {  	v34 =	vld [tilespmem:s26+$0x8420];
	v62 =	vmul.f32 v51, v51;
	v22 =	vadd.f32 v55, v22;
	v23 =	vadd.f32 v56, v23  }
0xfe: {  	v33 =	vld [tilespmem:s26+$0x8430];
	v17 =	vadd.f32 v57, v17;
	v26 =	vadd.f32 v37, v26  }
0xff: {  	v32 =	vld [tilespmem:s26+$0x8440];
	v31 =	vadd.f32 v61, v31;
	v16 =	vadd.f32 v62, v16;
	v63 =	vmul.f32 v58, v58  }
0x100: {  	v36 =	vld [tilespmem:s26+$0x8450];
	v30 =	vadd.f32 v58, v30;
	v27 =	vadd.f32 v59, v27;
	v37 =	vmul.f32 v59, v59  }
0x101: {  	s14 =	simm.s32 $0x80;
	s15 =	simm.s32 $0x400;
	v35 =	vld [tilespmem:s26+$0x8460];
	v28 =	vadd.f32 v60, v28;
	v38 =	vmul.f32 v60, v60;
	v29 =	vadd.f32 v63, v29  }
.LBB2_14:
0x102: {  	p0 =	sne.s32 s15, $0xFE00;
	v39 =	vld [tilespmem:s14+$0x8470];
	v20 =	vadd.f32 v37, v20;
	v21 =	vadd.f32 v34, v21;
	v34 =	vmul.f32 v34, v34  }
0x103: {  	v37 =	vld [tilespmem:s14+$0x8400];
	v22 =	vadd.f32 v38, v22;
	v25 =	vadd.f32 v33, v25;
	v33 =	vmul.f32 v33, v33  }
0x104: {  	v38 =	vld [tilespmem:s14+$0x8410];
	v23 =	vadd.f32 v34, v23;
	v24 =	vadd.f32 v32, v24;
	v32 =	vmul.f32 v32, v32  }
.Ltmp6:
0x105: {  	v34 =	vld [tilespmem:s14+$0x8420];
	v17 =	vadd.f32 v33, v17;
	v18 =	vadd.f32 v36, v18;
	v36 =	vmul.f32 v36, v36;
	(pc) =	sbr.rel @p0 .LBB2_14-.Ltmp6, $4  }
0x106: {  	v33 =	vld [tilespmem:s14+$0x8430];
	v26 =	vadd.f32 v32, v26;
	v19 =	vadd.f32 v35, v19;
	v35 =	vmul.f32 v35, v35  }
0x107: {  	v32 =	vld [tilespmem:s14+$0x8440];
	v30 =	vadd.f32 v39, v30;
	v39 =	vmul.f32 v39, v39;
	v31 =	vadd.f32 v36, v31  }
0x108: {  	v27 =	vadd.f32 v37, v27;
	v37 =	vmul.f32 v37, v37;
	v36 =	vld [tilespmem:s14+$0x8450];
	v16 =	vadd.f32 v35, v16  }
0x109: {  	v28 =	vadd.f32 v38, v28;
	v38 =	vmul.f32 v38, v38;
	v35 =	vld [tilespmem:s14+$0x8460];
	s14 =	sshra.s32 s15, $0x2;
	s15 =	sadd.s32 $0x200, s15;
	v29 =	vadd.f32 v39, v29  }
0x10a: {  	v39 =	vld [tilespmem:s14+$0x8470]  }
0x10b: {  	v40 =	vld [tilespmem:s14+$0x8400]  }
0x10c: {  	v41 =	vld [tilespmem:s14+$0x8410]  }
0x10d: {  	v42 =	vld [tilespmem:s14+$0x8420]  }
0x10e: {  	v52 =	vld [tilespmem:s14+$0x8430]  }
0x10f: {  	v54 =	vld [tilespmem:s14+$0x8440]  }
0x110: {  	v20 =	vadd.f32 v37, v20;
	v51 =	vmul.f32 v34, v34;
	v21 =	vadd.f32 v34, v21;
	v43 =	vld [tilespmem:s14+$0x8450]  }
0x111: {  	v57 =	vld [tilespmem:s14+$0x8460];
	_ =	swait.ge [sflag:s30], $0x4000;
	v22 =	vadd.f32 v38, v22;
	v25 =	vadd.f32 v33, v25;
	v53 =	vmul.f32 v33, v33  }
0x112: {  	[sflag:s30] =	ssyncset.done $0x0;
	v23 =	vadd.f32 v51, v23;
	v55 =	vadd.f32 v32, v24;
	v24 =	vmul.f32 v32, v32  }
0x113: {  	s26 =	simm.s32 $0x0;
	[sflag:s30] =	ssyncadd.s32 $0xFFFFC000;
	v56 =	vmul.f32 v36, v36;
	v17 =	vadd.f32 v53, v17;
	v18 =	vadd.f32 v36, v18  }
0x114: {  	[hbm4b:s16+s26] =	stream.linear.scatter [tilespmem:s8], [sflag:$0x8], $0x4000, $0x38;
	v58 =	vadd.f32 v24, v26;
	v19 =	vadd.f32 v35, v19;
	v24 =	vmul.f32 v35, v35;
	[tilespmem:$0x10A00] =	vst v63  }
0x115: {  	s26 =	simm.s32 $0x0;
	v31 =	vadd.f32 v56, v31;
	v30 =	vadd.f32 v39, v30;
	v26 =	vmul.f32 v39, v39  }
0x116: {  	v60 =	vld [tilespmem:s26+$0xC470];
	v59 =	vadd.f32 v40, v27;
	v27 =	vmul.f32 v40, v40;
	v28 =	vadd.f32 v41, v28  }
0x117: {  	v61 =	vld [tilespmem:s26+$0xC400];
	v16 =	vadd.f32 v24, v16;
	v24 =	vmul.f32 v41, v41;
	v39 =	vadd.f32 v26, v29  }
0x118: {  	v62 =	vld [tilespmem:s26+$0xC410];
	v32 =	vadd.f32 v27, v20;
	v20 =	vmul.f32 v42, v42;
	v26 =	vadd.f32 v42, v21  }
0x119: {  	v21 =	vmul.f32 v52, v52;
	v29 =	vadd.f32 v24, v22;
	v24 =	vadd.f32 v52, v25  }
0x11a: {  	v63 =	vmul.f32 v57, v57;
	v22 =	vadd.f32 v54, v55;
	v27 =	vadd.f32 v20, v23  }
0x11b: {  	v34 =	vld [tilespmem:s26+$0xC420];
	v25 =	vadd.f32 v21, v17;
	v20 =	vadd.f32 v43, v18;
	v18 =	vmul.f32 v43, v43  }
0x11c: {  	v33 =	vld [tilespmem:s26+$0xC430];
	v23 =	vmul.f32 v54, v54;
	v17 =	vadd.f32 v57, v19;
	v36 =	vadd.f32 v61, v59  }
0x11d: {  	v19 =	vmul.f32 v60, v60;
	v35 =	vadd.f32 v62, v28;
	v21 =	vadd.f32 v18, v31;
	v31 =	vld [tilespmem:s26+$0xC440]  }
0x11e: {  	v38 =	vmul.f32 v61, v61;
	v18 =	vadd.f32 v63, v16;
	v16 =	vadd.f32 v60, v30;
	v30 =	vld [tilespmem:s26+$0xC450]  }
0x11f: {  	s14 =	simm.s32 $0x80;
	s15 =	simm.s32 $0x400;
	v37 =	vmul.f32 v62, v62;
	v28 =	vld [tilespmem:s26+$0xC460];
	v23 =	vadd.f32 v23, v58;
	v19 =	vadd.f32 v19, v39  }
.LBB2_16:
0x120: {  	p0 =	sne.s32 s15, $0xFE00;
	v39 =	vld [tilespmem:s14+$0xC470];
	v32 =	vadd.f32 v38, v32;
	v26 =	vadd.f32 v34, v26;
	v34 =	vmul.f32 v34, v34  }
0x121: {  	v38 =	vld [tilespmem:s14+$0xC400];
	v29 =	vadd.f32 v37, v29;
	v24 =	vadd.f32 v33, v24;
	v33 =	vmul.f32 v33, v33  }
0x122: {  	v37 =	vld [tilespmem:s14+$0xC410];
	v27 =	vadd.f32 v34, v27;
	v22 =	vadd.f32 v31, v22;
	v31 =	vmul.f32 v31, v31  }
.Ltmp7:
0x123: {  	v34 =	vld [tilespmem:s14+$0xC420];
	v25 =	vadd.f32 v33, v25;
	v20 =	vadd.f32 v30, v20;
	v30 =	vmul.f32 v30, v30;
	(pc) =	sbr.rel @p0 .LBB2_16-.Ltmp7, $4  }
0x124: {  	v33 =	vld [tilespmem:s14+$0xC430];
	v23 =	vadd.f32 v31, v23;
	v17 =	vadd.f32 v28, v17;
	v28 =	vmul.f32 v28, v28  }
0x125: {  	v31 =	vld [tilespmem:s14+$0xC440];
	v16 =	vadd.f32 v39, v16;
	v39 =	vmul.f32 v39, v39;
	v21 =	vadd.f32 v30, v21  }
0x126: {  	v36 =	vadd.f32 v38, v36;
	v38 =	vmul.f32 v38, v38;
	v30 =	vld [tilespmem:s14+$0xC450];
	v18 =	vadd.f32 v28, v18  }
0x127: {  	v35 =	vadd.f32 v37, v35;
	v37 =	vmul.f32 v37, v37;
	v28 =	vld [tilespmem:s14+$0xC460];
	s14 =	sshra.s32 s15, $0x2;
	s15 =	sadd.s32 $0x200, s15;
	v19 =	vadd.f32 v39, v19  }
0x128: {  	v39 =	vld [tilespmem:s14+$0xC470]  }
0x129: {  	v40 =	vld [tilespmem:s14+$0xC400]  }
0x12a: {  	v41 =	vld [tilespmem:s14+$0xC410]  }
0x12b: {  	v42 =	vld [tilespmem:s14+$0xC420]  }
0x12c: {  	v43 =	vld [tilespmem:s14+$0xC430]  }
0x12d: {  	v44 =	vld [tilespmem:s14+$0xC440]  }
0x12e: {  	v45 =	vld [tilespmem:s14+$0xC450]  }
0x12f: {  	v46 =	vld [tilespmem:s14+$0xC460];
	[tilespmem:$0x10800] =	vst v13  }
0x130: {  	[tilespmem:$0x10880] =	vst v15  }
0x131: {  	[tilespmem:$0x10810] =	vst v12  }
0x132: {  	[tilespmem:$0x10890] =	vst v14  }
0x133: {  	[tilespmem:$0x10820] =	vst v10  }
0x134: {  	[tilespmem:$0x108A0] =	vst v11  }
0x135: {  	[tilespmem:$0x10830] =	vst v8  }
0x136: {  	[tilespmem:$0x108B0] =	vst v9  }
0x137: {  	[tilespmem:$0x10840] =	vst v6  }
0x138: {  	[tilespmem:$0x108C0] =	vst v7  }
0x139: {  	[tilespmem:$0x10850] =	vst v4  }
0x13a: {  	[tilespmem:$0x108D0] =	vst v5  }
0x13b: {  	[tilespmem:$0x10860] =	vst v2  }
0x13c: {  	v32 =	vadd.f32 v38, v32;
	[tilespmem:$0x108E0] =	vst v3;
	v49 =	vadd.f32 v33, v24  }
0x13d: {  	[tilespmem:$0x10870] =	vst v0;
	v52 =	vadd.f32 v31, v22;
	v36 =	vadd.f32 v40, v36  }
0x13e: {  	[tilespmem:$0x108F0] =	vst v1;
	v48 =	vmul.f32 v33, v33;
	v55 =	vadd.f32 v30, v20;
	v11 =	vadd.f32 v43, v49  }
0x13f: {  	v51 =	vmul.f32 v31, v31;
	v58 =	vadd.f32 v28, v17;
	v9 =	vadd.f32 v44, v52;
	[tilespmem:$0x10900] =	vst v36  }
0x140: {  	v10 =	vadd.f32 v48, v25;
	v62 =	vmul.f32 v40, v40;
	v7 =	vadd.f32 v45, v55;
	[tilespmem:$0x10930] =	vst v11  }
0x141: {  	v8 =	vadd.f32 v51, v23;
	v5 =	vadd.f32 v46, v58;
	[tilespmem:$0x10940] =	vst v9  }
0x142: {  	v54 =	vmul.f32 v30, v30;
	v40 =	vadd.f32 v34, v26;
	v63 =	vadd.f32 v62, v32;
	[tilespmem:$0x10950] =	vst v7  }
0x143: {  	v50 =	vmul.f32 v43, v43;
	v32 =	vadd.f32 v37, v29;
	v37 =	vadd.f32 v41, v35;
	[tilespmem:$0x10960] =	vst v5  }
0x144: {  	v57 =	vmul.f32 v28, v28;
	v53 =	vmul.f32 v44, v44;
	v47 =	vadd.f32 v42, v40;
	[tilespmem:$0x10980] =	vst v63  }
0x145: {  	v6 =	vadd.f32 v54, v21;
	v56 =	vmul.f32 v45, v45;
	v10 =	vadd.f32 v50, v10;
	[tilespmem:$0x10910] =	vst v37  }
0x146: {  	v38 =	vmul.f32 v34, v34;
	v8 =	vadd.f32 v53, v8;
	[tilespmem:$0x10920] =	vst v47  }
0x147: {  	v59 =	vmul.f32 v46, v46;
	v4 =	vadd.f32 v57, v18;
	v6 =	vadd.f32 v56, v6;
	[tilespmem:$0x109B0] =	vst v10  }
0x148: {  	v36 =	vmul.f32 v41, v41;
	v62 =	vadd.f32 v39, v16;
	[tilespmem:$0x109C0] =	vst v8  }
0x149: {  	v12 =	vadd.f32 v38, v27;
	v41 =	vmul.f32 v42, v42;
	v60 =	vadd.f32 v59, v4;
	[tilespmem:$0x109D0] =	vst v6  }
0x14a: {  	v61 =	vmul.f32 v39, v39;
	v13 =	vadd.f32 v36, v32;
	[tilespmem:$0x10970] =	vst v62  }
0x14b: {  	v12 =	vadd.f32 v41, v12;
	[tilespmem:$0x109E0] =	vst v60  }
0x14c: {  	v63 =	vadd.f32 v61, v19;
	[tilespmem:$0x10990] =	vst v13  }
0x14d: {  	[tilespmem:$0x109A0] =	vst v12  }
0x14e: {  	s26 =	simm.s32 $0x10800;
	[tilespmem:$0x109F0] =	vst v63  }
0x14f: {  	[hbm4b:s17+s5] =	stream.linear.scatter [tilespmem:s26], [sflag:$0xA], $0x200, $0x38;
	[tilespmem:$0x10A00] =	vst v63  }
0x150: {  	_ =	swait.ge [sflag:s21], $0x200  }
0x151: {  	[sflag:s21] =	ssyncset.done $0x0  }
0x152: {  	[sflag:s21] =	ssyncadd.s32 $0xFFFFFE00  }
0x153: {  	_ =	swait.ge [sflag:s13], $0x80  }
0x154: {  	[sflag:s13] =	ssyncset.done $0x0  }
0x155: {  	[sflag:s13] =	ssyncadd.s32 $0xFFFFFF80  }
0x156: {  	_ =	swait.ge [sflag:s13], $0x80  }
0x157: {  	[sflag:s13] =	ssyncset.done $0x0  }
0x158: {  	[sflag:s13] =	ssyncadd.s32 $0xFFFFFF80  }
0x159: {  	_ =	swait.ge [sflag:s13], $0x80  }
0x15a: {  	[sflag:s13] =	ssyncset.done $0x0  }
0x15b: {  	[sflag:s13] =	ssyncadd.s32 $0xFFFFFF80  }
0x15c: {  	_ =	swait.ge [sflag:s13], $0x80  }
0x15d: {  	[sflag:s13] =	ssyncset.done $0x0  }
0x15e: {  	[sflag:s13] =	ssyncadd.s32 $0xFFFFFF80  }
0x15f: {  	_ =	swait.ge [sflag:s13], $0x80  }
0x160: {  	[sflag:s13] =	ssyncset.done $0x0  }
0x161: {  	[sflag:s13] =	ssyncadd.s32 $0xFFFFFF80  }
0x162: {  	_ =	swait.ge [sflag:s13], $0x80  }
0x163: {  	[sflag:s13] =	ssyncset.done $0x0  }
0x164: {  	[sflag:s13] =	ssyncadd.s32 $0xFFFFFF80  }
0x165: {  	_ =	swait.ge [sflag:s13], $0x80  }
0x166: {  	[sflag:s13] =	ssyncset.done $0x0  }
0x167: {  	[sflag:s13] =	ssyncadd.s32 $0xFFFFFF80  }
0x168: {  	_ =	swait.ge [sflag:s13], $0x80  }
0x169: {  	[sflag:s13] =	ssyncset.done $0x0  }
0x16a: {  	s15 =	simm.s32 $0x10400;
	[sflag:s13] =	ssyncadd.s32 $0xFFFFFF80  }
0x16b: {  	[hbm4b:s18+s5] =	stream.linear.scatter [tilespmem:s15], [sflag:$0xA], $0x200, $0x38;
	[tilespmem:$0x10A00] =	vst v63  }
0x16c: {  	_ =	swait.ge [sflag:s21], $0x200  }
0x16d: {  	[sflag:s21] =	ssyncset.done $0x0  }
0x16e: {  	s26 =	simm.s32 $0x10600;
	[sflag:s21] =	ssyncadd.s32 $0xFFFFFE00  }
0x16f: {  	[hbm4b:s19+s5] =	stream.linear.scatter [tilespmem:s26], [sflag:$0xA], $0x200, $0x38;
	[tilespmem:$0x10A00] =	vst v63  }
0x170: {  	_ =	swait.ge [sflag:s21], $0x200  }
0x171: {  	[sflag:s21] =	ssyncset.done $0x0  }
0x172: {  	[sflag:s21] =	ssyncadd.s32 $0xFFFFFE00  }
0x173: {  	_ =	swait.ge [sflag:s24], $0x4000  }
0x174: {  	[sflag:s24] =	ssyncset.done $0x0  }
0x175: {  	[sflag:s24] =	ssyncadd.s32 $0xFFFFC000  }
0x176: {  	_ =	swait.ge [sflag:s28], $0x4000  }
0x177: {  	[sflag:s28] =	ssyncset.done $0x0  }
0x178: {  	s0 =	sadd.s32 $0x1, s0;
	[sflag:s28] =	ssyncadd.s32 $0xFFFFC000  }
0x179: {  	p0 =	sne.s32 s0, s20;
	_ =	swait.ge [sflag:s11], $0x4000  }
.Ltmp8:
0x17a: {  	[sflag:s11] =	ssyncset.done $0x0;
	(pc) =	sbr.rel @p0 .LBB2_1-.Ltmp8, $4  }
0x17b: {  	[sflag:s11] =	ssyncadd.s32 $0xFFFFC000  }
0x17c: {  	_ =	swait.ge [sflag:s12], $0x4000  }
0x17d: {  	[sflag:s12] =	ssyncset.done $0x0  }
0x17e: {  	[sflag:s12] =	ssyncadd.s32 $0xFFFFC000  }
0x17f: {  	_ =	sfence.sel $0x180000  }
0x180: {  	[bflag:$0x0] =	sbarrier.arrive $0xFFFF  }
0x181: {  	_ =	strace $0x90000047  }
0x182: {  	s0 =	stileid.u32;
	[bflag:$0x2] =	sbarrier.arrive $0xFFFF  }
0x183: {  	p0 =	sne.s32 s0, $0x0;
	s0 =	rddreg [dreg:$0x5]  }
0x184: {  	s0 =	sadd.s32 @!p0 $0x100000, s0  }
0x185: {  	[sflag:s0] =	ssyncadd.tile.s32 @!p0 $0x1;
	_ =	shalt  }
.Lfunc_end2:
_tile_overlayer_lowered:
.L_overlay_start_2:
0x186: {  	(tag) =	ssettag $0x2  }
0x187: {  	s0 =	rddreg [dreg:$0x0];
	s2 =	stileid.u32  }
0x188: {  	s1 =	rddreg [dreg:$0x1];
	p0 =	sne.s32 s2, $0x0  }
0x189: {  	s3 =	rddreg [dreg:$0x2];
	[bflag:$0x3] =	sbarrier.arrive $0xFFFF;
	s2 =	simm.s32 @!p0 $0x1C0A  }
0x18a: {  	[timem:s3], [sflag:s2] =	dma.local @!p0 [hbm:s0], s1  }
0x18b: {  	s0 =	simm.s32 @!p0 $0xA  }
0x18c: {  	_ =	swait.ge @!p0 [sflag:s0], s1  }
0x18d: {  	s1 =	ssub.s32 @!p0 $0x0, s1;
	[sflag:s0] =	ssyncset.done @!p0 $0x0  }
0x18e: {  	[sflag:s0] =	ssyncadd.s32 @!p0 s1  }
0x18f: {  	[bflag:$0x3] =	sbarrier.arrive $0xFFFF  }
0x190: {  	_ =	shalt  }

</sc_bundles>
